<compile_context>
chip_gen: v7x
topology: tpu7x:2x2x1
jax: 0.10.2.dev20260603
libtpu: 0.0.44.dev20260713+nightly
codegen_flags: <defaults>
</compile_context>

<pallas_src>
import functools

import jax
import jax.numpy as jnp
from jax import lax
from jax.experimental import pallas as pl
from jax.experimental.pallas import tpu as pltpu
from jax.experimental.pallas import tpu_sc as plsc

_ROUNDS = 4
_NB2 = 32
_CHUNK = 512
_L = 16


def _tc_body(inp_ref, rm_ref, m_ref):
    rmT = rm_ref[0]
    rmn = rmT / jnp.sqrt(jnp.sum(rmT * rmT, axis=1, keepdims=True))
    x = inp_ref[0]
    ss = jnp.sum(x * x, axis=1)
    nrm = jnp.maximum(jnp.sqrt(ss), 1e-12)
    xn = x / nrm[:, None]
    m_ref[0] = jax.lax.dot_general(
        rmn.astype(jnp.bfloat16), xn.astype(jnp.bfloat16),
        dimension_numbers=(((1,), (1,)), ((), ())),
        preferred_element_type=jnp.float32)


def _sc_body(m_hbm, out_hbm, m_v, o_v, *, batch, length):
    nw = 32
    wid = lax.axis_index("s") * 2 + lax.axis_index("c")
    bpw = batch // nw

    def chunk_body(ci, _):
        b = wid * bpw + ci // (length // _CHUNK)
        c = ci % (length // _CHUNK)
        pltpu.sync_copy(m_hbm.at[b, :, pl.ds(c * _CHUNK, _CHUNK)], m_v)
        tok0 = c * _CHUNK

        def group_body(g, _):
            sl = pl.ds(g * _L, _L)
            for r in range(_ROUNDS):
                v = m_v[r * _NB2, sl]
                a = jnp.abs(v)
                amax = a
                idx = jnp.where(v < 0, jnp.full((_L,), _NB2, jnp.int32),
                                jnp.zeros((_L,), jnp.int32))
                for j in range(1, _NB2):
                    v = m_v[r * _NB2 + j, sl]
                    a = jnp.abs(v)
                    kj = jnp.where(v < 0,
                                   jnp.full((_L,), j + _NB2, jnp.int32),
                                   jnp.full((_L,), j, jnp.int32))
                    gt = a > amax
                    upd = gt | ((a == amax) & (kj < idx))
                    amax = jnp.where(gt, a, amax)
                    idx = jnp.where(upd, kj, idx)
                tok = (lax.iota(jnp.int32, _L) + (tok0 + g * _L))
                o_v[r, sl] = idx * length + tok
            return 0

        lax.fori_loop(0, _CHUNK // _L, group_body, 0)
        pltpu.sync_copy(o_v, out_hbm.at[b, :, pl.ds(c * _CHUNK, _CHUNK)])
        return 0

    lax.fori_loop(0, bpw * (length // _CHUNK), chunk_body, 0)


def kernel(inp, rand_matrix, n_buckets):
    del n_buckets
    batch, length, d_k = inp.shape
    rounds, nb2 = rand_matrix.shape[2], rand_matrix.shape[3]
    rmT = rand_matrix.transpose(0, 2, 3, 1).reshape(batch, rounds * nb2, d_k)

    mT = pl.pallas_call(
        _tc_body,
        grid=(batch,),
        in_specs=[
            pl.BlockSpec((1, length, d_k), lambda b: (b, 0, 0)),
            pl.BlockSpec((1, rounds * nb2, d_k), lambda b: (b, 0, 0)),
        ],
        out_specs=pl.BlockSpec((1, rounds * nb2, length), lambda b: (b, 0, 0)),
        out_shape=jax.ShapeDtypeStruct((batch, rounds * nb2, length),
                                       jnp.float32),
        compiler_params=pltpu.CompilerParams(
            dimension_semantics=("arbitrary",),
        ),
    )(inp, rmT)

    sc = functools.partial(
        pl.kernel,
        out_type=jax.ShapeDtypeStruct((batch, rounds, length), jnp.int32),
        mesh=plsc.VectorSubcoreMesh(core_axis_name="c", subcore_axis_name="s"),
        scratch_types=[
            pltpu.VMEM((rounds * nb2, _CHUNK), jnp.float32),
            pltpu.VMEM((rounds, _CHUNK), jnp.int32),
        ],
    )(functools.partial(_sc_body, batch=batch, length=length))
    out = sc(mT)
    return out.swapaxes(1, 2)

# --- scband reference (transcript-rebuilt; emitter-appended) ---
"""Pipeline reference for scband-locality-sensitive-hash-25718264169364 (READ-ONLY COPY).

The authoritative reference and input builder live on the scoring server;
editing this copy changes nothing except your own understanding.
"""

import jax, jax.numpy as jnp
import numpy as np


def setup_inputs(seed: int = 0) -> dict:
    key = jax.random.key(seed)
    k1, k2 = jax.random.split(key)
    batch, length, d_k, rounds, n_buckets = 64, 4096, 64, 4, 64
    inp = jax.random.normal(k1, (batch, length, d_k), dtype=jnp.float32)
    # rand_matrix is generated inside forward in the torch module (random=True);
    # we materialize it here for determinism and pass it in (random=False path math).
    rand_matrix = jax.random.normal(k2, (batch, d_k, rounds, n_buckets // 2), dtype=jnp.float32)
    return {"inp": inp, "rand_matrix": rand_matrix, "n_buckets": n_buckets}


def reference(inp, rand_matrix, n_buckets):
    length = inp.shape[1]
    # F.normalize(inp, p=2, dim=-1)  (torch uses x / max(||x||, eps))
    inp_n = inp / jnp.maximum(jnp.linalg.norm(inp, ord=2, axis=-1, keepdims=True), 1e-12)
    # rand_matrix /= torch.norm(rand_matrix, dim=1, keepdim=True)
    rm = rand_matrix / jnp.linalg.norm(rand_matrix, ord=2, axis=1, keepdims=True)
    # einsum('...ij,...jkl->...ikl', inp, rand_matrix)
    matmul = jnp.einsum('bij,bjkl->bikl', inp_n, rm)
    # argmax over concat([matmul, -matmul], dim=-1)
    hashes = jnp.argmax(jnp.concatenate([matmul, -matmul], axis=-1), axis=-1).astype(jnp.int32)
    # hashes * length + arange(length) broadcast over (batch, length, rounds)
    hashes = hashes * jnp.int32(length) + jnp.arange(length, dtype=jnp.int32)[None, :, None]
    return hashes

if __name__ == "__main__":
    import jax
    _d = setup_inputs()
    print(jax.jit(kernel)(*tuple(_d.values())))

</pallas_src>

<mosaic_0001>
#map = affine_map<(d0, d1) -> (0, 0, 0)>
module attributes {stable_mosaic.version = 14 : i64} {
  func.func @_sc_body(%arg0: i32, %arg1: i32, %arg2: memref<64x128x4096xf32, #tpu.memory_space<hbm>>, %arg3: memref<64x4x4096xi32, #tpu.memory_space<hbm>>, %arg4: memref<128x512xf32, #tpu.memory_space<vmem>>, %arg5: memref<4x512xi32, #tpu.memory_space<vmem>>) attributes {dimension_semantics = [#tpu.dimension_semantics<core_parallel>, #tpu.dimension_semantics<subcore_parallel>], iteration_bounds = array<i64: 2, 16>, scalar_prefetch = 0 : i64, scratch_operands = 2 : i64, tpu.core_type = #tpu.core_type<sc_vector_subcore>, window_params = [{transform_indices = #map}, {transform_indices = #map}]} {
    %mul3A = arith.constant 2 : i32
    %mul3A_0 = arith.muli %arg1, %mul3A : i32
    %add3A = arith.addi %mul3A_0, %arg0 : i32
    %scan3A = arith.constant 0 : i32
    %scan3A_1 = arith.constant 0 : i32
    %scan3A_2 = arith.constant 16 : i32
    %scan3A_3 = arith.addi %scan3A_1, %scan3A_2 : i32
    %scan3A_4 = arith.constant 1 : i32
    %scan3A_5 = scf.for %scan3A_7 = %scan3A_1 to %scan3A_3 step %scan3A_4 iter_args(%scan3A_8 = %scan3A) -> (i32)  : i32 {
      %mul3A_9 = arith.constant 2 : i32
      %mul3A_10 = arith.muli %add3A, %mul3A_9 : i32
      %jit3A = arith.constant 8 : i32
      %div3A = arith.divsi %scan3A_7, %jit3A : i32
      %sign3A = arith.constant 0 : i32
      %sign3A_11 = arith.cmpi sgt, %scan3A_7, %sign3A : i32
      %sign3A_12 = arith.extui %sign3A_11 : i1 to i32
      %sign3A_13 = arith.constant 0 : i32
      %sign3A_14 = arith.cmpi slt, %scan3A_7, %sign3A_13 : i32
      %sign3A_15 = arith.extui %sign3A_14 : i1 to i32
      %sign3A_16 = arith.subi %sign3A_12, %sign3A_15 : i32
      %sign3A_17 = arith.constant 0 : i32
      %sign3A_18 = arith.cmpi sgt, %jit3A, %sign3A_17 : i32
      %sign3A_19 = arith.extui %sign3A_18 : i1 to i32
      %sign3A_20 = arith.constant 0 : i32
      %sign3A_21 = arith.cmpi slt, %jit3A, %sign3A_20 : i32
      %sign3A_22 = arith.extui %sign3A_21 : i1 to i32
      %sign3A_23 = arith.subi %sign3A_19, %sign3A_22 : i32
      %ne3A = arith.cmpi ne, %sign3A_16, %sign3A_23 : i32
      %rem3A = arith.remsi %scan3A_7, %jit3A : i32
      %ne3A_24 = arith.constant 0 : i32
      %ne3A_25 = arith.cmpi ne, %rem3A, %ne3A_24 : i32
      %and3A = arith.andi %ne3A, %ne3A_25 : i1
      %sub3A = arith.constant 1 : i32
      %sub3A_26 = arith.subi %div3A, %sub3A : i32
      %select_n3A = arith.select %and3A, %sub3A_26, %div3A : i32
      %add3A_27 = arith.addi %mul3A_10, %select_n3A : i32
      %jit3A_28 = arith.constant 8 : i32
      %eq3A = arith.constant 0 : i32
      %eq3A_29 = arith.cmpi eq, %jit3A_28, %eq3A : i32
      %jit3A_30 = arith.constant 1 : i32
      %select_n3A_31 = arith.select %eq3A_29, %jit3A_30, %jit3A_28 : i32
      %rem3A_32 = arith.remsi %scan3A_7, %select_n3A_31 : i32
      %ne3A_33 = arith.constant 0 : i32
      %ne3A_34 = arith.cmpi ne, %rem3A_32, %ne3A_33 : i32
      %lt3A = arith.constant 0 : i32
      %lt3A_35 = arith.cmpi slt, %rem3A_32, %lt3A : i32
      %lt3A_36 = arith.constant 0 : i32
      %lt3A_37 = arith.cmpi slt, %select_n3A_31, %lt3A_36 : i32
      %ne3A_38 = arith.xori %lt3A_35, %lt3A_37 : i1
      %and3A_39 = arith.andi %ne3A_38, %ne3A_34 : i1
      %add3A_40 = arith.addi %rem3A_32, %select_n3A_31 : i32
      %select_n3A_41 = arith.select %and3A_39, %add3A_40, %rem3A_32 : i32
      %mul3A_42 = arith.constant 512 : i32
      %mul3A_43 = arith.muli %select_n3A_41, %mul3A_42 : i32
      "tpu.region"() ({
        %run_scoped3A = tpu.sem_alloc : memref<!tpu.dma_semaphore, #tpu.memory_space<semaphore_mem>>
        %dma_start3A = arith.constant 0 : i32
        %dma_start3A_56 = tpu.memref_slice %arg2[%add3A_27, %dma_start3A, %mul3A_43] : memref<64x128x4096xf32, #tpu.memory_space<hbm>> -> memref<1x128x512xf32, #tpu.memory_space<hbm>>
        %dma_start3A_57 = tpu.memref_squeeze %dma_start3A_56 : memref<1x128x512xf32, #tpu.memory_space<hbm>> -> memref<128x512xf32, #tpu.memory_space<hbm>>
        %dma_start3A_58 = arith.constant 0 : i32
        %dma_start3A_59 = tpu.memref_slice %arg2[%add3A_27, %dma_start3A_58, %mul3A_43] : memref<64x128x4096xf32, #tpu.memory_space<hbm>> -> memref<1x128x512xf32, #tpu.memory_space<hbm>>
        %dma_start3A_60 = tpu.memref_squeeze %dma_start3A_59 : memref<1x128x512xf32, #tpu.memory_space<hbm>> -> memref<128x512xf32, #tpu.memory_space<hbm>>
        tpu.enqueue_dma source(%dma_start3A_60 : memref<128x512xf32, #tpu.memory_space<hbm>>) target(%arg4 : memref<128x512xf32, #tpu.memory_space<vmem>>) target_semaphore(%run_scoped3A : memref<!tpu.dma_semaphore, #tpu.memory_space<semaphore_mem>>)
        %dma_wait3A = arith.constant 0 : i32
        %dma_wait3A_61 = tpu.memref_slice %arg2[%add3A_27, %dma_wait3A, %mul3A_43] : memref<64x128x4096xf32, #tpu.memory_space<hbm>> -> memref<1x128x512xf32, #tpu.memory_space<hbm>>
        %dma_wait3A_62 = tpu.memref_squeeze %dma_wait3A_61 : memref<1x128x512xf32, #tpu.memory_space<hbm>> -> memref<128x512xf32, #tpu.memory_space<hbm>>
        %dma_wait3A_63 = arith.constant 0 : i32
        %dma_wait3A_64 = tpu.memref_slice %arg2[%add3A_27, %dma_wait3A_63, %mul3A_43] : memref<64x128x4096xf32, #tpu.memory_space<hbm>> -> memref<1x128x512xf32, #tpu.memory_space<hbm>>
        %dma_wait3A_65 = tpu.memref_squeeze %dma_wait3A_64 : memref<1x128x512xf32, #tpu.memory_space<hbm>> -> memref<128x512xf32, #tpu.memory_space<hbm>>
        tpu.wait_dma2 semaphore(%run_scoped3A : memref<!tpu.dma_semaphore, #tpu.memory_space<semaphore_mem>>) src(%dma_wait3A_65 : memref<128x512xf32, #tpu.memory_space<hbm>>) dst(%arg4 : memref<128x512xf32, #tpu.memory_space<vmem>>)
        tpu.yield
      }) : () -> ()
      %mul3A_44 = arith.constant 512 : i32
      %mul3A_45 = arith.muli %select_n3A_41, %mul3A_44 : i32
      %scan3A_46 = arith.constant 0 : i32
      %scan3A_47 = arith.constant 0 : i32
      %scan3A_48 = arith.constant 32 : i32
      %scan3A_49 = arith.addi %scan3A_47, %scan3A_48 : i32
      %scan3A_50 = arith.constant 1 : i32
      %scan3A_51 = scf.for %scan3A_56 = %scan3A_47 to %scan3A_49 step %scan3A_50 iter_args(%scan3A_57 = %scan3A_46) -> (i32)  : i32 {
        %mul3A_58 = arith.constant 16 : i32
        %mul3A_59 = arith.muli %scan3A_56, %mul3A_58 : i32
        %get3A = arith.constant 0 : i32
        %get3A_60 = arith.index_cast %get3A : i32 to index
        %get3A_61 = arith.index_cast %mul3A_59 : i32 to index
        %get3A_62 = tpu.vector_load %arg4[%get3A_60, %get3A_61] {strides = array<i32>} : memref<128x512xf32, #tpu.memory_space<vmem>>, vector<1x16xf32>,
        %get3A_63 = vector.shape_cast %get3A_62 : vector<1x16xf32> to vector<16xf32>
        %abs3A = math.absf %get3A_63 : vector<16xf32>
        %lt3A_64 = arith.constant 0.000000e+00 : f32
        %lt3A_65 = vector.broadcast %lt3A_64 : f32 to vector<16xf32>
        %lt3A_66 = arith.cmpf olt, %get3A_63, %lt3A_65 : vector<16xf32>
        %broadcast_in_dim3A = arith.constant 32 : i32
        %broadcast_in_dim3A_67 = vector.broadcast %broadcast_in_dim3A : i32 to vector<16xi32>
        %broadcast_in_dim3A_68 = arith.constant 0 : i32
        %broadcast_in_dim3A_69 = vector.broadcast %broadcast_in_dim3A_68 : i32 to vector<16xi32>
        %select_n3A_70 = arith.select %lt3A_66, %broadcast_in_dim3A_67, %broadcast_in_dim3A_69 : vector<16xi1>, vector<16xi32>
        %get3A_71 = arith.constant 1 : i32
        %get3A_72 = arith.index_cast %get3A_71 : i32 to index
        %get3A_73 = arith.index_cast %mul3A_59 : i32 to index
        %get3A_74 = tpu.vector_load %arg4[%get3A_72, %get3A_73] {strides = array<i32>} : memref<128x512xf32, #tpu.memory_space<vmem>>, vector<1x16xf32>,
        %get3A_75 = vector.shape_cast %get3A_74 : vector<1x16xf32> to vector<16xf32>
        %abs3A_76 = math.absf %get3A_75 : vector<16xf32>
        %lt3A_77 = arith.constant 0.000000e+00 : f32
        %lt3A_78 = vector.broadcast %lt3A_77 : f32 to vector<16xf32>
        %lt3A_79 = arith.cmpf olt, %get3A_75, %lt3A_78 : vector<16xf32>
        %broadcast_in_dim3A_80 = arith.constant 33 : i32
        %broadcast_in_dim3A_81 = vector.broadcast %broadcast_in_dim3A_80 : i32 to vector<16xi32>
        %broadcast_in_dim3A_82 = arith.constant 1 : i32
        %broadcast_in_dim3A_83 = vector.broadcast %broadcast_in_dim3A_82 : i32 to vector<16xi32>
        %select_n3A_84 = arith.select %lt3A_79, %broadcast_in_dim3A_81, %broadcast_in_dim3A_83 : vector<16xi1>, vector<16xi32>
        %gt3A = arith.cmpf ogt, %abs3A_76, %abs3A : vector<16xf32>
        %eq3A_85 = arith.cmpf oeq, %abs3A_76, %abs3A : vector<16xf32>
        %lt3A_86 = arith.cmpi slt, %select_n3A_84, %select_n3A_70 : vector<16xi32>
        %and3A_87 = arith.andi %eq3A_85, %lt3A_86 : vector<16xi1>
        %or3A = arith.ori %gt3A, %and3A_87 : vector<16xi1>
        %select_n3A_88 = arith.select %gt3A, %abs3A_76, %abs3A : vector<16xi1>, vector<16xf32>
        %select_n3A_89 = arith.select %or3A, %select_n3A_84, %select_n3A_70 : vector<16xi1>, vector<16xi32>
        %get3A_90 = arith.constant 2 : i32
        %get3A_91 = arith.index_cast %get3A_90 : i32 to index
        %get3A_92 = arith.index_cast %mul3A_59 : i32 to index
        %get3A_93 = tpu.vector_load %arg4[%get3A_91, %get3A_92] {strides = array<i32>} : memref<128x512xf32, #tpu.memory_space<vmem>>, vector<1x16xf32>,
        %get3A_94 = vector.shape_cast %get3A_93 : vector<1x16xf32> to vector<16xf32>
        %abs3A_95 = math.absf %get3A_94 : vector<16xf32>
        %lt3A_96 = arith.constant 0.000000e+00 : f32
        %lt3A_97 = vector.broadcast %lt3A_96 : f32 to vector<16xf32>
        %lt3A_98 = arith.cmpf olt, %get3A_94, %lt3A_97 : vector<16xf32>
        %broadcast_in_dim3A_99 = arith.constant 34 : i32
        %broadcast_in_dim3A_100 = vector.broadcast %broadcast_in_dim3A_99 : i32 to vector<16xi32>
        %broadcast_in_dim3A_101 = arith.constant 2 : i32
        %broadcast_in_dim3A_102 = vector.broadcast %broadcast_in_dim3A_101 : i32 to vector<16xi32>
        %select_n3A_103 = arith.select %lt3A_98, %broadcast_in_dim3A_100, %broadcast_in_dim3A_102 : vector<16xi1>, vector<16xi32>
        %gt3A_104 = arith.cmpf ogt, %abs3A_95, %select_n3A_88 : vector<16xf32>
        %eq3A_105 = arith.cmpf oeq, %abs3A_95, %select_n3A_88 : vector<16xf32>
        %lt3A_106 = arith.cmpi slt, %select_n3A_103, %select_n3A_89 : vector<16xi32>
        %and3A_107 = arith.andi %eq3A_105, %lt3A_106 : vector<16xi1>
        %or3A_108 = arith.ori %gt3A_104, %and3A_107 : vector<16xi1>
        %select_n3A_109 = arith.select %gt3A_104, %abs3A_95, %select_n3A_88 : vector<16xi1>, vector<16xf32>
        %select_n3A_110 = arith.select %or3A_108, %select_n3A_103, %select_n3A_89 : vector<16xi1>, vector<16xi32>
        %get3A_111 = arith.constant 3 : i32
        %get3A_112 = arith.index_cast %get3A_111 : i32 to index
        %get3A_113 = arith.index_cast %mul3A_59 : i32 to index
        %get3A_114 = tpu.vector_load %arg4[%get3A_112, %get3A_113] {strides = array<i32>} : memref<128x512xf32, #tpu.memory_space<vmem>>, vector<1x16xf32>,
        %get3A_115 = vector.shape_cast %get3A_114 : vector<1x16xf32> to vector<16xf32>
        %abs3A_116 = math.absf %get3A_115 : vector<16xf32>
        %lt3A_117 = arith.constant 0.000000e+00 : f32
        %lt3A_118 = vector.broadcast %lt3A_117 : f32 to vector<16xf32>
        %lt3A_119 = arith.cmpf olt, %get3A_115, %lt3A_118 : vector<16xf32>
        %broadcast_in_dim3A_120 = arith.constant 35 : i32
        %broadcast_in_dim3A_121 = vector.broadcast %broadcast_in_dim3A_120 : i32 to vector<16xi32>
        %broadcast_in_dim3A_122 = arith.constant 3 : i32
        %broadcast_in_dim3A_123 = vector.broadcast %broadcast_in_dim3A_122 : i32 to vector<16xi32>
        %select_n3A_124 = arith.select %lt3A_119, %broadcast_in_dim3A_121, %broadcast_in_dim3A_123 : vector<16xi1>, vector<16xi32>
        %gt3A_125 = arith.cmpf ogt, %abs3A_116, %select_n3A_109 : vector<16xf32>
        %eq3A_126 = arith.cmpf oeq, %abs3A_116, %select_n3A_109 : vector<16xf32>
        %lt3A_127 = arith.cmpi slt, %select_n3A_124, %select_n3A_110 : vector<16xi32>
        %and3A_128 = arith.andi %eq3A_126, %lt3A_127 : vector<16xi1>
        %or3A_129 = arith.ori %gt3A_125, %and3A_128 : vector<16xi1>
        %select_n3A_130 = arith.select %gt3A_125, %abs3A_116, %select_n3A_109 : vector<16xi1>, vector<16xf32>
        %select_n3A_131 = arith.select %or3A_129, %select_n3A_124, %select_n3A_110 : vector<16xi1>, vector<16xi32>
        %get3A_132 = arith.constant 4 : i32
        %get3A_133 = arith.index_cast %get3A_132 : i32 to index
        %get3A_134 = arith.index_cast %mul3A_59 : i32 to index
        %get3A_135 = tpu.vector_load %arg4[%get3A_133, %get3A_134] {strides = array<i32>} : memref<128x512xf32, #tpu.memory_space<vmem>>, vector<1x16xf32>,
        %get3A_136 = vector.shape_cast %get3A_135 : vector<1x16xf32> to vector<16xf32>
        %abs3A_137 = math.absf %get3A_136 : vector<16xf32>
        %lt3A_138 = arith.constant 0.000000e+00 : f32
        %lt3A_139 = vector.broadcast %lt3A_138 : f32 to vector<16xf32>
        %lt3A_140 = arith.cmpf olt, %get3A_136, %lt3A_139 : vector<16xf32>
        %broadcast_in_dim3A_141 = arith.constant 36 : i32
        %broadcast_in_dim3A_142 = vector.broadcast %broadcast_in_dim3A_141 : i32 to vector<16xi32>
        %broadcast_in_dim3A_143 = arith.constant 4 : i32
        %broadcast_in_dim3A_144 = vector.broadcast %broadcast_in_dim3A_143 : i32 to vector<16xi32>
        %select_n3A_145 = arith.select %lt3A_140, %broadcast_in_dim3A_142, %broadcast_in_dim3A_144 : vector<16xi1>, vector<16xi32>
        %gt3A_146 = arith.cmpf ogt, %abs3A_137, %select_n3A_130 : vector<16xf32>
        %eq3A_147 = arith.cmpf oeq, %abs3A_137, %select_n3A_130 : vector<16xf32>
        %lt3A_148 = arith.cmpi slt, %select_n3A_145, %select_n3A_131 : vector<16xi32>
        %and3A_149 = arith.andi %eq3A_147, %lt3A_148 : vector<16xi1>
        %or3A_150 = arith.ori %gt3A_146, %and3A_149 : vector<16xi1>
        %select_n3A_151 = arith.select %gt3A_146, %abs3A_137, %select_n3A_130 : vector<16xi1>, vector<16xf32>
        %select_n3A_152 = arith.select %or3A_150, %select_n3A_145, %select_n3A_131 : vector<16xi1>, vector<16xi32>
        %get3A_153 = arith.constant 5 : i32
        %get3A_154 = arith.index_cast %get3A_153 : i32 to index
        %get3A_155 = arith.index_cast %mul3A_59 : i32 to index
        %get3A_156 = tpu.vector_load %arg4[%get3A_154, %get3A_155] {strides = array<i32>} : memref<128x512xf32, #tpu.memory_space<vmem>>, vector<1x16xf32>,
        %get3A_157 = vector.shape_cast %get3A_156 : vector<1x16xf32> to vector<16xf32>
        %abs3A_158 = math.absf %get3A_157 : vector<16xf32>
        %lt3A_159 = arith.constant 0.000000e+00 : f32
        %lt3A_160 = vector.broadcast %lt3A_159 : f32 to vector<16xf32>
        %lt3A_161 = arith.cmpf olt, %get3A_157, %lt3A_160 : vector<16xf32>
        %broadcast_in_dim3A_162 = arith.constant 37 : i32
        %broadcast_in_dim3A_163 = vector.broadcast %broadcast_in_dim3A_162 : i32 to vector<16xi32>
        %broadcast_in_dim3A_164 = arith.constant 5 : i32
        %broadcast_in_dim3A_165 = vector.broadcast %broadcast_in_dim3A_164 : i32 to vector<16xi32>
        %select_n3A_166 = arith.select %lt3A_161, %broadcast_in_dim3A_163, %broadcast_in_dim3A_165 : vector<16xi1>, vector<16xi32>
        %gt3A_167 = arith.cmpf ogt, %abs3A_158, %select_n3A_151 : vector<16xf32>
        %eq3A_168 = arith.cmpf oeq, %abs3A_158, %select_n3A_151 : vector<16xf32>
        %lt3A_169 = arith.cmpi slt, %select_n3A_166, %select_n3A_152 : vector<16xi32>
        %and3A_170 = arith.andi %eq3A_168, %lt3A_169 : vector<16xi1>
        %or3A_171 = arith.ori %gt3A_167, %and3A_170 : vector<16xi1>
        %select_n3A_172 = arith.select %gt3A_167, %abs3A_158, %select_n3A_151 : vector<16xi1>, vector<16xf32>
        %select_n3A_173 = arith.select %or3A_171, %select_n3A_166, %select_n3A_152 : vector<16xi1>, vector<16xi32>
        %get3A_174 = arith.constant 6 : i32
        %get3A_175 = arith.index_cast %get3A_174 : i32 to index
        %get3A_176 = arith.index_cast %mul3A_59 : i32 to index
        %get3A_177 = tpu.vector_load %arg4[%get3A_175, %get3A_176] {strides = array<i32>} : memref<128x512xf32, #tpu.memory_space<vmem>>, vector<1x16xf32>,
        %get3A_178 = vector.shape_cast %get3A_177 : vector<1x16xf32> to vector<16xf32>
        %abs3A_179 = math.absf %get3A_178 : vector<16xf32>
        %lt3A_180 = arith.constant 0.000000e+00 : f32
        %lt3A_181 = vector.broadcast %lt3A_180 : f32 to vector<16xf32>
        %lt3A_182 = arith.cmpf olt, %get3A_178, %lt3A_181 : vector<16xf32>
        %broadcast_in_dim3A_183 = arith.constant 38 : i32
        %broadcast_in_dim3A_184 = vector.broadcast %broadcast_in_dim3A_183 : i32 to vector<16xi32>
        %broadcast_in_dim3A_185 = arith.constant 6 : i32
        %broadcast_in_dim3A_186 = vector.broadcast %broadcast_in_dim3A_185 : i32 to vector<16xi32>
        %select_n3A_187 = arith.select %lt3A_182, %broadcast_in_dim3A_184, %broadcast_in_dim3A_186 : vector<16xi1>, vector<16xi32>
        %gt3A_188 = arith.cmpf ogt, %abs3A_179, %select_n3A_172 : vector<16xf32>
        %eq3A_189 = arith.cmpf oeq, %abs3A_179, %select_n3A_172 : vector<16xf32>
        %lt3A_190 = arith.cmpi slt, %select_n3A_187, %select_n3A_173 : vector<16xi32>
        %and3A_191 = arith.andi %eq3A_189, %lt3A_190 : vector<16xi1>
        %or3A_192 = arith.ori %gt3A_188, %and3A_191 : vector<16xi1>
        %select_n3A_193 = arith.select %gt3A_188, %abs3A_179, %select_n3A_172 : vector<16xi1>, vector<16xf32>
        %select_n3A_194 = arith.select %or3A_192, %select_n3A_187, %select_n3A_173 : vector<16xi1>, vector<16xi32>
        %get3A_195 = arith.constant 7 : i32
        %get3A_196 = arith.index_cast %get3A_195 : i32 to index
        %get3A_197 = arith.index_cast %mul3A_59 : i32 to index
        %get3A_198 = tpu.vector_load %arg4[%get3A_196, %get3A_197] {strides = array<i32>} : memref<128x512xf32, #tpu.memory_space<vmem>>, vector<1x16xf32>,
        %get3A_199 = vector.shape_cast %get3A_198 : vector<1x16xf32> to vector<16xf32>
        %abs3A_200 = math.absf %get3A_199 : vector<16xf32>
        %lt3A_201 = arith.constant 0.000000e+00 : f32
        %lt3A_202 = vector.broadcast %lt3A_201 : f32 to vector<16xf32>
        %lt3A_203 = arith.cmpf olt, %get3A_199, %lt3A_202 : vector<16xf32>
        %broadcast_in_dim3A_204 = arith.constant 39 : i32
        %broadcast_in_dim3A_205 = vector.broadcast %broadcast_in_dim3A_204 : i32 to vector<16xi32>
        %broadcast_in_dim3A_206 = arith.constant 7 : i32
        %broadcast_in_dim3A_207 = vector.broadcast %broadcast_in_dim3A_206 : i32 to vector<16xi32>
        %select_n3A_208 = arith.select %lt3A_203, %broadcast_in_dim3A_205, %broadcast_in_dim3A_207 : vector<16xi1>, vector<16xi32>
        %gt3A_209 = arith.cmpf ogt, %abs3A_200, %select_n3A_193 : vector<16xf32>
        %eq3A_210 = arith.cmpf oeq, %abs3A_200, %select_n3A_193 : vector<16xf32>
        %lt3A_211 = arith.cmpi slt, %select_n3A_208, %select_n3A_194 : vector<16xi32>
        %and3A_212 = arith.andi %eq3A_210, %lt3A_211 : vector<16xi1>
        %or3A_213 = arith.ori %gt3A_209, %and3A_212 : vector<16xi1>
        %select_n3A_214 = arith.select %gt3A_209, %abs3A_200, %select_n3A_193 : vector<16xi1>, vector<16xf32>
        %select_n3A_215 = arith.select %or3A_213, %select_n3A_208, %select_n3A_194 : vector<16xi1>, vector<16xi32>
        %get3A_216 = arith.constant 8 : i32
        %get3A_217 = arith.index_cast %get3A_216 : i32 to index
        %get3A_218 = arith.index_cast %mul3A_59 : i32 to index
        %get3A_219 = tpu.vector_load %arg4[%get3A_217, %get3A_218] {strides = array<i32>} : memref<128x512xf32, #tpu.memory_space<vmem>>, vector<1x16xf32>,
        %get3A_220 = vector.shape_cast %get3A_219 : vector<1x16xf32> to vector<16xf32>
        %abs3A_221 = math.absf %get3A_220 : vector<16xf32>
        %lt3A_222 = arith.constant 0.000000e+00 : f32
        %lt3A_223 = vector.broadcast %lt3A_222 : f32 to vector<16xf32>
        %lt3A_224 = arith.cmpf olt, %get3A_220, %lt3A_223 : vector<16xf32>
        %broadcast_in_dim3A_225 = arith.constant 40 : i32
        %broadcast_in_dim3A_226 = vector.broadcast %broadcast_in_dim3A_225 : i32 to vector<16xi32>
        %broadcast_in_dim3A_227 = arith.constant 8 : i32
        %broadcast_in_dim3A_228 = vector.broadcast %broadcast_in_dim3A_227 : i32 to vector<16xi32>
        %select_n3A_229 = arith.select %lt3A_224, %broadcast_in_dim3A_226, %broadcast_in_dim3A_228 : vector<16xi1>, vector<16xi32>
        %gt3A_230 = arith.cmpf ogt, %abs3A_221, %select_n3A_214 : vector<16xf32>
        %eq3A_231 = arith.cmpf oeq, %abs3A_221, %select_n3A_214 : vector<16xf32>
        %lt3A_232 = arith.cmpi slt, %select_n3A_229, %select_n3A_215 : vector<16xi32>
        %and3A_233 = arith.andi %eq3A_231, %lt3A_232 : vector<16xi1>
        %or3A_234 = arith.ori %gt3A_230, %and3A_233 : vector<16xi1>
        %select_n3A_235 = arith.select %gt3A_230, %abs3A_221, %select_n3A_214 : vector<16xi1>, vector<16xf32>
        %select_n3A_236 = arith.select %or3A_234, %select_n3A_229, %select_n3A_215 : vector<16xi1>, vector<16xi32>
        %get3A_237 = arith.constant 9 : i32
        %get3A_238 = arith.index_cast %get3A_237 : i32 to index
        %get3A_239 = arith.index_cast %mul3A_59 : i32 to index
        %get3A_240 = tpu.vector_load %arg4[%get3A_238, %get3A_239] {strides = array<i32>} : memref<128x512xf32, #tpu.memory_space<vmem>>, vector<1x16xf32>,
        %get3A_241 = vector.shape_cast %get3A_240 : vector<1x16xf32> to vector<16xf32>
        %abs3A_242 = math.absf %get3A_241 : vector<16xf32>
        %lt3A_243 = arith.constant 0.000000e+00 : f32
        %lt3A_244 = vector.broadcast %lt3A_243 : f32 to vector<16xf32>
        %lt3A_245 = arith.cmpf olt, %get3A_241, %lt3A_244 : vector<16xf32>
        %broadcast_in_dim3A_246 = arith.constant 41 : i32
        %broadcast_in_dim3A_247 = vector.broadcast %broadcast_in_dim3A_246 : i32 to vector<16xi32>
        %broadcast_in_dim3A_248 = arith.constant 9 : i32
        %broadcast_in_dim3A_249 = vector.broadcast %broadcast_in_dim3A_248 : i32 to vector<16xi32>
        %select_n3A_250 = arith.select %lt3A_245, %broadcast_in_dim3A_247, %broadcast_in_dim3A_249 : vector<16xi1>, vector<16xi32>
        %gt3A_251 = arith.cmpf ogt, %abs3A_242, %select_n3A_235 : vector<16xf32>
        %eq3A_252 = arith.cmpf oeq, %abs3A_242, %select_n3A_235 : vector<16xf32>
        %lt3A_253 = arith.cmpi slt, %select_n3A_250, %select_n3A_236 : vector<16xi32>
        %and3A_254 = arith.andi %eq3A_252, %lt3A_253 : vector<16xi1>
        %or3A_255 = arith.ori %gt3A_251, %and3A_254 : vector<16xi1>
        %select_n3A_256 = arith.select %gt3A_251, %abs3A_242, %select_n3A_235 : vector<16xi1>, vector<16xf32>
        %select_n3A_257 = arith.select %or3A_255, %select_n3A_250, %select_n3A_236 : vector<16xi1>, vector<16xi32>
        %get3A_258 = arith.constant 10 : i32
        %get3A_259 = arith.index_cast %get3A_258 : i32 to index
        %get3A_260 = arith.index_cast %mul3A_59 : i32 to index
        %get3A_261 = tpu.vector_load %arg4[%get3A_259, %get3A_260] {strides = array<i32>} : memref<128x512xf32, #tpu.memory_space<vmem>>, vector<1x16xf32>,
        %get3A_262 = vector.shape_cast %get3A_261 : vector<1x16xf32> to vector<16xf32>
        %abs3A_263 = math.absf %get3A_262 : vector<16xf32>
        %lt3A_264 = arith.constant 0.000000e+00 : f32
        %lt3A_265 = vector.broadcast %lt3A_264 : f32 to vector<16xf32>
        %lt3A_266 = arith.cmpf olt, %get3A_262, %lt3A_265 : vector<16xf32>
        %broadcast_in_dim3A_267 = arith.constant 42 : i32
        %broadcast_in_dim3A_268 = vector.broadcast %broadcast_in_dim3A_267 : i32 to vector<16xi32>
        %broadcast_in_dim3A_269 = arith.constant 10 : i32
        %broadcast_in_dim3A_270 = vector.broadcast %broadcast_in_dim3A_269 : i32 to vector<16xi32>
        %select_n3A_271 = arith.select %lt3A_266, %broadcast_in_dim3A_268, %broadcast_in_dim3A_270 : vector<16xi1>, vector<16xi32>
        %gt3A_272 = arith.cmpf ogt, %abs3A_263, %select_n3A_256 : vector<16xf32>
        %eq3A_273 = arith.cmpf oeq, %abs3A_263, %select_n3A_256 : vector<16xf32>
        %lt3A_274 = arith.cmpi slt, %select_n3A_271, %select_n3A_257 : vector<16xi32>
        %and3A_275 = arith.andi %eq3A_273, %lt3A_274 : vector<16xi1>
        %or3A_276 = arith.ori %gt3A_272, %and3A_275 : vector<16xi1>
        %select_n3A_277 = arith.select %gt3A_272, %abs3A_263, %select_n3A_256 : vector<16xi1>, vector<16xf32>
        %select_n3A_278 = arith.select %or3A_276, %select_n3A_271, %select_n3A_257 : vector<16xi1>, vector<16xi32>
        %get3A_279 = arith.constant 11 : i32
        %get3A_280 = arith.index_cast %get3A_279 : i32 to index
        %get3A_281 = arith.index_cast %mul3A_59 : i32 to index
        %get3A_282 = tpu.vector_load %arg4[%get3A_280, %get3A_281] {strides = array<i32>} : memref<128x512xf32, #tpu.memory_space<vmem>>, vector<1x16xf32>,
        %get3A_283 = vector.shape_cast %get3A_282 : vector<1x16xf32> to vector<16xf32>
        %abs3A_284 = math.absf %get3A_283 : vector<16xf32>
        %lt3A_285 = arith.constant 0.000000e+00 : f32
        %lt3A_286 = vector.broadcast %lt3A_285 : f32 to vector<16xf32>
        %lt3A_287 = arith.cmpf olt, %get3A_283, %lt3A_286 : vector<16xf32>
        %broadcast_in_dim3A_288 = arith.constant 43 : i32
        %broadcast_in_dim3A_289 = vector.broadcast %broadcast_in_dim3A_288 : i32 to vector<16xi32>
        %broadcast_in_dim3A_290 = arith.constant 11 : i32
        %broadcast_in_dim3A_291 = vector.broadcast %broadcast_in_dim3A_290 : i32 to vector<16xi32>
        %select_n3A_292 = arith.select %lt3A_287, %broadcast_in_dim3A_289, %broadcast_in_dim3A_291 : vector<16xi1>, vector<16xi32>
        %gt3A_293 = arith.cmpf ogt, %abs3A_284, %select_n3A_277 : vector<16xf32>
        %eq3A_294 = arith.cmpf oeq, %abs3A_284, %select_n3A_277 : vector<16xf32>
        %lt3A_295 = arith.cmpi slt, %select_n3A_292, %select_n3A_278 : vector<16xi32>
        %and3A_296 = arith.andi %eq3A_294, %lt3A_295 : vector<16xi1>
        %or3A_297 = arith.ori %gt3A_293, %and3A_296 : vector<16xi1>
        %select_n3A_298 = arith.select %gt3A_293, %abs3A_284, %select_n3A_277 : vector<16xi1>, vector<16xf32>
        %select_n3A_299 = arith.select %or3A_297, %select_n3A_292, %select_n3A_278 : vector<16xi1>, vector<16xi32>
        %get3A_300 = arith.constant 12 : i32
        %get3A_301 = arith.index_cast %get3A_300 : i32 to index
        %get3A_302 = arith.index_cast %mul3A_59 : i32 to index
        %get3A_303 = tpu.vector_load %arg4[%get3A_301, %get3A_302] {strides = array<i32>} : memref<128x512xf32, #tpu.memory_space<vmem>>, vector<1x16xf32>,
        %get3A_304 = vector.shape_cast %get3A_303 : vector<1x16xf32> to vector<16xf32>
        %abs3A_305 = math.absf %get3A_304 : vector<16xf32>
        %lt3A_306 = arith.constant 0.000000e+00 : f32
        %lt3A_307 = vector.broadcast %lt3A_306 : f32 to vector<16xf32>
        %lt3A_308 = arith.cmpf olt, %get3A_304, %lt3A_307 : vector<16xf32>
        %broadcast_in_dim3A_309 = arith.constant 44 : i32
        %broadcast_in_dim3A_310 = vector.broadcast %broadcast_in_dim3A_309 : i32 to vector<16xi32>
        %broadcast_in_dim3A_311 = arith.constant 12 : i32
        %broadcast_in_dim3A_312 = vector.broadcast %broadcast_in_dim3A_311 : i32 to vector<16xi32>
        %select_n3A_313 = arith.select %lt3A_308, %broadcast_in_dim3A_310, %broadcast_in_dim3A_312 : vector<16xi1>, vector<16xi32>
        %gt3A_314 = arith.cmpf ogt, %abs3A_305, %select_n3A_298 : vector<16xf32>
        %eq3A_315 = arith.cmpf oeq, %abs3A_305, %select_n3A_298 : vector<16xf32>
        %lt3A_316 = arith.cmpi slt, %select_n3A_313, %select_n3A_299 : vector<16xi32>
        %and3A_317 = arith.andi %eq3A_315, %lt3A_316 : vector<16xi1>
        %or3A_318 = arith.ori %gt3A_314, %and3A_317 : vector<16xi1>
        %select_n3A_319 = arith.select %gt3A_314, %abs3A_305, %select_n3A_298 : vector<16xi1>, vector<16xf32>
        %select_n3A_320 = arith.select %or3A_318, %select_n3A_313, %select_n3A_299 : vector<16xi1>, vector<16xi32>
        %get3A_321 = arith.constant 13 : i32
        %get3A_322 = arith.index_cast %get3A_321 : i32 to index
        %get3A_323 = arith.index_cast %mul3A_59 : i32 to index
        %get3A_324 = tpu.vector_load %arg4[%get3A_322, %get3A_323] {strides = array<i32>} : memref<128x512xf32, #tpu.memory_space<vmem>>, vector<1x16xf32>,
        %get3A_325 = vector.shape_cast %get3A_324 : vector<1x16xf32> to vector<16xf32>
        %abs3A_326 = math.absf %get3A_325 : vector<16xf32>
        %lt3A_327 = arith.constant 0.000000e+00 : f32
        %lt3A_328 = vector.broadcast %lt3A_327 : f32 to vector<16xf32>
        %lt3A_329 = arith.cmpf olt, %get3A_325, %lt3A_328 : vector<16xf32>
        %broadcast_in_dim3A_330 = arith.constant 45 : i32
        %broadcast_in_dim3A_331 = vector.broadcast %broadcast_in_dim3A_330 : i32 to vector<16xi32>
        %broadcast_in_dim3A_332 = arith.constant 13 : i32
        %broadcast_in_dim3A_333 = vector.broadcast %broadcast_in_dim3A_332 : i32 to vector<16xi32>
        %select_n3A_334 = arith.select %lt3A_329, %broadcast_in_dim3A_331, %broadcast_in_dim3A_333 : vector<16xi1>, vector<16xi32>
        %gt3A_335 = arith.cmpf ogt, %abs3A_326, %select_n3A_319 : vector<16xf32>
        %eq3A_336 = arith.cmpf oeq, %abs3A_326, %select_n3A_319 : vector<16xf32>
        %lt3A_337 = arith.cmpi slt, %select_n3A_334, %select_n3A_320 : vector<16xi32>
        %and3A_338 = arith.andi %eq3A_336, %lt3A_337 : vector<16xi1>
        %or3A_339 = arith.ori %gt3A_335, %and3A_338 : vector<16xi1>
        %select_n3A_340 = arith.select %gt3A_335, %abs3A_326, %select_n3A_319 : vector<16xi1>, vector<16xf32>
        %select_n3A_341 = arith.select %or3A_339, %select_n3A_334, %select_n3A_320 : vector<16xi1>, vector<16xi32>
        %get3A_342 = arith.constant 14 : i32
        %get3A_343 = arith.index_cast %get3A_342 : i32 to index
        %get3A_344 = arith.index_cast %mul3A_59 : i32 to index
        %get3A_345 = tpu.vector_load %arg4[%get3A_343, %get3A_344] {strides = array<i32>} : memref<128x512xf32, #tpu.memory_space<vmem>>, vector<1x16xf32>,
        %get3A_346 = vector.shape_cast %get3A_345 : vector<1x16xf32> to vector<16xf32>
        %abs3A_347 = math.absf %get3A_346 : vector<16xf32>
        %lt3A_348 = arith.constant 0.000000e+00 : f32
        %lt3A_349 = vector.broadcast %lt3A_348 : f32 to vector<16xf32>
        %lt3A_350 = arith.cmpf olt, %get3A_346, %lt3A_349 : vector<16xf32>
        %broadcast_in_dim3A_351 = arith.constant 46 : i32
        %broadcast_in_dim3A_352 = vector.broadcast %broadcast_in_dim3A_351 : i32 to vector<16xi32>
        %broadcast_in_dim3A_353 = arith.constant 14 : i32
        %broadcast_in_dim3A_354 = vector.broadcast %broadcast_in_dim3A_353 : i32 to vector<16xi32>
        %select_n3A_355 = arith.select %lt3A_350, %broadcast_in_dim3A_352, %broadcast_in_dim3A_354 : vector<16xi1>, vector<16xi32>
        %gt3A_356 = arith.cmpf ogt, %abs3A_347, %select_n3A_340 : vector<16xf32>
        %eq3A_357 = arith.cmpf oeq, %abs3A_347, %select_n3A_340 : vector<16xf32>
        %lt3A_358 = arith.cmpi slt, %select_n3A_355, %select_n3A_341 : vector<16xi32>
        %and3A_359 = arith.andi %eq3A_357, %lt3A_358 : vector<16xi1>
        %or3A_360 = arith.ori %gt3A_356, %and3A_359 : vector<16xi1>
        %select_n3A_361 = arith.select %gt3A_356, %abs3A_347, %select_n3A_340 : vector<16xi1>, vector<16xf32>
        %select_n3A_362 = arith.select %or3A_360, %select_n3A_355, %select_n3A_341 : vector<16xi1>, vector<16xi32>
        %get3A_363 = arith.constant 15 : i32
        %get3A_364 = arith.index_cast %get3A_363 : i32 to index
        %get3A_365 = arith.index_cast %mul3A_59 : i32 to index
        %get3A_366 = tpu.vector_load %arg4[%get3A_364, %get3A_365] {strides = array<i32>} : memref<128x512xf32, #tpu.memory_space<vmem>>, vector<1x16xf32>,
        %get3A_367 = vector.shape_cast %get3A_366 : vector<1x16xf32> to vector<16xf32>
        %abs3A_368 = math.absf %get3A_367 : vector<16xf32>
        %lt3A_369 = arith.constant 0.000000e+00 : f32
        %lt3A_370 = vector.broadcast %lt3A_369 : f32 to vector<16xf32>
        %lt3A_371 = arith.cmpf olt, %get3A_367, %lt3A_370 : vector<16xf32>
        %broadcast_in_dim3A_372 = arith.constant 47 : i32
        %broadcast_in_dim3A_373 = vector.broadcast %broadcast_in_dim3A_372 : i32 to vector<16xi32>
        %broadcast_in_dim3A_374 = arith.constant 15 : i32
        %broadcast_in_dim3A_375 = vector.broadcast %broadcast_in_dim3A_374 : i32 to vector<16xi32>
        %select_n3A_376 = arith.select %lt3A_371, %broadcast_in_dim3A_373, %broadcast_in_dim3A_375 : vector<16xi1>, vector<16xi32>
        %gt3A_377 = arith.cmpf ogt, %abs3A_368, %select_n3A_361 : vector<16xf32>
        %eq3A_378 = arith.cmpf oeq, %abs3A_368, %select_n3A_361 : vector<16xf32>
        %lt3A_379 = arith.cmpi slt, %select_n3A_376, %select_n3A_362 : vector<16xi32>
        %and3A_380 = arith.andi %eq3A_378, %lt3A_379 : vector<16xi1>
        %or3A_381 = arith.ori %gt3A_377, %and3A_380 : vector<16xi1>
        %select_n3A_382 = arith.select %gt3A_377, %abs3A_368, %select_n3A_361 : vector<16xi1>, vector<16xf32>
        %select_n3A_383 = arith.select %or3A_381, %select_n3A_376, %select_n3A_362 : vector<16xi1>, vector<16xi32>
        %get3A_384 = arith.constant 16 : i32
        %get3A_385 = arith.index_cast %get3A_384 : i32 to index
        %get3A_386 = arith.index_cast %mul3A_59 : i32 to index
        %get3A_387 = tpu.vector_load %arg4[%get3A_385, %get3A_386] {strides = array<i32>} : memref<128x512xf32, #tpu.memory_space<vmem>>, vector<1x16xf32>,
        %get3A_388 = vector.shape_cast %get3A_387 : vector<1x16xf32> to vector<16xf32>
        %abs3A_389 = math.absf %get3A_388 : vector<16xf32>
        %lt3A_390 = arith.constant 0.000000e+00 : f32
        %lt3A_391 = vector.broadcast %lt3A_390 : f32 to vector<16xf32>
        %lt3A_392 = arith.cmpf olt, %get3A_388, %lt3A_391 : vector<16xf32>
        %broadcast_in_dim3A_393 = arith.constant 48 : i32
        %broadcast_in_dim3A_394 = vector.broadcast %broadcast_in_dim3A_393 : i32 to vector<16xi32>
        %broadcast_in_dim3A_395 = arith.constant 16 : i32
        %broadcast_in_dim3A_396 = vector.broadcast %broadcast_in_dim3A_395 : i32 to vector<16xi32>
        %select_n3A_397 = arith.select %lt3A_392, %broadcast_in_dim3A_394, %broadcast_in_dim3A_396 : vector<16xi1>, vector<16xi32>
        %gt3A_398 = arith.cmpf ogt, %abs3A_389, %select_n3A_382 : vector<16xf32>
        %eq3A_399 = arith.cmpf oeq, %abs3A_389, %select_n3A_382 : vector<16xf32>
        %lt3A_400 = arith.cmpi slt, %select_n3A_397, %select_n3A_383 : vector<16xi32>
        %and3A_401 = arith.andi %eq3A_399, %lt3A_400 : vector<16xi1>
        %or3A_402 = arith.ori %gt3A_398, %and3A_401 : vector<16xi1>
        %select_n3A_403 = arith.select %gt3A_398, %abs3A_389, %select_n3A_382 : vector<16xi1>, vector<16xf32>
        %select_n3A_404 = arith.select %or3A_402, %select_n3A_397, %select_n3A_383 : vector<16xi1>, vector<16xi32>
        %get3A_405 = arith.constant 17 : i32
        %get3A_406 = arith.index_cast %get3A_405 : i32 to index
        %get3A_407 = arith.index_cast %mul3A_59 : i32 to index
        %get3A_408 = tpu.vector_load %arg4[%get3A_406, %get3A_407] {strides = array<i32>} : memref<128x512xf32, #tpu.memory_space<vmem>>, vector<1x16xf32>,
        %get3A_409 = vector.shape_cast %get3A_408 : vector<1x16xf32> to vector<16xf32>
        %abs3A_410 = math.absf %get3A_409 : vector<16xf32>
        %lt3A_411 = arith.constant 0.000000e+00 : f32
        %lt3A_412 = vector.broadcast %lt3A_411 : f32 to vector<16xf32>
        %lt3A_413 = arith.cmpf olt, %get3A_409, %lt3A_412 : vector<16xf32>
        %broadcast_in_dim3A_414 = arith.constant 49 : i32
        %broadcast_in_dim3A_415 = vector.broadcast %broadcast_in_dim3A_414 : i32 to vector<16xi32>
        %broadcast_in_dim3A_416 = arith.constant 17 : i32
        %broadcast_in_dim3A_417 = vector.broadcast %broadcast_in_dim3A_416 : i32 to vector<16xi32>
        %select_n3A_418 = arith.select %lt3A_413, %broadcast_in_dim3A_415, %broadcast_in_dim3A_417 : vector<16xi1>, vector<16xi32>
        %gt3A_419 = arith.cmpf ogt, %abs3A_410, %select_n3A_403 : vector<16xf32>
        %eq3A_420 = arith.cmpf oeq, %abs3A_410, %select_n3A_403 : vector<16xf32>
        %lt3A_421 = arith.cmpi slt, %select_n3A_418, %select_n3A_404 : vector<16xi32>
        %and3A_422 = arith.andi %eq3A_420, %lt3A_421 : vector<16xi1>
        %or3A_423 = arith.ori %gt3A_419, %and3A_422 : vector<16xi1>
        %select_n3A_424 = arith.select %gt3A_419, %abs3A_410, %select_n3A_403 : vector<16xi1>, vector<16xf32>
        %select_n3A_425 = arith.select %or3A_423, %select_n3A_418, %select_n3A_404 : vector<16xi1>, vector<16xi32>
        %get3A_426 = arith.constant 18 : i32
        %get3A_427 = arith.index_cast %get3A_426 : i32 to index
        %get3A_428 = arith.index_cast %mul3A_59 : i32 to index
        %get3A_429 = tpu.vector_load %arg4[%get3A_427, %get3A_428] {strides = array<i32>} : memref<128x512xf32, #tpu.memory_space<vmem>>, vector<1x16xf32>,
        %get3A_430 = vector.shape_cast %get3A_429 : vector<1x16xf32> to vector<16xf32>
        %abs3A_431 = math.absf %get3A_430 : vector<16xf32>
        %lt3A_432 = arith.constant 0.000000e+00 : f32
        %lt3A_433 = vector.broadcast %lt3A_432 : f32 to vector<16xf32>
        %lt3A_434 = arith.cmpf olt, %get3A_430, %lt3A_433 : vector<16xf32>
        %broadcast_in_dim3A_435 = arith.constant 50 : i32
        %broadcast_in_dim3A_436 = vector.broadcast %broadcast_in_dim3A_435 : i32 to vector<16xi32>
        %broadcast_in_dim3A_437 = arith.constant 18 : i32
        %broadcast_in_dim3A_438 = vector.broadcast %broadcast_in_dim3A_437 : i32 to vector<16xi32>
        %select_n3A_439 = arith.select %lt3A_434, %broadcast_in_dim3A_436, %broadcast_in_dim3A_438 : vector<16xi1>, vector<16xi32>
        %gt3A_440 = arith.cmpf ogt, %abs3A_431, %select_n3A_424 : vector<16xf32>
        %eq3A_441 = arith.cmpf oeq, %abs3A_431, %select_n3A_424 : vector<16xf32>
        %lt3A_442 = arith.cmpi slt, %select_n3A_439, %select_n3A_425 : vector<16xi32>
        %and3A_443 = arith.andi %eq3A_441, %lt3A_442 : vector<16xi1>
        %or3A_444 = arith.ori %gt3A_440, %and3A_443 : vector<16xi1>
        %select_n3A_445 = arith.select %gt3A_440, %abs3A_431, %select_n3A_424 : vector<16xi1>, vector<16xf32>
        %select_n3A_446 = arith.select %or3A_444, %select_n3A_439, %select_n3A_425 : vector<16xi1>, vector<16xi32>
        %get3A_447 = arith.constant 19 : i32
        %get3A_448 = arith.index_cast %get3A_447 : i32 to index
        %get3A_449 = arith.index_cast %mul3A_59 : i32 to index
        %get3A_450 = tpu.vector_load %arg4[%get3A_448, %get3A_449] {strides = array<i32>} : memref<128x512xf32, #tpu.memory_space<vmem>>, vector<1x16xf32>,
        %get3A_451 = vector.shape_cast %get3A_450 : vector<1x16xf32> to vector<16xf32>
        %abs3A_452 = math.absf %get3A_451 : vector<16xf32>
        %lt3A_453 = arith.constant 0.000000e+00 : f32
        %lt3A_454 = vector.broadcast %lt3A_453 : f32 to vector<16xf32>
        %lt3A_455 = arith.cmpf olt, %get3A_451, %lt3A_454 : vector<16xf32>
        %broadcast_in_dim3A_456 = arith.constant 51 : i32
        %broadcast_in_dim3A_457 = vector.broadcast %broadcast_in_dim3A_456 : i32 to vector<16xi32>
        %broadcast_in_dim3A_458 = arith.constant 19 : i32
        %broadcast_in_dim3A_459 = vector.broadcast %broadcast_in_dim3A_458 : i32 to vector<16xi32>
        %select_n3A_460 = arith.select %lt3A_455, %broadcast_in_dim3A_457, %broadcast_in_dim3A_459 : vector<16xi1>, vector<16xi32>
        %gt3A_461 = arith.cmpf ogt, %abs3A_452, %select_n3A_445 : vector<16xf32>
        %eq3A_462 = arith.cmpf oeq, %abs3A_452, %select_n3A_445 : vector<16xf32>
        %lt3A_463 = arith.cmpi slt, %select_n3A_460, %select_n3A_446 : vector<16xi32>
        %and3A_464 = arith.andi %eq3A_462, %lt3A_463 : vector<16xi1>
        %or3A_465 = arith.ori %gt3A_461, %and3A_464 : vector<16xi1>
        %select_n3A_466 = arith.select %gt3A_461, %abs3A_452, %select_n3A_445 : vector<16xi1>, vector<16xf32>
        %select_n3A_467 = arith.select %or3A_465, %select_n3A_460, %select_n3A_446 : vector<16xi1>, vector<16xi32>
        %get3A_468 = arith.constant 20 : i32
        %get3A_469 = arith.index_cast %get3A_468 : i32 to index
        %get3A_470 = arith.index_cast %mul3A_59 : i32 to index
        %get3A_471 = tpu.vector_load %arg4[%get3A_469, %get3A_470] {strides = array<i32>} : memref<128x512xf32, #tpu.memory_space<vmem>>, vector<1x16xf32>,
        %get3A_472 = vector.shape_cast %get3A_471 : vector<1x16xf32> to vector<16xf32>
        %abs3A_473 = math.absf %get3A_472 : vector<16xf32>
        %lt3A_474 = arith.constant 0.000000e+00 : f32
        %lt3A_475 = vector.broadcast %lt3A_474 : f32 to vector<16xf32>
        %lt3A_476 = arith.cmpf olt, %get3A_472, %lt3A_475 : vector<16xf32>
        %broadcast_in_dim3A_477 = arith.constant 52 : i32
        %broadcast_in_dim3A_478 = vector.broadcast %broadcast_in_dim3A_477 : i32 to vector<16xi32>
        %broadcast_in_dim3A_479 = arith.constant 20 : i32
        %broadcast_in_dim3A_480 = vector.broadcast %broadcast_in_dim3A_479 : i32 to vector<16xi32>
        %select_n3A_481 = arith.select %lt3A_476, %broadcast_in_dim3A_478, %broadcast_in_dim3A_480 : vector<16xi1>, vector<16xi32>
        %gt3A_482 = arith.cmpf ogt, %abs3A_473, %select_n3A_466 : vector<16xf32>
        %eq3A_483 = arith.cmpf oeq, %abs3A_473, %select_n3A_466 : vector<16xf32>
        %lt3A_484 = arith.cmpi slt, %select_n3A_481, %select_n3A_467 : vector<16xi32>
        %and3A_485 = arith.andi %eq3A_483, %lt3A_484 : vector<16xi1>
        %or3A_486 = arith.ori %gt3A_482, %and3A_485 : vector<16xi1>
        %select_n3A_487 = arith.select %gt3A_482, %abs3A_473, %select_n3A_466 : vector<16xi1>, vector<16xf32>
        %select_n3A_488 = arith.select %or3A_486, %select_n3A_481, %select_n3A_467 : vector<16xi1>, vector<16xi32>
        %get3A_489 = arith.constant 21 : i32
        %get3A_490 = arith.index_cast %get3A_489 : i32 to index
        %get3A_491 = arith.index_cast %mul3A_59 : i32 to index
        %get3A_492 = tpu.vector_load %arg4[%get3A_490, %get3A_491] {strides = array<i32>} : memref<128x512xf32, #tpu.memory_space<vmem>>, vector<1x16xf32>,
        %get3A_493 = vector.shape_cast %get3A_492 : vector<1x16xf32> to vector<16xf32>
        %abs3A_494 = math.absf %get3A_493 : vector<16xf32>
        %lt3A_495 = arith.constant 0.000000e+00 : f32
        %lt3A_496 = vector.broadcast %lt3A_495 : f32 to vector<16xf32>
        %lt3A_497 = arith.cmpf olt, %get3A_493, %lt3A_496 : vector<16xf32>
        %broadcast_in_dim3A_498 = arith.constant 53 : i32
        %broadcast_in_dim3A_499 = vector.broadcast %broadcast_in_dim3A_498 : i32 to vector<16xi32>
        %broadcast_in_dim3A_500 = arith.constant 21 : i32
        %broadcast_in_dim3A_501 = vector.broadcast %broadcast_in_dim3A_500 : i32 to vector<16xi32>
        %select_n3A_502 = arith.select %lt3A_497, %broadcast_in_dim3A_499, %broadcast_in_dim3A_501 : vector<16xi1>, vector<16xi32>
        %gt3A_503 = arith.cmpf ogt, %abs3A_494, %select_n3A_487 : vector<16xf32>
        %eq3A_504 = arith.cmpf oeq, %abs3A_494, %select_n3A_487 : vector<16xf32>
        %lt3A_505 = arith.cmpi slt, %select_n3A_502, %select_n3A_488 : vector<16xi32>
        %and3A_506 = arith.andi %eq3A_504, %lt3A_505 : vector<16xi1>
        %or3A_507 = arith.ori %gt3A_503, %and3A_506 : vector<16xi1>
        %select_n3A_508 = arith.select %gt3A_503, %abs3A_494, %select_n3A_487 : vector<16xi1>, vector<16xf32>
        %select_n3A_509 = arith.select %or3A_507, %select_n3A_502, %select_n3A_488 : vector<16xi1>, vector<16xi32>
        %get3A_510 = arith.constant 22 : i32
        %get3A_511 = arith.index_cast %get3A_510 : i32 to index
        %get3A_512 = arith.index_cast %mul3A_59 : i32 to index
        %get3A_513 = tpu.vector_load %arg4[%get3A_511, %get3A_512] {strides = array<i32>} : memref<128x512xf32, #tpu.memory_space<vmem>>, vector<1x16xf32>,
        %get3A_514 = vector.shape_cast %get3A_513 : vector<1x16xf32> to vector<16xf32>
        %abs3A_515 = math.absf %get3A_514 : vector<16xf32>
        %lt3A_516 = arith.constant 0.000000e+00 : f32
        %lt3A_517 = vector.broadcast %lt3A_516 : f32 to vector<16xf32>
        %lt3A_518 = arith.cmpf olt, %get3A_514, %lt3A_517 : vector<16xf32>
        %broadcast_in_dim3A_519 = arith.constant 54 : i32
        %broadcast_in_dim3A_520 = vector.broadcast %broadcast_in_dim3A_519 : i32 to vector<16xi32>
        %broadcast_in_dim3A_521 = arith.constant 22 : i32
        %broadcast_in_dim3A_522 = vector.broadcast %broadcast_in_dim3A_521 : i32 to vector<16xi32>
        %select_n3A_523 = arith.select %lt3A_518, %broadcast_in_dim3A_520, %broadcast_in_dim3A_522 : vector<16xi1>, vector<16xi32>
        %gt3A_524 = arith.cmpf ogt, %abs3A_515, %select_n3A_508 : vector<16xf32>
        %eq3A_525 = arith.cmpf oeq, %abs3A_515, %select_n3A_508 : vector<16xf32>
        %lt3A_526 = arith.cmpi slt, %select_n3A_523, %select_n3A_509 : vector<16xi32>
        %and3A_527 = arith.andi %eq3A_525, %lt3A_526 : vector<16xi1>
        %or3A_528 = arith.ori %gt3A_524, %and3A_527 : vector<16xi1>
        %select_n3A_529 = arith.select %gt3A_524, %abs3A_515, %select_n3A_508 : vector<16xi1>, vector<16xf32>
        %select_n3A_530 = arith.select %or3A_528, %select_n3A_523, %select_n3A_509 : vector<16xi1>, vector<16xi32>
        %get3A_531 = arith.constant 23 : i32
        %get3A_532 = arith.index_cast %get3A_531 : i32 to index
        %get3A_533 = arith.index_cast %mul3A_59 : i32 to index
        %get3A_534 = tpu.vector_load %arg4[%get3A_532, %get3A_533] {strides = array<i32>} : memref<128x512xf32, #tpu.memory_space<vmem>>, vector<1x16xf32>,
        %get3A_535 = vector.shape_cast %get3A_534 : vector<1x16xf32> to vector<16xf32>
        %abs3A_536 = math.absf %get3A_535 : vector<16xf32>
        %lt3A_537 = arith.constant 0.000000e+00 : f32
        %lt3A_538 = vector.broadcast %lt3A_537 : f32 to vector<16xf32>
        %lt3A_539 = arith.cmpf olt, %get3A_535, %lt3A_538 : vector<16xf32>
        %broadcast_in_dim3A_540 = arith.constant 55 : i32
        %broadcast_in_dim3A_541 = vector.broadcast %broadcast_in_dim3A_540 : i32 to vector<16xi32>
        %broadcast_in_dim3A_542 = arith.constant 23 : i32
        %broadcast_in_dim3A_543 = vector.broadcast %broadcast_in_dim3A_542 : i32 to vector<16xi32>
        %select_n3A_544 = arith.select %lt3A_539, %broadcast_in_dim3A_541, %broadcast_in_dim3A_543 : vector<16xi1>, vector<16xi32>
        %gt3A_545 = arith.cmpf ogt, %abs3A_536, %select_n3A_529 : vector<16xf32>
        %eq3A_546 = arith.cmpf oeq, %abs3A_536, %select_n3A_529 : vector<16xf32>
        %lt3A_547 = arith.cmpi slt, %select_n3A_544, %select_n3A_530 : vector<16xi32>
        %and3A_548 = arith.andi %eq3A_546, %lt3A_547 : vector<16xi1>
        %or3A_549 = arith.ori %gt3A_545, %and3A_548 : vector<16xi1>
        %select_n3A_550 = arith.select %gt3A_545, %abs3A_536, %select_n3A_529 : vector<16xi1>, vector<16xf32>
        %select_n3A_551 = arith.select %or3A_549, %select_n3A_544, %select_n3A_530 : vector<16xi1>, vector<16xi32>
        %get3A_552 = arith.constant 24 : i32
        %get3A_553 = arith.index_cast %get3A_552 : i32 to index
        %get3A_554 = arith.index_cast %mul3A_59 : i32 to index
        %get3A_555 = tpu.vector_load %arg4[%get3A_553, %get3A_554] {strides = array<i32>} : memref<128x512xf32, #tpu.memory_space<vmem>>, vector<1x16xf32>,
        %get3A_556 = vector.shape_cast %get3A_555 : vector<1x16xf32> to vector<16xf32>
        %abs3A_557 = math.absf %get3A_556 : vector<16xf32>
        %lt3A_558 = arith.constant 0.000000e+00 : f32
        %lt3A_559 = vector.broadcast %lt3A_558 : f32 to vector<16xf32>
        %lt3A_560 = arith.cmpf olt, %get3A_556, %lt3A_559 : vector<16xf32>
        %broadcast_in_dim3A_561 = arith.constant 56 : i32
        %broadcast_in_dim3A_562 = vector.broadcast %broadcast_in_dim3A_561 : i32 to vector<16xi32>
        %broadcast_in_dim3A_563 = arith.constant 24 : i32
        %broadcast_in_dim3A_564 = vector.broadcast %broadcast_in_dim3A_563 : i32 to vector<16xi32>
        %select_n3A_565 = arith.select %lt3A_560, %broadcast_in_dim3A_562, %broadcast_in_dim3A_564 : vector<16xi1>, vector<16xi32>
        %gt3A_566 = arith.cmpf ogt, %abs3A_557, %select_n3A_550 : vector<16xf32>
        %eq3A_567 = arith.cmpf oeq, %abs3A_557, %select_n3A_550 : vector<16xf32>
        %lt3A_568 = arith.cmpi slt, %select_n3A_565, %select_n3A_551 : vector<16xi32>
        %and3A_569 = arith.andi %eq3A_567, %lt3A_568 : vector<16xi1>
        %or3A_570 = arith.ori %gt3A_566, %and3A_569 : vector<16xi1>
        %select_n3A_571 = arith.select %gt3A_566, %abs3A_557, %select_n3A_550 : vector<16xi1>, vector<16xf32>
        %select_n3A_572 = arith.select %or3A_570, %select_n3A_565, %select_n3A_551 : vector<16xi1>, vector<16xi32>
        %get3A_573 = arith.constant 25 : i32
        %get3A_574 = arith.index_cast %get3A_573 : i32 to index
        %get3A_575 = arith.index_cast %mul3A_59 : i32 to index
        %get3A_576 = tpu.vector_load %arg4[%get3A_574, %get3A_575] {strides = array<i32>} : memref<128x512xf32, #tpu.memory_space<vmem>>, vector<1x16xf32>,
        %get3A_577 = vector.shape_cast %get3A_576 : vector<1x16xf32> to vector<16xf32>
        %abs3A_578 = math.absf %get3A_577 : vector<16xf32>
        %lt3A_579 = arith.constant 0.000000e+00 : f32
        %lt3A_580 = vector.broadcast %lt3A_579 : f32 to vector<16xf32>
        %lt3A_581 = arith.cmpf olt, %get3A_577, %lt3A_580 : vector<16xf32>
        %broadcast_in_dim3A_582 = arith.constant 57 : i32
        %broadcast_in_dim3A_583 = vector.broadcast %broadcast_in_dim3A_582 : i32 to vector<16xi32>
        %broadcast_in_dim3A_584 = arith.constant 25 : i32
        %broadcast_in_dim3A_585 = vector.broadcast %broadcast_in_dim3A_584 : i32 to vector<16xi32>
        %select_n3A_586 = arith.select %lt3A_581, %broadcast_in_dim3A_583, %broadcast_in_dim3A_585 : vector<16xi1>, vector<16xi32>
        %gt3A_587 = arith.cmpf ogt, %abs3A_578, %select_n3A_571 : vector<16xf32>
        %eq3A_588 = arith.cmpf oeq, %abs3A_578, %select_n3A_571 : vector<16xf32>
        %lt3A_589 = arith.cmpi slt, %select_n3A_586, %select_n3A_572 : vector<16xi32>
        %and3A_590 = arith.andi %eq3A_588, %lt3A_589 : vector<16xi1>
        %or3A_591 = arith.ori %gt3A_587, %and3A_590 : vector<16xi1>
        %select_n3A_592 = arith.select %gt3A_587, %abs3A_578, %select_n3A_571 : vector<16xi1>, vector<16xf32>
        %select_n3A_593 = arith.select %or3A_591, %select_n3A_586, %select_n3A_572 : vector<16xi1>, vector<16xi32>
        %get3A_594 = arith.constant 26 : i32
        %get3A_595 = arith.index_cast %get3A_594 : i32 to index
        %get3A_596 = arith.index_cast %mul3A_59 : i32 to index
        %get3A_597 = tpu.vector_load %arg4[%get3A_595, %get3A_596] {strides = array<i32>} : memref<128x512xf32, #tpu.memory_space<vmem>>, vector<1x16xf32>,
        %get3A_598 = vector.shape_cast %get3A_597 : vector<1x16xf32> to vector<16xf32>
        %abs3A_599 = math.absf %get3A_598 : vector<16xf32>
        %lt3A_600 = arith.constant 0.000000e+00 : f32
        %lt3A_601 = vector.broadcast %lt3A_600 : f32 to vector<16xf32>
        %lt3A_602 = arith.cmpf olt, %get3A_598, %lt3A_601 : vector<16xf32>
        %broadcast_in_dim3A_603 = arith.constant 58 : i32
        %broadcast_in_dim3A_604 = vector.broadcast %broadcast_in_dim3A_603 : i32 to vector<16xi32>
        %broadcast_in_dim3A_605 = arith.constant 26 : i32
        %broadcast_in_dim3A_606 = vector.broadcast %broadcast_in_dim3A_605 : i32 to vector<16xi32>
        %select_n3A_607 = arith.select %lt3A_602, %broadcast_in_dim3A_604, %broadcast_in_dim3A_606 : vector<16xi1>, vector<16xi32>
        %gt3A_608 = arith.cmpf ogt, %abs3A_599, %select_n3A_592 : vector<16xf32>
        %eq3A_609 = arith.cmpf oeq, %abs3A_599, %select_n3A_592 : vector<16xf32>
        %lt3A_610 = arith.cmpi slt, %select_n3A_607, %select_n3A_593 : vector<16xi32>
        %and3A_611 = arith.andi %eq3A_609, %lt3A_610 : vector<16xi1>
        %or3A_612 = arith.ori %gt3A_608, %and3A_611 : vector<16xi1>
        %select_n3A_613 = arith.select %gt3A_608, %abs3A_599, %select_n3A_592 : vector<16xi1>, vector<16xf32>
        %select_n3A_614 = arith.select %or3A_612, %select_n3A_607, %select_n3A_593 : vector<16xi1>, vector<16xi32>
        %get3A_615 = arith.constant 27 : i32
        %get3A_616 = arith.index_cast %get3A_615 : i32 to index
        %get3A_617 = arith.index_cast %mul3A_59 : i32 to index
        %get3A_618 = tpu.vector_load %arg4[%get3A_616, %get3A_617] {strides = array<i32>} : memref<128x512xf32, #tpu.memory_space<vmem>>, vector<1x16xf32>,
        %get3A_619 = vector.shape_cast %get3A_618 : vector<1x16xf32> to vector<16xf32>
        %abs3A_620 = math.absf %get3A_619 : vector<16xf32>
        %lt3A_621 = arith.constant 0.000000e+00 : f32
        %lt3A_622 = vector.broadcast %lt3A_621 : f32 to vector<16xf32>
        %lt3A_623 = arith.cmpf olt, %get3A_619, %lt3A_622 : vector<16xf32>
        %broadcast_in_dim3A_624 = arith.constant 59 : i32
        %broadcast_in_dim3A_625 = vector.broadcast %broadcast_in_dim3A_624 : i32 to vector<16xi32>
        %broadcast_in_dim3A_626 = arith.constant 27 : i32
        %broadcast_in_dim3A_627 = vector.broadcast %broadcast_in_dim3A_626 : i32 to vector<16xi32>
        %select_n3A_628 = arith.select %lt3A_623, %broadcast_in_dim3A_625, %broadcast_in_dim3A_627 : vector<16xi1>, vector<16xi32>
        %gt3A_629 = arith.cmpf ogt, %abs3A_620, %select_n3A_613 : vector<16xf32>
        %eq3A_630 = arith.cmpf oeq, %abs3A_620, %select_n3A_613 : vector<16xf32>
        %lt3A_631 = arith.cmpi slt, %select_n3A_628, %select_n3A_614 : vector<16xi32>
        %and3A_632 = arith.andi %eq3A_630, %lt3A_631 : vector<16xi1>
        %or3A_633 = arith.ori %gt3A_629, %and3A_632 : vector<16xi1>
        %select_n3A_634 = arith.select %gt3A_629, %abs3A_620, %select_n3A_613 : vector<16xi1>, vector<16xf32>
        %select_n3A_635 = arith.select %or3A_633, %select_n3A_628, %select_n3A_614 : vector<16xi1>, vector<16xi32>
        %get3A_636 = arith.constant 28 : i32
        %get3A_637 = arith.index_cast %get3A_636 : i32 to index
        %get3A_638 = arith.index_cast %mul3A_59 : i32 to index
        %get3A_639 = tpu.vector_load %arg4[%get3A_637, %get3A_638] {strides = array<i32>} : memref<128x512xf32, #tpu.memory_space<vmem>>, vector<1x16xf32>,
        %get3A_640 = vector.shape_cast %get3A_639 : vector<1x16xf32> to vector<16xf32>
        %abs3A_641 = math.absf %get3A_640 : vector<16xf32>
        %lt3A_642 = arith.constant 0.000000e+00 : f32
        %lt3A_643 = vector.broadcast %lt3A_642 : f32 to vector<16xf32>
        %lt3A_644 = arith.cmpf olt, %get3A_640, %lt3A_643 : vector<16xf32>
        %broadcast_in_dim3A_645 = arith.constant 60 : i32
        %broadcast_in_dim3A_646 = vector.broadcast %broadcast_in_dim3A_645 : i32 to vector<16xi32>
        %broadcast_in_dim3A_647 = arith.constant 28 : i32
        %broadcast_in_dim3A_648 = vector.broadcast %broadcast_in_dim3A_647 : i32 to vector<16xi32>
        %select_n3A_649 = arith.select %lt3A_644, %broadcast_in_dim3A_646, %broadcast_in_dim3A_648 : vector<16xi1>, vector<16xi32>
        %gt3A_650 = arith.cmpf ogt, %abs3A_641, %select_n3A_634 : vector<16xf32>
        %eq3A_651 = arith.cmpf oeq, %abs3A_641, %select_n3A_634 : vector<16xf32>
        %lt3A_652 = arith.cmpi slt, %select_n3A_649, %select_n3A_635 : vector<16xi32>
        %and3A_653 = arith.andi %eq3A_651, %lt3A_652 : vector<16xi1>
        %or3A_654 = arith.ori %gt3A_650, %and3A_653 : vector<16xi1>
        %select_n3A_655 = arith.select %gt3A_650, %abs3A_641, %select_n3A_634 : vector<16xi1>, vector<16xf32>
        %select_n3A_656 = arith.select %or3A_654, %select_n3A_649, %select_n3A_635 : vector<16xi1>, vector<16xi32>
        %get3A_657 = arith.constant 29 : i32
        %get3A_658 = arith.index_cast %get3A_657 : i32 to index
        %get3A_659 = arith.index_cast %mul3A_59 : i32 to index
        %get3A_660 = tpu.vector_load %arg4[%get3A_658, %get3A_659] {strides = array<i32>} : memref<128x512xf32, #tpu.memory_space<vmem>>, vector<1x16xf32>,
        %get3A_661 = vector.shape_cast %get3A_660 : vector<1x16xf32> to vector<16xf32>
        %abs3A_662 = math.absf %get3A_661 : vector<16xf32>
        %lt3A_663 = arith.constant 0.000000e+00 : f32
        %lt3A_664 = vector.broadcast %lt3A_663 : f32 to vector<16xf32>
        %lt3A_665 = arith.cmpf olt, %get3A_661, %lt3A_664 : vector<16xf32>
        %broadcast_in_dim3A_666 = arith.constant 61 : i32
        %broadcast_in_dim3A_667 = vector.broadcast %broadcast_in_dim3A_666 : i32 to vector<16xi32>
        %broadcast_in_dim3A_668 = arith.constant 29 : i32
        %broadcast_in_dim3A_669 = vector.broadcast %broadcast_in_dim3A_668 : i32 to vector<16xi32>
        %select_n3A_670 = arith.select %lt3A_665, %broadcast_in_dim3A_667, %broadcast_in_dim3A_669 : vector<16xi1>, vector<16xi32>
        %gt3A_671 = arith.cmpf ogt, %abs3A_662, %select_n3A_655 : vector<16xf32>
        %eq3A_672 = arith.cmpf oeq, %abs3A_662, %select_n3A_655 : vector<16xf32>
        %lt3A_673 = arith.cmpi slt, %select_n3A_670, %select_n3A_656 : vector<16xi32>
        %and3A_674 = arith.andi %eq3A_672, %lt3A_673 : vector<16xi1>
        %or3A_675 = arith.ori %gt3A_671, %and3A_674 : vector<16xi1>
        %select_n3A_676 = arith.select %gt3A_671, %abs3A_662, %select_n3A_655 : vector<16xi1>, vector<16xf32>
        %select_n3A_677 = arith.select %or3A_675, %select_n3A_670, %select_n3A_656 : vector<16xi1>, vector<16xi32>
        %get3A_678 = arith.constant 30 : i32
        %get3A_679 = arith.index_cast %get3A_678 : i32 to index
        %get3A_680 = arith.index_cast %mul3A_59 : i32 to index
        %get3A_681 = tpu.vector_load %arg4[%get3A_679, %get3A_680] {strides = array<i32>} : memref<128x512xf32, #tpu.memory_space<vmem>>, vector<1x16xf32>,
        %get3A_682 = vector.shape_cast %get3A_681 : vector<1x16xf32> to vector<16xf32>
        %abs3A_683 = math.absf %get3A_682 : vector<16xf32>
        %lt3A_684 = arith.constant 0.000000e+00 : f32
        %lt3A_685 = vector.broadcast %lt3A_684 : f32 to vector<16xf32>
        %lt3A_686 = arith.cmpf olt, %get3A_682, %lt3A_685 : vector<16xf32>
        %broadcast_in_dim3A_687 = arith.constant 62 : i32
        %broadcast_in_dim3A_688 = vector.broadcast %broadcast_in_dim3A_687 : i32 to vector<16xi32>
        %broadcast_in_dim3A_689 = arith.constant 30 : i32
        %broadcast_in_dim3A_690 = vector.broadcast %broadcast_in_dim3A_689 : i32 to vector<16xi32>
        %select_n3A_691 = arith.select %lt3A_686, %broadcast_in_dim3A_688, %broadcast_in_dim3A_690 : vector<16xi1>, vector<16xi32>
        %gt3A_692 = arith.cmpf ogt, %abs3A_683, %select_n3A_676 : vector<16xf32>
        %eq3A_693 = arith.cmpf oeq, %abs3A_683, %select_n3A_676 : vector<16xf32>
        %lt3A_694 = arith.cmpi slt, %select_n3A_691, %select_n3A_677 : vector<16xi32>
        %and3A_695 = arith.andi %eq3A_693, %lt3A_694 : vector<16xi1>
        %or3A_696 = arith.ori %gt3A_692, %and3A_695 : vector<16xi1>
        %select_n3A_697 = arith.select %gt3A_692, %abs3A_683, %select_n3A_676 : vector<16xi1>, vector<16xf32>
        %select_n3A_698 = arith.select %or3A_696, %select_n3A_691, %select_n3A_677 : vector<16xi1>, vector<16xi32>
        %get3A_699 = arith.constant 31 : i32
        %get3A_700 = arith.index_cast %get3A_699 : i32 to index
        %get3A_701 = arith.index_cast %mul3A_59 : i32 to index
        %get3A_702 = tpu.vector_load %arg4[%get3A_700, %get3A_701] {strides = array<i32>} : memref<128x512xf32, #tpu.memory_space<vmem>>, vector<1x16xf32>,
        %get3A_703 = vector.shape_cast %get3A_702 : vector<1x16xf32> to vector<16xf32>
        %abs3A_704 = math.absf %get3A_703 : vector<16xf32>
        %lt3A_705 = arith.constant 0.000000e+00 : f32
        %lt3A_706 = vector.broadcast %lt3A_705 : f32 to vector<16xf32>
        %lt3A_707 = arith.cmpf olt, %get3A_703, %lt3A_706 : vector<16xf32>
        %broadcast_in_dim3A_708 = arith.constant 63 : i32
        %broadcast_in_dim3A_709 = vector.broadcast %broadcast_in_dim3A_708 : i32 to vector<16xi32>
        %broadcast_in_dim3A_710 = arith.constant 31 : i32
        %broadcast_in_dim3A_711 = vector.broadcast %broadcast_in_dim3A_710 : i32 to vector<16xi32>
        %select_n3A_712 = arith.select %lt3A_707, %broadcast_in_dim3A_709, %broadcast_in_dim3A_711 : vector<16xi1>, vector<16xi32>
        %gt3A_713 = arith.cmpf ogt, %abs3A_704, %select_n3A_697 : vector<16xf32>
        %eq3A_714 = arith.cmpf oeq, %abs3A_704, %select_n3A_697 : vector<16xf32>
        %lt3A_715 = arith.cmpi slt, %select_n3A_712, %select_n3A_698 : vector<16xi32>
        %and3A_716 = arith.andi %eq3A_714, %lt3A_715 : vector<16xi1>
        %or3A_717 = arith.ori %gt3A_713, %and3A_716 : vector<16xi1>
        %select_n3A_718 = arith.select %gt3A_713, %abs3A_704, %select_n3A_697 : vector<16xi1>, vector<16xf32>
        %select_n3A_719 = arith.select %or3A_717, %select_n3A_712, %select_n3A_698 : vector<16xi1>, vector<16xi32>
        %iota3A = tpu.iota {dimensions = array<i32: 0>} : vector<16xi32>
        %mul3A_720 = arith.constant 16 : i32
        %mul3A_721 = arith.muli %scan3A_56, %mul3A_720 : i32
        %add3A_722 = arith.addi %mul3A_45, %mul3A_721 : i32
        %add3A_723 = vector.broadcast %add3A_722 : i32 to vector<16xi32>
        %add3A_724 = arith.addi %iota3A, %add3A_723 : vector<16xi32>
        %mul3A_725 = arith.constant 4096 : i32
        %mul3A_726 = vector.broadcast %mul3A_725 : i32 to vector<16xi32>
        %mul3A_727 = arith.muli %select_n3A_719, %mul3A_726 : vector<16xi32>
        %add3A_728 = arith.addi %mul3A_727, %add3A_724 : vector<16xi32>
        %swap3A = arith.constant 0 : i32
        %swap3A_729 = arith.index_cast %swap3A : i32 to index
        %swap3A_730 = arith.index_cast %mul3A_59 : i32 to index
        %swap3A_731 = tpu.vector_load %arg5[%swap3A_729, %swap3A_730] {strides = array<i32>} : memref<4x512xi32, #tpu.memory_space<vmem>>, vector<1x16xi32>,
        %swap3A_732 = vector.shape_cast %swap3A_731 : vector<1x16xi32> to vector<16xi32>
        %swap3A_733 = vector.shape_cast %add3A_728 : vector<16xi32> to vector<1x16xi32>
        tpu.vector_store %arg5[%swap3A_729, %swap3A_730], %swap3A_733 {strides = array<i32>} : memref<4x512xi32, #tpu.memory_space<vmem>>, vector<1x16xi32>,
        %get3A_734 = arith.constant 32 : i32
        %get3A_735 = arith.index_cast %get3A_734 : i32 to index
        %get3A_736 = arith.index_cast %mul3A_59 : i32 to index
        %get3A_737 = tpu.vector_load %arg4[%get3A_735, %get3A_736] {strides = array<i32>} : memref<128x512xf32, #tpu.memory_space<vmem>>, vector<1x16xf32>,
        %get3A_738 = vector.shape_cast %get3A_737 : vector<1x16xf32> to vector<16xf32>
        %abs3A_739 = math.absf %get3A_738 : vector<16xf32>
        %lt3A_740 = arith.constant 0.000000e+00 : f32
        %lt3A_741 = vector.broadcast %lt3A_740 : f32 to vector<16xf32>
        %lt3A_742 = arith.cmpf olt, %get3A_738, %lt3A_741 : vector<16xf32>
        %broadcast_in_dim3A_743 = arith.constant 32 : i32
        %broadcast_in_dim3A_744 = vector.broadcast %broadcast_in_dim3A_743 : i32 to vector<16xi32>
        %broadcast_in_dim3A_745 = arith.constant 0 : i32
        %broadcast_in_dim3A_746 = vector.broadcast %broadcast_in_dim3A_745 : i32 to vector<16xi32>
        %select_n3A_747 = arith.select %lt3A_742, %broadcast_in_dim3A_744, %broadcast_in_dim3A_746 : vector<16xi1>, vector<16xi32>
        %get3A_748 = arith.constant 33 : i32
        %get3A_749 = arith.index_cast %get3A_748 : i32 to index
        %get3A_750 = arith.index_cast %mul3A_59 : i32 to index
        %get3A_751 = tpu.vector_load %arg4[%get3A_749, %get3A_750] {strides = array<i32>} : memref<128x512xf32, #tpu.memory_space<vmem>>, vector<1x16xf32>,
        %get3A_752 = vector.shape_cast %get3A_751 : vector<1x16xf32> to vector<16xf32>
        %abs3A_753 = math.absf %get3A_752 : vector<16xf32>
        %lt3A_754 = arith.constant 0.000000e+00 : f32
        %lt3A_755 = vector.broadcast %lt3A_754 : f32 to vector<16xf32>
        %lt3A_756 = arith.cmpf olt, %get3A_752, %lt3A_755 : vector<16xf32>
        %broadcast_in_dim3A_757 = arith.constant 33 : i32
        %broadcast_in_dim3A_758 = vector.broadcast %broadcast_in_dim3A_757 : i32 to vector<16xi32>
        %broadcast_in_dim3A_759 = arith.constant 1 : i32
        %broadcast_in_dim3A_760 = vector.broadcast %broadcast_in_dim3A_759 : i32 to vector<16xi32>
        %select_n3A_761 = arith.select %lt3A_756, %broadcast_in_dim3A_758, %broadcast_in_dim3A_760 : vector<16xi1>, vector<16xi32>
        %gt3A_762 = arith.cmpf ogt, %abs3A_753, %abs3A_739 : vector<16xf32>
        %eq3A_763 = arith.cmpf oeq, %abs3A_753, %abs3A_739 : vector<16xf32>
        %lt3A_764 = arith.cmpi slt, %select_n3A_761, %select_n3A_747 : vector<16xi32>
        %and3A_765 = arith.andi %eq3A_763, %lt3A_764 : vector<16xi1>
        %or3A_766 = arith.ori %gt3A_762, %and3A_765 : vector<16xi1>
        %select_n3A_767 = arith.select %gt3A_762, %abs3A_753, %abs3A_739 : vector<16xi1>, vector<16xf32>
        %select_n3A_768 = arith.select %or3A_766, %select_n3A_761, %select_n3A_747 : vector<16xi1>, vector<16xi32>
        %get3A_769 = arith.constant 34 : i32
        %get3A_770 = arith.index_cast %get3A_769 : i32 to index
        %get3A_771 = arith.index_cast %mul3A_59 : i32 to index
        %get3A_772 = tpu.vector_load %arg4[%get3A_770, %get3A_771] {strides = array<i32>} : memref<128x512xf32, #tpu.memory_space<vmem>>, vector<1x16xf32>,
        %get3A_773 = vector.shape_cast %get3A_772 : vector<1x16xf32> to vector<16xf32>
        %abs3A_774 = math.absf %get3A_773 : vector<16xf32>
        %lt3A_775 = arith.constant 0.000000e+00 : f32
        %lt3A_776 = vector.broadcast %lt3A_775 : f32 to vector<16xf32>
        %lt3A_777 = arith.cmpf olt, %get3A_773, %lt3A_776 : vector<16xf32>
        %broadcast_in_dim3A_778 = arith.constant 34 : i32
        %broadcast_in_dim3A_779 = vector.broadcast %broadcast_in_dim3A_778 : i32 to vector<16xi32>
        %broadcast_in_dim3A_780 = arith.constant 2 : i32
        %broadcast_in_dim3A_781 = vector.broadcast %broadcast_in_dim3A_780 : i32 to vector<16xi32>
        %select_n3A_782 = arith.select %lt3A_777, %broadcast_in_dim3A_779, %broadcast_in_dim3A_781 : vector<16xi1>, vector<16xi32>
        %gt3A_783 = arith.cmpf ogt, %abs3A_774, %select_n3A_767 : vector<16xf32>
        %eq3A_784 = arith.cmpf oeq, %abs3A_774, %select_n3A_767 : vector<16xf32>
        %lt3A_785 = arith.cmpi slt, %select_n3A_782, %select_n3A_768 : vector<16xi32>
        %and3A_786 = arith.andi %eq3A_784, %lt3A_785 : vector<16xi1>
        %or3A_787 = arith.ori %gt3A_783, %and3A_786 : vector<16xi1>
        %select_n3A_788 = arith.select %gt3A_783, %abs3A_774, %select_n3A_767 : vector<16xi1>, vector<16xf32>
        %select_n3A_789 = arith.select %or3A_787, %select_n3A_782, %select_n3A_768 : vector<16xi1>, vector<16xi32>
        %get3A_790 = arith.constant 35 : i32
        %get3A_791 = arith.index_cast %get3A_790 : i32 to index
        %get3A_792 = arith.index_cast %mul3A_59 : i32 to index
        %get3A_793 = tpu.vector_load %arg4[%get3A_791, %get3A_792] {strides = array<i32>} : memref<128x512xf32, #tpu.memory_space<vmem>>, vector<1x16xf32>,
        %get3A_794 = vector.shape_cast %get3A_793 : vector<1x16xf32> to vector<16xf32>
        %abs3A_795 = math.absf %get3A_794 : vector<16xf32>
        %lt3A_796 = arith.constant 0.000000e+00 : f32
        %lt3A_797 = vector.broadcast %lt3A_796 : f32 to vector<16xf32>
        %lt3A_798 = arith.cmpf olt, %get3A_794, %lt3A_797 : vector<16xf32>
        %broadcast_in_dim3A_799 = arith.constant 35 : i32
        %broadcast_in_dim3A_800 = vector.broadcast %broadcast_in_dim3A_799 : i32 to vector<16xi32>
        %broadcast_in_dim3A_801 = arith.constant 3 : i32
        %broadcast_in_dim3A_802 = vector.broadcast %broadcast_in_dim3A_801 : i32 to vector<16xi32>
        %select_n3A_803 = arith.select %lt3A_798, %broadcast_in_dim3A_800, %broadcast_in_dim3A_802 : vector<16xi1>, vector<16xi32>
        %gt3A_804 = arith.cmpf ogt, %abs3A_795, %select_n3A_788 : vector<16xf32>
        %eq3A_805 = arith.cmpf oeq, %abs3A_795, %select_n3A_788 : vector<16xf32>
        %lt3A_806 = arith.cmpi slt, %select_n3A_803, %select_n3A_789 : vector<16xi32>
        %and3A_807 = arith.andi %eq3A_805, %lt3A_806 : vector<16xi1>
        %or3A_808 = arith.ori %gt3A_804, %and3A_807 : vector<16xi1>
        %select_n3A_809 = arith.select %gt3A_804, %abs3A_795, %select_n3A_788 : vector<16xi1>, vector<16xf32>
        %select_n3A_810 = arith.select %or3A_808, %select_n3A_803, %select_n3A_789 : vector<16xi1>, vector<16xi32>
        %get3A_811 = arith.constant 36 : i32
        %get3A_812 = arith.index_cast %get3A_811 : i32 to index
        %get3A_813 = arith.index_cast %mul3A_59 : i32 to index
        %get3A_814 = tpu.vector_load %arg4[%get3A_812, %get3A_813] {strides = array<i32>} : memref<128x512xf32, #tpu.memory_space<vmem>>, vector<1x16xf32>,
        %get3A_815 = vector.shape_cast %get3A_814 : vector<1x16xf32> to vector<16xf32>
        %abs3A_816 = math.absf %get3A_815 : vector<16xf32>
        %lt3A_817 = arith.constant 0.000000e+00 : f32
        %lt3A_818 = vector.broadcast %lt3A_817 : f32 to vector<16xf32>
        %lt3A_819 = arith.cmpf olt, %get3A_815, %lt3A_818 : vector<16xf32>
        %broadcast_in_dim3A_820 = arith.constant 36 : i32
        %broadcast_in_dim3A_821 = vector.broadcast %broadcast_in_dim3A_820 : i32 to vector<16xi32>
        %broadcast_in_dim3A_822 = arith.constant 4 : i32
        %broadcast_in_dim3A_823 = vector.broadcast %broadcast_in_dim3A_822 : i32 to vector<16xi32>
        %select_n3A_824 = arith.select %lt3A_819, %broadcast_in_dim3A_821, %broadcast_in_dim3A_823 : vector<16xi1>, vector<16xi32>
        %gt3A_825 = arith.cmpf ogt, %abs3A_816, %select_n3A_809 : vector<16xf32>
        %eq3A_826 = arith.cmpf oeq, %abs3A_816, %select_n3A_809 : vector<16xf32>
        %lt3A_827 = arith.cmpi slt, %select_n3A_824, %select_n3A_810 : vector<16xi32>
        %and3A_828 = arith.andi %eq3A_826, %lt3A_827 : vector<16xi1>
        %or3A_829 = arith.ori %gt3A_825, %and3A_828 : vector<16xi1>
        %select_n3A_830 = arith.select %gt3A_825, %abs3A_816, %select_n3A_809 : vector<16xi1>, vector<16xf32>
        %select_n3A_831 = arith.select %or3A_829, %select_n3A_824, %select_n3A_810 : vector<16xi1>, vector<16xi32>
        %get3A_832 = arith.constant 37 : i32
        %get3A_833 = arith.index_cast %get3A_832 : i32 to index
        %get3A_834 = arith.index_cast %mul3A_59 : i32 to index
        %get3A_835 = tpu.vector_load %arg4[%get3A_833, %get3A_834] {strides = array<i32>} : memref<128x512xf32, #tpu.memory_space<vmem>>, vector<1x16xf32>,
        %get3A_836 = vector.shape_cast %get3A_835 : vector<1x16xf32> to vector<16xf32>
        %abs3A_837 = math.absf %get3A_836 : vector<16xf32>
        %lt3A_838 = arith.constant 0.000000e+00 : f32
        %lt3A_839 = vector.broadcast %lt3A_838 : f32 to vector<16xf32>
        %lt3A_840 = arith.cmpf olt, %get3A_836, %lt3A_839 : vector<16xf32>
        %broadcast_in_dim3A_841 = arith.constant 37 : i32
        %broadcast_in_dim3A_842 = vector.broadcast %broadcast_in_dim3A_841 : i32 to vector<16xi32>
        %broadcast_in_dim3A_843 = arith.constant 5 : i32
        %broadcast_in_dim3A_844 = vector.broadcast %broadcast_in_dim3A_843 : i32 to vector<16xi32>
        %select_n3A_845 = arith.select %lt3A_840, %broadcast_in_dim3A_842, %broadcast_in_dim3A_844 : vector<16xi1>, vector<16xi32>
        %gt3A_846 = arith.cmpf ogt, %abs3A_837, %select_n3A_830 : vector<16xf32>
        %eq3A_847 = arith.cmpf oeq, %abs3A_837, %select_n3A_830 : vector<16xf32>
        %lt3A_848 = arith.cmpi slt, %select_n3A_845, %select_n3A_831 : vector<16xi32>
        %and3A_849 = arith.andi %eq3A_847, %lt3A_848 : vector<16xi1>
        %or3A_850 = arith.ori %gt3A_846, %and3A_849 : vector<16xi1>
        %select_n3A_851 = arith.select %gt3A_846, %abs3A_837, %select_n3A_830 : vector<16xi1>, vector<16xf32>
        %select_n3A_852 = arith.select %or3A_850, %select_n3A_845, %select_n3A_831 : vector<16xi1>, vector<16xi32>
        %get3A_853 = arith.constant 38 : i32
        %get3A_854 = arith.index_cast %get3A_853 : i32 to index
        %get3A_855 = arith.index_cast %mul3A_59 : i32 to index
        %get3A_856 = tpu.vector_load %arg4[%get3A_854, %get3A_855] {strides = array<i32>} : memref<128x512xf32, #tpu.memory_space<vmem>>, vector<1x16xf32>,
        %get3A_857 = vector.shape_cast %get3A_856 : vector<1x16xf32> to vector<16xf32>
        %abs3A_858 = math.absf %get3A_857 : vector<16xf32>
        %lt3A_859 = arith.constant 0.000000e+00 : f32
        %lt3A_860 = vector.broadcast %lt3A_859 : f32 to vector<16xf32>
        %lt3A_861 = arith.cmpf olt, %get3A_857, %lt3A_860 : vector<16xf32>
        %broadcast_in_dim3A_862 = arith.constant 38 : i32
        %broadcast_in_dim3A_863 = vector.broadcast %broadcast_in_dim3A_862 : i32 to vector<16xi32>
        %broadcast_in_dim3A_864 = arith.constant 6 : i32
        %broadcast_in_dim3A_865 = vector.broadcast %broadcast_in_dim3A_864 : i32 to vector<16xi32>
        %select_n3A_866 = arith.select %lt3A_861, %broadcast_in_dim3A_863, %broadcast_in_dim3A_865 : vector<16xi1>, vector<16xi32>
        %gt3A_867 = arith.cmpf ogt, %abs3A_858, %select_n3A_851 : vector<16xf32>
        %eq3A_868 = arith.cmpf oeq, %abs3A_858, %select_n3A_851 : vector<16xf32>
        %lt3A_869 = arith.cmpi slt, %select_n3A_866, %select_n3A_852 : vector<16xi32>
        %and3A_870 = arith.andi %eq3A_868, %lt3A_869 : vector<16xi1>
        %or3A_871 = arith.ori %gt3A_867, %and3A_870 : vector<16xi1>
        %select_n3A_872 = arith.select %gt3A_867, %abs3A_858, %select_n3A_851 : vector<16xi1>, vector<16xf32>
        %select_n3A_873 = arith.select %or3A_871, %select_n3A_866, %select_n3A_852 : vector<16xi1>, vector<16xi32>
        %get3A_874 = arith.constant 39 : i32
        %get3A_875 = arith.index_cast %get3A_874 : i32 to index
        %get3A_876 = arith.index_cast %mul3A_59 : i32 to index
        %get3A_877 = tpu.vector_load %arg4[%get3A_875, %get3A_876] {strides = array<i32>} : memref<128x512xf32, #tpu.memory_space<vmem>>, vector<1x16xf32>,
        %get3A_878 = vector.shape_cast %get3A_877 : vector<1x16xf32> to vector<16xf32>
        %abs3A_879 = math.absf %get3A_878 : vector<16xf32>
        %lt3A_880 = arith.constant 0.000000e+00 : f32
        %lt3A_881 = vector.broadcast %lt3A_880 : f32 to vector<16xf32>
        %lt3A_882 = arith.cmpf olt, %get3A_878, %lt3A_881 : vector<16xf32>
        %broadcast_in_dim3A_883 = arith.constant 39 : i32
        %broadcast_in_dim3A_884 = vector.broadcast %broadcast_in_dim3A_883 : i32 to vector<16xi32>
        %broadcast_in_dim3A_885 = arith.constant 7 : i32
        %broadcast_in_dim3A_886 = vector.broadcast %broadcast_in_dim3A_885 : i32 to vector<16xi32>
        %select_n3A_887 = arith.select %lt3A_882, %broadcast_in_dim3A_884, %broadcast_in_dim3A_886 : vector<16xi1>, vector<16xi32>
        %gt3A_888 = arith.cmpf ogt, %abs3A_879, %select_n3A_872 : vector<16xf32>
        %eq3A_889 = arith.cmpf oeq, %abs3A_879, %select_n3A_872 : vector<16xf32>
        %lt3A_890 = arith.cmpi slt, %select_n3A_887, %select_n3A_873 : vector<16xi32>
        %and3A_891 = arith.andi %eq3A_889, %lt3A_890 : vector<16xi1>
        %or3A_892 = arith.ori %gt3A_888, %and3A_891 : vector<16xi1>
        %select_n3A_893 = arith.select %gt3A_888, %abs3A_879, %select_n3A_872 : vector<16xi1>, vector<16xf32>
        %select_n3A_894 = arith.select %or3A_892, %select_n3A_887, %select_n3A_873 : vector<16xi1>, vector<16xi32>
        %get3A_895 = arith.constant 40 : i32
        %get3A_896 = arith.index_cast %get3A_895 : i32 to index
        %get3A_897 = arith.index_cast %mul3A_59 : i32 to index
        %get3A_898 = tpu.vector_load %arg4[%get3A_896, %get3A_897] {strides = array<i32>} : memref<128x512xf32, #tpu.memory_space<vmem>>, vector<1x16xf32>,
        %get3A_899 = vector.shape_cast %get3A_898 : vector<1x16xf32> to vector<16xf32>
        %abs3A_900 = math.absf %get3A_899 : vector<16xf32>
        %lt3A_901 = arith.constant 0.000000e+00 : f32
        %lt3A_902 = vector.broadcast %lt3A_901 : f32 to vector<16xf32>
        %lt3A_903 = arith.cmpf olt, %get3A_899, %lt3A_902 : vector<16xf32>
        %broadcast_in_dim3A_904 = arith.constant 40 : i32
        %broadcast_in_dim3A_905 = vector.broadcast %broadcast_in_dim3A_904 : i32 to vector<16xi32>
        %broadcast_in_dim3A_906 = arith.constant 8 : i32
        %broadcast_in_dim3A_907 = vector.broadcast %broadcast_in_dim3A_906 : i32 to vector<16xi32>
        %select_n3A_908 = arith.select %lt3A_903, %broadcast_in_dim3A_905, %broadcast_in_dim3A_907 : vector<16xi1>, vector<16xi32>
        %gt3A_909 = arith.cmpf ogt, %abs3A_900, %select_n3A_893 : vector<16xf32>
        %eq3A_910 = arith.cmpf oeq, %abs3A_900, %select_n3A_893 : vector<16xf32>
        %lt3A_911 = arith.cmpi slt, %select_n3A_908, %select_n3A_894 : vector<16xi32>
        %and3A_912 = arith.andi %eq3A_910, %lt3A_911 : vector<16xi1>
        %or3A_913 = arith.ori %gt3A_909, %and3A_912 : vector<16xi1>
        %select_n3A_914 = arith.select %gt3A_909, %abs3A_900, %select_n3A_893 : vector<16xi1>, vector<16xf32>
        %select_n3A_915 = arith.select %or3A_913, %select_n3A_908, %select_n3A_894 : vector<16xi1>, vector<16xi32>
        %get3A_916 = arith.constant 41 : i32
        %get3A_917 = arith.index_cast %get3A_916 : i32 to index
        %get3A_918 = arith.index_cast %mul3A_59 : i32 to index
        %get3A_919 = tpu.vector_load %arg4[%get3A_917, %get3A_918] {strides = array<i32>} : memref<128x512xf32, #tpu.memory_space<vmem>>, vector<1x16xf32>,
        %get3A_920 = vector.shape_cast %get3A_919 : vector<1x16xf32> to vector<16xf32>
        %abs3A_921 = math.absf %get3A_920 : vector<16xf32>
        %lt3A_922 = arith.constant 0.000000e+00 : f32
        %lt3A_923 = vector.broadcast %lt3A_922 : f32 to vector<16xf32>
        %lt3A_924 = arith.cmpf olt, %get3A_920, %lt3A_923 : vector<16xf32>
        %broadcast_in_dim3A_925 = arith.constant 41 : i32
        %broadcast_in_dim3A_926 = vector.broadcast %broadcast_in_dim3A_925 : i32 to vector<16xi32>
        %broadcast_in_dim3A_927 = arith.constant 9 : i32
        %broadcast_in_dim3A_928 = vector.broadcast %broadcast_in_dim3A_927 : i32 to vector<16xi32>
        %select_n3A_929 = arith.select %lt3A_924, %broadcast_in_dim3A_926, %broadcast_in_dim3A_928 : vector<16xi1>, vector<16xi32>
        %gt3A_930 = arith.cmpf ogt, %abs3A_921, %select_n3A_914 : vector<16xf32>
        %eq3A_931 = arith.cmpf oeq, %abs3A_921, %select_n3A_914 : vector<16xf32>
        %lt3A_932 = arith.cmpi slt, %select_n3A_929, %select_n3A_915 : vector<16xi32>
        %and3A_933 = arith.andi %eq3A_931, %lt3A_932 : vector<16xi1>
        %or3A_934 = arith.ori %gt3A_930, %and3A_933 : vector<16xi1>
        %select_n3A_935 = arith.select %gt3A_930, %abs3A_921, %select_n3A_914 : vector<16xi1>, vector<16xf32>
        %select_n3A_936 = arith.select %or3A_934, %select_n3A_929, %select_n3A_915 : vector<16xi1>, vector<16xi32>
        %get3A_937 = arith.constant 42 : i32
        %get3A_938 = arith.index_cast %get3A_937 : i32 to index
        %get3A_939 = arith.index_cast %mul3A_59 : i32 to index
        %get3A_940 = tpu.vector_load %arg4[%get3A_938, %get3A_939] {strides = array<i32>} : memref<128x512xf32, #tpu.memory_space<vmem>>, vector<1x16xf32>,
        %get3A_941 = vector.shape_cast %get3A_940 : vector<1x16xf32> to vector<16xf32>
        %abs3A_942 = math.absf %get3A_941 : vector<16xf32>
        %lt3A_943 = arith.constant 0.000000e+00 : f32
        %lt3A_944 = vector.broadcast %lt3A_943 : f32 to vector<16xf32>
        %lt3A_945 = arith.cmpf olt, %get3A_941, %lt3A_944 : vector<16xf32>
        %broadcast_in_dim3A_946 = arith.constant 42 : i32
        %broadcast_in_dim3A_947 = vector.broadcast %broadcast_in_dim3A_946 : i32 to vector<16xi32>
        %broadcast_in_dim3A_948 = arith.constant 10 : i32
        %broadcast_in_dim3A_949 = vector.broadcast %broadcast_in_dim3A_948 : i32 to vector<16xi32>
        %select_n3A_950 = arith.select %lt3A_945, %broadcast_in_dim3A_947, %broadcast_in_dim3A_949 : vector<16xi1>, vector<16xi32>
        %gt3A_951 = arith.cmpf ogt, %abs3A_942, %select_n3A_935 : vector<16xf32>
        %eq3A_952 = arith.cmpf oeq, %abs3A_942, %select_n3A_935 : vector<16xf32>
        %lt3A_953 = arith.cmpi slt, %select_n3A_950, %select_n3A_936 : vector<16xi32>
        %and3A_954 = arith.andi %eq3A_952, %lt3A_953 : vector<16xi1>
        %or3A_955 = arith.ori %gt3A_951, %and3A_954 : vector<16xi1>
        %select_n3A_956 = arith.select %gt3A_951, %abs3A_942, %select_n3A_935 : vector<16xi1>, vector<16xf32>
        %select_n3A_957 = arith.select %or3A_955, %select_n3A_950, %select_n3A_936 : vector<16xi1>, vector<16xi32>
        %get3A_958 = arith.constant 43 : i32
        %get3A_959 = arith.index_cast %get3A_958 : i32 to index
        %get3A_960 = arith.index_cast %mul3A_59 : i32 to index
        %get3A_961 = tpu.vector_load %arg4[%get3A_959, %get3A_960] {strides = array<i32>} : memref<128x512xf32, #tpu.memory_space<vmem>>, vector<1x16xf32>,
        %get3A_962 = vector.shape_cast %get3A_961 : vector<1x16xf32> to vector<16xf32>
        %abs3A_963 = math.absf %get3A_962 : vector<16xf32>
        %lt3A_964 = arith.constant 0.000000e+00 : f32
        %lt3A_965 = vector.broadcast %lt3A_964 : f32 to vector<16xf32>
        %lt3A_966 = arith.cmpf olt, %get3A_962, %lt3A_965 : vector<16xf32>
        %broadcast_in_dim3A_967 = arith.constant 43 : i32
        %broadcast_in_dim3A_968 = vector.broadcast %broadcast_in_dim3A_967 : i32 to vector<16xi32>
        %broadcast_in_dim3A_969 = arith.constant 11 : i32
        %broadcast_in_dim3A_970 = vector.broadcast %broadcast_in_dim3A_969 : i32 to vector<16xi32>
        %select_n3A_971 = arith.select %lt3A_966, %broadcast_in_dim3A_968, %broadcast_in_dim3A_970 : vector<16xi1>, vector<16xi32>
        %gt3A_972 = arith.cmpf ogt, %abs3A_963, %select_n3A_956 : vector<16xf32>
        %eq3A_973 = arith.cmpf oeq, %abs3A_963, %select_n3A_956 : vector<16xf32>
        %lt3A_974 = arith.cmpi slt, %select_n3A_971, %select_n3A_957 : vector<16xi32>
        %and3A_975 = arith.andi %eq3A_973, %lt3A_974 : vector<16xi1>
        %or3A_976 = arith.ori %gt3A_972, %and3A_975 : vector<16xi1>
        %select_n3A_977 = arith.select %gt3A_972, %abs3A_963, %select_n3A_956 : vector<16xi1>, vector<16xf32>
        %select_n3A_978 = arith.select %or3A_976, %select_n3A_971, %select_n3A_957 : vector<16xi1>, vector<16xi32>
        %get3A_979 = arith.constant 44 : i32
        %get3A_980 = arith.index_cast %get3A_979 : i32 to index
        %get3A_981 = arith.index_cast %mul3A_59 : i32 to index
        %get3A_982 = tpu.vector_load %arg4[%get3A_980, %get3A_981] {strides = array<i32>} : memref<128x512xf32, #tpu.memory_space<vmem>>, vector<1x16xf32>,
        %get3A_983 = vector.shape_cast %get3A_982 : vector<1x16xf32> to vector<16xf32>
        %abs3A_984 = math.absf %get3A_983 : vector<16xf32>
        %lt3A_985 = arith.constant 0.000000e+00 : f32
        %lt3A_986 = vector.broadcast %lt3A_985 : f32 to vector<16xf32>
        %lt3A_987 = arith.cmpf olt, %get3A_983, %lt3A_986 : vector<16xf32>
        %broadcast_in_dim3A_988 = arith.constant 44 : i32
        %broadcast_in_dim3A_989 = vector.broadcast %broadcast_in_dim3A_988 : i32 to vector<16xi32>
        %broadcast_in_dim3A_990 = arith.constant 12 : i32
        %broadcast_in_dim3A_991 = vector.broadcast %broadcast_in_dim3A_990 : i32 to vector<16xi32>
        %select_n3A_992 = arith.select %lt3A_987, %broadcast_in_dim3A_989, %broadcast_in_dim3A_991 : vector<16xi1>, vector<16xi32>
        %gt3A_993 = arith.cmpf ogt, %abs3A_984, %select_n3A_977 : vector<16xf32>
        %eq3A_994 = arith.cmpf oeq, %abs3A_984, %select_n3A_977 : vector<16xf32>
        %lt3A_995 = arith.cmpi slt, %select_n3A_992, %select_n3A_978 : vector<16xi32>
        %and3A_996 = arith.andi %eq3A_994, %lt3A_995 : vector<16xi1>
        %or3A_997 = arith.ori %gt3A_993, %and3A_996 : vector<16xi1>
        %select_n3A_998 = arith.select %gt3A_993, %abs3A_984, %select_n3A_977 : vector<16xi1>, vector<16xf32>
        %select_n3A_999 = arith.select %or3A_997, %select_n3A_992, %select_n3A_978 : vector<16xi1>, vector<16xi32>
        %get3A_1000 = arith.constant 45 : i32
        %get3A_1001 = arith.index_cast %get3A_1000 : i32 to index
        %get3A_1002 = arith.index_cast %mul3A_59 : i32 to index
        %get3A_1003 = tpu.vector_load %arg4[%get3A_1001, %get3A_1002] {strides = array<i32>} : memref<128x512xf32, #tpu.memory_space<vmem>>, vector<1x16xf32>,
        %get3A_1004 = vector.shape_cast %get3A_1003 : vector<1x16xf32> to vector<16xf32>
        %abs3A_1005 = math.absf %get3A_1004 : vector<16xf32>
        %lt3A_1006 = arith.constant 0.000000e+00 : f32
        %lt3A_1007 = vector.broadcast %lt3A_1006 : f32 to vector<16xf32>
        %lt3A_1008 = arith.cmpf olt, %get3A_1004, %lt3A_1007 : vector<16xf32>
        %broadcast_in_dim3A_1009 = arith.constant 45 : i32
        %broadcast_in_dim3A_1010 = vector.broadcast %broadcast_in_dim3A_1009 : i32 to vector<16xi32>
        %broadcast_in_dim3A_1011 = arith.constant 13 : i32
        %broadcast_in_dim3A_1012 = vector.broadcast %broadcast_in_dim3A_1011 : i32 to vector<16xi32>
        %select_n3A_1013 = arith.select %lt3A_1008, %broadcast_in_dim3A_1010, %broadcast_in_dim3A_1012 : vector<16xi1>, vector<16xi32>
        %gt3A_1014 = arith.cmpf ogt, %abs3A_1005, %select_n3A_998 : vector<16xf32>
        %eq3A_1015 = arith.cmpf oeq, %abs3A_1005, %select_n3A_998 : vector<16xf32>
        %lt3A_1016 = arith.cmpi slt, %select_n3A_1013, %select_n3A_999 : vector<16xi32>
        %and3A_1017 = arith.andi %eq3A_1015, %lt3A_1016 : vector<16xi1>
        %or3A_1018 = arith.ori %gt3A_1014, %and3A_1017 : vector<16xi1>
        %select_n3A_1019 = arith.select %gt3A_1014, %abs3A_1005, %select_n3A_998 : vector<16xi1>, vector<16xf32>
        %select_n3A_1020 = arith.select %or3A_1018, %select_n3A_1013, %select_n3A_999 : vector<16xi1>, vector<16xi32>
        %get3A_1021 = arith.constant 46 : i32
        %get3A_1022 = arith.index_cast %get3A_1021 : i32 to index
        %get3A_1023 = arith.index_cast %mul3A_59 : i32 to index
        %get3A_1024 = tpu.vector_load %arg4[%get3A_1022, %get3A_1023] {strides = array<i32>} : memref<128x512xf32, #tpu.memory_space<vmem>>, vector<1x16xf32>,
        %get3A_1025 = vector.shape_cast %get3A_1024 : vector<1x16xf32> to vector<16xf32>
        %abs3A_1026 = math.absf %get3A_1025 : vector<16xf32>
        %lt3A_1027 = arith.constant 0.000000e+00 : f32
        %lt3A_1028 = vector.broadcast %lt3A_1027 : f32 to vector<16xf32>
        %lt3A_1029 = arith.cmpf olt, %get3A_1025, %lt3A_1028 : vector<16xf32>
        %broadcast_in_dim3A_1030 = arith.constant 46 : i32
        %broadcast_in_dim3A_1031 = vector.broadcast %broadcast_in_dim3A_1030 : i32 to vector<16xi32>
        %broadcast_in_dim3A_1032 = arith.constant 14 : i32
        %broadcast_in_dim3A_1033 = vector.broadcast %broadcast_in_dim3A_1032 : i32 to vector<16xi32>
        %select_n3A_1034 = arith.select %lt3A_1029, %broadcast_in_dim3A_1031, %broadcast_in_dim3A_1033 : vector<16xi1>, vector<16xi32>
        %gt3A_1035 = arith.cmpf ogt, %abs3A_1026, %select_n3A_1019 : vector<16xf32>
        %eq3A_1036 = arith.cmpf oeq, %abs3A_1026, %select_n3A_1019 : vector<16xf32>
        %lt3A_1037 = arith.cmpi slt, %select_n3A_1034, %select_n3A_1020 : vector<16xi32>
        %and3A_1038 = arith.andi %eq3A_1036, %lt3A_1037 : vector<16xi1>
        %or3A_1039 = arith.ori %gt3A_1035, %and3A_1038 : vector<16xi1>
        %select_n3A_1040 = arith.select %gt3A_1035, %abs3A_1026, %select_n3A_1019 : vector<16xi1>, vector<16xf32>
        %select_n3A_1041 = arith.select %or3A_1039, %select_n3A_1034, %select_n3A_1020 : vector<16xi1>, vector<16xi32>
        %get3A_1042 = arith.constant 47 : i32
        %get3A_1043 = arith.index_cast %get3A_1042 : i32 to index
        %get3A_1044 = arith.index_cast %mul3A_59 : i32 to index
        %get3A_1045 = tpu.vector_load %arg4[%get3A_1043, %get3A_1044] {strides = array<i32>} : memref<128x512xf32, #tpu.memory_space<vmem>>, vector<1x16xf32>,
        %get3A_1046 = vector.shape_cast %get3A_1045 : vector<1x16xf32> to vector<16xf32>
        %abs3A_1047 = math.absf %get3A_1046 : vector<16xf32>
        %lt3A_1048 = arith.constant 0.000000e+00 : f32
        %lt3A_1049 = vector.broadcast %lt3A_1048 : f32 to vector<16xf32>
        %lt3A_1050 = arith.cmpf olt, %get3A_1046, %lt3A_1049 : vector<16xf32>
        %broadcast_in_dim3A_1051 = arith.constant 47 : i32
        %broadcast_in_dim3A_1052 = vector.broadcast %broadcast_in_dim3A_1051 : i32 to vector<16xi32>
        %broadcast_in_dim3A_1053 = arith.constant 15 : i32
        %broadcast_in_dim3A_1054 = vector.broadcast %broadcast_in_dim3A_1053 : i32 to vector<16xi32>
        %select_n3A_1055 = arith.select %lt3A_1050, %broadcast_in_dim3A_1052, %broadcast_in_dim3A_1054 : vector<16xi1>, vector<16xi32>
        %gt3A_1056 = arith.cmpf ogt, %abs3A_1047, %select_n3A_1040 : vector<16xf32>
        %eq3A_1057 = arith.cmpf oeq, %abs3A_1047, %select_n3A_1040 : vector<16xf32>
        %lt3A_1058 = arith.cmpi slt, %select_n3A_1055, %select_n3A_1041 : vector<16xi32>
        %and3A_1059 = arith.andi %eq3A_1057, %lt3A_1058 : vector<16xi1>
        %or3A_1060 = arith.ori %gt3A_1056, %and3A_1059 : vector<16xi1>
        %select_n3A_1061 = arith.select %gt3A_1056, %abs3A_1047, %select_n3A_1040 : vector<16xi1>, vector<16xf32>
        %select_n3A_1062 = arith.select %or3A_1060, %select_n3A_1055, %select_n3A_1041 : vector<16xi1>, vector<16xi32>
        %get3A_1063 = arith.constant 48 : i32
        %get3A_1064 = arith.index_cast %get3A_1063 : i32 to index
        %get3A_1065 = arith.index_cast %mul3A_59 : i32 to index
        %get3A_1066 = tpu.vector_load %arg4[%get3A_1064, %get3A_1065] {strides = array<i32>} : memref<128x512xf32, #tpu.memory_space<vmem>>, vector<1x16xf32>,
        %get3A_1067 = vector.shape_cast %get3A_1066 : vector<1x16xf32> to vector<16xf32>
        %abs3A_1068 = math.absf %get3A_1067 : vector<16xf32>
        %lt3A_1069 = arith.constant 0.000000e+00 : f32
        %lt3A_1070 = vector.broadcast %lt3A_1069 : f32 to vector<16xf32>
        %lt3A_1071 = arith.cmpf olt, %get3A_1067, %lt3A_1070 : vector<16xf32>
        %broadcast_in_dim3A_1072 = arith.constant 48 : i32
        %broadcast_in_dim3A_1073 = vector.broadcast %broadcast_in_dim3A_1072 : i32 to vector<16xi32>
        %broadcast_in_dim3A_1074 = arith.constant 16 : i32
        %broadcast_in_dim3A_1075 = vector.broadcast %broadcast_in_dim3A_1074 : i32 to vector<16xi32>
        %select_n3A_1076 = arith.select %lt3A_1071, %broadcast_in_dim3A_1073, %broadcast_in_dim3A_1075 : vector<16xi1>, vector<16xi32>
        %gt3A_1077 = arith.cmpf ogt, %abs3A_1068, %select_n3A_1061 : vector<16xf32>
        %eq3A_1078 = arith.cmpf oeq, %abs3A_1068, %select_n3A_1061 : vector<16xf32>
        %lt3A_1079 = arith.cmpi slt, %select_n3A_1076, %select_n3A_1062 : vector<16xi32>
        %and3A_1080 = arith.andi %eq3A_1078, %lt3A_1079 : vector<16xi1>
        %or3A_1081 = arith.ori %gt3A_1077, %and3A_1080 : vector<16xi1>
        %select_n3A_1082 = arith.select %gt3A_1077, %abs3A_1068, %select_n3A_1061 : vector<16xi1>, vector<16xf32>
        %select_n3A_1083 = arith.select %or3A_1081, %select_n3A_1076, %select_n3A_1062 : vector<16xi1>, vector<16xi32>
        %get3A_1084 = arith.constant 49 : i32
        %get3A_1085 = arith.index_cast %get3A_1084 : i32 to index
        %get3A_1086 = arith.index_cast %mul3A_59 : i32 to index
        %get3A_1087 = tpu.vector_load %arg4[%get3A_1085, %get3A_1086] {strides = array<i32>} : memref<128x512xf32, #tpu.memory_space<vmem>>, vector<1x16xf32>,
        %get3A_1088 = vector.shape_cast %get3A_1087 : vector<1x16xf32> to vector<16xf32>
        %abs3A_1089 = math.absf %get3A_1088 : vector<16xf32>
        %lt3A_1090 = arith.constant 0.000000e+00 : f32
        %lt3A_1091 = vector.broadcast %lt3A_1090 : f32 to vector<16xf32>
        %lt3A_1092 = arith.cmpf olt, %get3A_1088, %lt3A_1091 : vector<16xf32>
        %broadcast_in_dim3A_1093 = arith.constant 49 : i32
        %broadcast_in_dim3A_1094 = vector.broadcast %broadcast_in_dim3A_1093 : i32 to vector<16xi32>
        %broadcast_in_dim3A_1095 = arith.constant 17 : i32
        %broadcast_in_dim3A_1096 = vector.broadcast %broadcast_in_dim3A_1095 : i32 to vector<16xi32>
        %select_n3A_1097 = arith.select %lt3A_1092, %broadcast_in_dim3A_1094, %broadcast_in_dim3A_1096 : vector<16xi1>, vector<16xi32>
        %gt3A_1098 = arith.cmpf ogt, %abs3A_1089, %select_n3A_1082 : vector<16xf32>
        %eq3A_1099 = arith.cmpf oeq, %abs3A_1089, %select_n3A_1082 : vector<16xf32>
        %lt3A_1100 = arith.cmpi slt, %select_n3A_1097, %select_n3A_1083 : vector<16xi32>
        %and3A_1101 = arith.andi %eq3A_1099, %lt3A_1100 : vector<16xi1>
        %or3A_1102 = arith.ori %gt3A_1098, %and3A_1101 : vector<16xi1>
        %select_n3A_1103 = arith.select %gt3A_1098, %abs3A_1089, %select_n3A_1082 : vector<16xi1>, vector<16xf32>
        %select_n3A_1104 = arith.select %or3A_1102, %select_n3A_1097, %select_n3A_1083 : vector<16xi1>, vector<16xi32>
        %get3A_1105 = arith.constant 50 : i32
        %get3A_1106 = arith.index_cast %get3A_1105 : i32 to index
        %get3A_1107 = arith.index_cast %mul3A_59 : i32 to index
        %get3A_1108 = tpu.vector_load %arg4[%get3A_1106, %get3A_1107] {strides = array<i32>} : memref<128x512xf32, #tpu.memory_space<vmem>>, vector<1x16xf32>,
        %get3A_1109 = vector.shape_cast %get3A_1108 : vector<1x16xf32> to vector<16xf32>
        %abs3A_1110 = math.absf %get3A_1109 : vector<16xf32>
        %lt3A_1111 = arith.constant 0.000000e+00 : f32
        %lt3A_1112 = vector.broadcast %lt3A_1111 : f32 to vector<16xf32>
        %lt3A_1113 = arith.cmpf olt, %get3A_1109, %lt3A_1112 : vector<16xf32>
        %broadcast_in_dim3A_1114 = arith.constant 50 : i32
        %broadcast_in_dim3A_1115 = vector.broadcast %broadcast_in_dim3A_1114 : i32 to vector<16xi32>
        %broadcast_in_dim3A_1116 = arith.constant 18 : i32
        %broadcast_in_dim3A_1117 = vector.broadcast %broadcast_in_dim3A_1116 : i32 to vector<16xi32>
        %select_n3A_1118 = arith.select %lt3A_1113, %broadcast_in_dim3A_1115, %broadcast_in_dim3A_1117 : vector<16xi1>, vector<16xi32>
        %gt3A_1119 = arith.cmpf ogt, %abs3A_1110, %select_n3A_1103 : vector<16xf32>
        %eq3A_1120 = arith.cmpf oeq, %abs3A_1110, %select_n3A_1103 : vector<16xf32>
        %lt3A_1121 = arith.cmpi slt, %select_n3A_1118, %select_n3A_1104 : vector<16xi32>
        %and3A_1122 = arith.andi %eq3A_1120, %lt3A_1121 : vector<16xi1>
        %or3A_1123 = arith.ori %gt3A_1119, %and3A_1122 : vector<16xi1>
        %select_n3A_1124 = arith.select %gt3A_1119, %abs3A_1110, %select_n3A_1103 : vector<16xi1>, vector<16xf32>
        %select_n3A_1125 = arith.select %or3A_1123, %select_n3A_1118, %select_n3A_1104 : vector<16xi1>, vector<16xi32>
        %get3A_1126 = arith.constant 51 : i32
        %get3A_1127 = arith.index_cast %get3A_1126 : i32 to index
        %get3A_1128 = arith.index_cast %mul3A_59 : i32 to index
        %get3A_1129 = tpu.vector_load %arg4[%get3A_1127, %get3A_1128] {strides = array<i32>} : memref<128x512xf32, #tpu.memory_space<vmem>>, vector<1x16xf32>,
        %get3A_1130 = vector.shape_cast %get3A_1129 : vector<1x16xf32> to vector<16xf32>
        %abs3A_1131 = math.absf %get3A_1130 : vector<16xf32>
        %lt3A_1132 = arith.constant 0.000000e+00 : f32
        %lt3A_1133 = vector.broadcast %lt3A_1132 : f32 to vector<16xf32>
        %lt3A_1134 = arith.cmpf olt, %get3A_1130, %lt3A_1133 : vector<16xf32>
        %broadcast_in_dim3A_1135 = arith.constant 51 : i32
        %broadcast_in_dim3A_1136 = vector.broadcast %broadcast_in_dim3A_1135 : i32 to vector<16xi32>
        %broadcast_in_dim3A_1137 = arith.constant 19 : i32
        %broadcast_in_dim3A_1138 = vector.broadcast %broadcast_in_dim3A_1137 : i32 to vector<16xi32>
        %select_n3A_1139 = arith.select %lt3A_1134, %broadcast_in_dim3A_1136, %broadcast_in_dim3A_1138 : vector<16xi1>, vector<16xi32>
        %gt3A_1140 = arith.cmpf ogt, %abs3A_1131, %select_n3A_1124 : vector<16xf32>
        %eq3A_1141 = arith.cmpf oeq, %abs3A_1131, %select_n3A_1124 : vector<16xf32>
        %lt3A_1142 = arith.cmpi slt, %select_n3A_1139, %select_n3A_1125 : vector<16xi32>
        %and3A_1143 = arith.andi %eq3A_1141, %lt3A_1142 : vector<16xi1>
        %or3A_1144 = arith.ori %gt3A_1140, %and3A_1143 : vector<16xi1>
        %select_n3A_1145 = arith.select %gt3A_1140, %abs3A_1131, %select_n3A_1124 : vector<16xi1>, vector<16xf32>
        %select_n3A_1146 = arith.select %or3A_1144, %select_n3A_1139, %select_n3A_1125 : vector<16xi1>, vector<16xi32>
        %get3A_1147 = arith.constant 52 : i32
        %get3A_1148 = arith.index_cast %get3A_1147 : i32 to index
        %get3A_1149 = arith.index_cast %mul3A_59 : i32 to index
        %get3A_1150 = tpu.vector_load %arg4[%get3A_1148, %get3A_1149] {strides = array<i32>} : memref<128x512xf32, #tpu.memory_space<vmem>>, vector<1x16xf32>,
        %get3A_1151 = vector.shape_cast %get3A_1150 : vector<1x16xf32> to vector<16xf32>
        %abs3A_1152 = math.absf %get3A_1151 : vector<16xf32>
        %lt3A_1153 = arith.constant 0.000000e+00 : f32
        %lt3A_1154 = vector.broadcast %lt3A_1153 : f32 to vector<16xf32>
        %lt3A_1155 = arith.cmpf olt, %get3A_1151, %lt3A_1154 : vector<16xf32>
        %broadcast_in_dim3A_1156 = arith.constant 52 : i32
        %broadcast_in_dim3A_1157 = vector.broadcast %broadcast_in_dim3A_1156 : i32 to vector<16xi32>
        %broadcast_in_dim3A_1158 = arith.constant 20 : i32
        %broadcast_in_dim3A_1159 = vector.broadcast %broadcast_in_dim3A_1158 : i32 to vector<16xi32>
        %select_n3A_1160 = arith.select %lt3A_1155, %broadcast_in_dim3A_1157, %broadcast_in_dim3A_1159 : vector<16xi1>, vector<16xi32>
        %gt3A_1161 = arith.cmpf ogt, %abs3A_1152, %select_n3A_1145 : vector<16xf32>
        %eq3A_1162 = arith.cmpf oeq, %abs3A_1152, %select_n3A_1145 : vector<16xf32>
        %lt3A_1163 = arith.cmpi slt, %select_n3A_1160, %select_n3A_1146 : vector<16xi32>
        %and3A_1164 = arith.andi %eq3A_1162, %lt3A_1163 : vector<16xi1>
        %or3A_1165 = arith.ori %gt3A_1161, %and3A_1164 : vector<16xi1>
        %select_n3A_1166 = arith.select %gt3A_1161, %abs3A_1152, %select_n3A_1145 : vector<16xi1>, vector<16xf32>
        %select_n3A_1167 = arith.select %or3A_1165, %select_n3A_1160, %select_n3A_1146 : vector<16xi1>, vector<16xi32>
        %get3A_1168 = arith.constant 53 : i32
        %get3A_1169 = arith.index_cast %get3A_1168 : i32 to index
        %get3A_1170 = arith.index_cast %mul3A_59 : i32 to index
        %get3A_1171 = tpu.vector_load %arg4[%get3A_1169, %get3A_1170] {strides = array<i32>} : memref<128x512xf32, #tpu.memory_space<vmem>>, vector<1x16xf32>,
        %get3A_1172 = vector.shape_cast %get3A_1171 : vector<1x16xf32> to vector<16xf32>
        %abs3A_1173 = math.absf %get3A_1172 : vector<16xf32>
        %lt3A_1174 = arith.constant 0.000000e+00 : f32
        %lt3A_1175 = vector.broadcast %lt3A_1174 : f32 to vector<16xf32>
        %lt3A_1176 = arith.cmpf olt, %get3A_1172, %lt3A_1175 : vector<16xf32>
        %broadcast_in_dim3A_1177 = arith.constant 53 : i32
        %broadcast_in_dim3A_1178 = vector.broadcast %broadcast_in_dim3A_1177 : i32 to vector<16xi32>
        %broadcast_in_dim3A_1179 = arith.constant 21 : i32
        %broadcast_in_dim3A_1180 = vector.broadcast %broadcast_in_dim3A_1179 : i32 to vector<16xi32>
        %select_n3A_1181 = arith.select %lt3A_1176, %broadcast_in_dim3A_1178, %broadcast_in_dim3A_1180 : vector<16xi1>, vector<16xi32>
        %gt3A_1182 = arith.cmpf ogt, %abs3A_1173, %select_n3A_1166 : vector<16xf32>
        %eq3A_1183 = arith.cmpf oeq, %abs3A_1173, %select_n3A_1166 : vector<16xf32>
        %lt3A_1184 = arith.cmpi slt, %select_n3A_1181, %select_n3A_1167 : vector<16xi32>
        %and3A_1185 = arith.andi %eq3A_1183, %lt3A_1184 : vector<16xi1>
        %or3A_1186 = arith.ori %gt3A_1182, %and3A_1185 : vector<16xi1>
        %select_n3A_1187 = arith.select %gt3A_1182, %abs3A_1173, %select_n3A_1166 : vector<16xi1>, vector<16xf32>
        %select_n3A_1188 = arith.select %or3A_1186, %select_n3A_1181, %select_n3A_1167 : vector<16xi1>, vector<16xi32>
        %get3A_1189 = arith.constant 54 : i32
        %get3A_1190 = arith.index_cast %get3A_1189 : i32 to index
        %get3A_1191 = arith.index_cast %mul3A_59 : i32 to index
        %get3A_1192 = tpu.vector_load %arg4[%get3A_1190, %get3A_1191] {strides = array<i32>} : memref<128x512xf32, #tpu.memory_space<vmem>>, vector<1x16xf32>,
        %get3A_1193 = vector.shape_cast %get3A_1192 : vector<1x16xf32> to vector<16xf32>
        %abs3A_1194 = math.absf %get3A_1193 : vector<16xf32>
        %lt3A_1195 = arith.constant 0.000000e+00 : f32
        %lt3A_1196 = vector.broadcast %lt3A_1195 : f32 to vector<16xf32>
        %lt3A_1197 = arith.cmpf olt, %get3A_1193, %lt3A_1196 : vector<16xf32>
        %broadcast_in_dim3A_1198 = arith.constant 54 : i32
        %broadcast_in_dim3A_1199 = vector.broadcast %broadcast_in_dim3A_1198 : i32 to vector<16xi32>
        %broadcast_in_dim3A_1200 = arith.constant 22 : i32
        %broadcast_in_dim3A_1201 = vector.broadcast %broadcast_in_dim3A_1200 : i32 to vector<16xi32>
        %select_n3A_1202 = arith.select %lt3A_1197, %broadcast_in_dim3A_1199, %broadcast_in_dim3A_1201 : vector<16xi1>, vector<16xi32>
        %gt3A_1203 = arith.cmpf ogt, %abs3A_1194, %select_n3A_1187 : vector<16xf32>
        %eq3A_1204 = arith.cmpf oeq, %abs3A_1194, %select_n3A_1187 : vector<16xf32>
        %lt3A_1205 = arith.cmpi slt, %select_n3A_1202, %select_n3A_1188 : vector<16xi32>
        %and3A_1206 = arith.andi %eq3A_1204, %lt3A_1205 : vector<16xi1>
        %or3A_1207 = arith.ori %gt3A_1203, %and3A_1206 : vector<16xi1>
        %select_n3A_1208 = arith.select %gt3A_1203, %abs3A_1194, %select_n3A_1187 : vector<16xi1>, vector<16xf32>
        %select_n3A_1209 = arith.select %or3A_1207, %select_n3A_1202, %select_n3A_1188 : vector<16xi1>, vector<16xi32>
        %get3A_1210 = arith.constant 55 : i32
        %get3A_1211 = arith.index_cast %get3A_1210 : i32 to index
        %get3A_1212 = arith.index_cast %mul3A_59 : i32 to index
        %get3A_1213 = tpu.vector_load %arg4[%get3A_1211, %get3A_1212] {strides = array<i32>} : memref<128x512xf32, #tpu.memory_space<vmem>>, vector<1x16xf32>,
        %get3A_1214 = vector.shape_cast %get3A_1213 : vector<1x16xf32> to vector<16xf32>
        %abs3A_1215 = math.absf %get3A_1214 : vector<16xf32>
        %lt3A_1216 = arith.constant 0.000000e+00 : f32
        %lt3A_1217 = vector.broadcast %lt3A_1216 : f32 to vector<16xf32>
        %lt3A_1218 = arith.cmpf olt, %get3A_1214, %lt3A_1217 : vector<16xf32>
        %broadcast_in_dim3A_1219 = arith.constant 55 : i32
        %broadcast_in_dim3A_1220 = vector.broadcast %broadcast_in_dim3A_1219 : i32 to vector<16xi32>
        %broadcast_in_dim3A_1221 = arith.constant 23 : i32
        %broadcast_in_dim3A_1222 = vector.broadcast %broadcast_in_dim3A_1221 : i32 to vector<16xi32>
        %select_n3A_1223 = arith.select %lt3A_1218, %broadcast_in_dim3A_1220, %broadcast_in_dim3A_1222 : vector<16xi1>, vector<16xi32>
        %gt3A_1224 = arith.cmpf ogt, %abs3A_1215, %select_n3A_1208 : vector<16xf32>
        %eq3A_1225 = arith.cmpf oeq, %abs3A_1215, %select_n3A_1208 : vector<16xf32>
        %lt3A_1226 = arith.cmpi slt, %select_n3A_1223, %select_n3A_1209 : vector<16xi32>
        %and3A_1227 = arith.andi %eq3A_1225, %lt3A_1226 : vector<16xi1>
        %or3A_1228 = arith.ori %gt3A_1224, %and3A_1227 : vector<16xi1>
        %select_n3A_1229 = arith.select %gt3A_1224, %abs3A_1215, %select_n3A_1208 : vector<16xi1>, vector<16xf32>
        %select_n3A_1230 = arith.select %or3A_1228, %select_n3A_1223, %select_n3A_1209 : vector<16xi1>, vector<16xi32>
        %get3A_1231 = arith.constant 56 : i32
        %get3A_1232 = arith.index_cast %get3A_1231 : i32 to index
        %get3A_1233 = arith.index_cast %mul3A_59 : i32 to index
        %get3A_1234 = tpu.vector_load %arg4[%get3A_1232, %get3A_1233] {strides = array<i32>} : memref<128x512xf32, #tpu.memory_space<vmem>>, vector<1x16xf32>,
        %get3A_1235 = vector.shape_cast %get3A_1234 : vector<1x16xf32> to vector<16xf32>
        %abs3A_1236 = math.absf %get3A_1235 : vector<16xf32>
        %lt3A_1237 = arith.constant 0.000000e+00 : f32
        %lt3A_1238 = vector.broadcast %lt3A_1237 : f32 to vector<16xf32>
        %lt3A_1239 = arith.cmpf olt, %get3A_1235, %lt3A_1238 : vector<16xf32>
        %broadcast_in_dim3A_1240 = arith.constant 56 : i32
        %broadcast_in_dim3A_1241 = vector.broadcast %broadcast_in_dim3A_1240 : i32 to vector<16xi32>
        %broadcast_in_dim3A_1242 = arith.constant 24 : i32
        %broadcast_in_dim3A_1243 = vector.broadcast %broadcast_in_dim3A_1242 : i32 to vector<16xi32>
        %select_n3A_1244 = arith.select %lt3A_1239, %broadcast_in_dim3A_1241, %broadcast_in_dim3A_1243 : vector<16xi1>, vector<16xi32>
        %gt3A_1245 = arith.cmpf ogt, %abs3A_1236, %select_n3A_1229 : vector<16xf32>
        %eq3A_1246 = arith.cmpf oeq, %abs3A_1236, %select_n3A_1229 : vector<16xf32>
        %lt3A_1247 = arith.cmpi slt, %select_n3A_1244, %select_n3A_1230 : vector<16xi32>
        %and3A_1248 = arith.andi %eq3A_1246, %lt3A_1247 : vector<16xi1>
        %or3A_1249 = arith.ori %gt3A_1245, %and3A_1248 : vector<16xi1>
        %select_n3A_1250 = arith.select %gt3A_1245, %abs3A_1236, %select_n3A_1229 : vector<16xi1>, vector<16xf32>
        %select_n3A_1251 = arith.select %or3A_1249, %select_n3A_1244, %select_n3A_1230 : vector<16xi1>, vector<16xi32>
        %get3A_1252 = arith.constant 57 : i32
        %get3A_1253 = arith.index_cast %get3A_1252 : i32 to index
        %get3A_1254 = arith.index_cast %mul3A_59 : i32 to index
        %get3A_1255 = tpu.vector_load %arg4[%get3A_1253, %get3A_1254] {strides = array<i32>} : memref<128x512xf32, #tpu.memory_space<vmem>>, vector<1x16xf32>,
        %get3A_1256 = vector.shape_cast %get3A_1255 : vector<1x16xf32> to vector<16xf32>
        %abs3A_1257 = math.absf %get3A_1256 : vector<16xf32>
        %lt3A_1258 = arith.constant 0.000000e+00 : f32
        %lt3A_1259 = vector.broadcast %lt3A_1258 : f32 to vector<16xf32>
        %lt3A_1260 = arith.cmpf olt, %get3A_1256, %lt3A_1259 : vector<16xf32>
        %broadcast_in_dim3A_1261 = arith.constant 57 : i32
        %broadcast_in_dim3A_1262 = vector.broadcast %broadcast_in_dim3A_1261 : i32 to vector<16xi32>
        %broadcast_in_dim3A_1263 = arith.constant 25 : i32
        %broadcast_in_dim3A_1264 = vector.broadcast %broadcast_in_dim3A_1263 : i32 to vector<16xi32>
        %select_n3A_1265 = arith.select %lt3A_1260, %broadcast_in_dim3A_1262, %broadcast_in_dim3A_1264 : vector<16xi1>, vector<16xi32>
        %gt3A_1266 = arith.cmpf ogt, %abs3A_1257, %select_n3A_1250 : vector<16xf32>
        %eq3A_1267 = arith.cmpf oeq, %abs3A_1257, %select_n3A_1250 : vector<16xf32>
        %lt3A_1268 = arith.cmpi slt, %select_n3A_1265, %select_n3A_1251 : vector<16xi32>
        %and3A_1269 = arith.andi %eq3A_1267, %lt3A_1268 : vector<16xi1>
        %or3A_1270 = arith.ori %gt3A_1266, %and3A_1269 : vector<16xi1>
        %select_n3A_1271 = arith.select %gt3A_1266, %abs3A_1257, %select_n3A_1250 : vector<16xi1>, vector<16xf32>
        %select_n3A_1272 = arith.select %or3A_1270, %select_n3A_1265, %select_n3A_1251 : vector<16xi1>, vector<16xi32>
        %get3A_1273 = arith.constant 58 : i32
        %get3A_1274 = arith.index_cast %get3A_1273 : i32 to index
        %get3A_1275 = arith.index_cast %mul3A_59 : i32 to index
        %get3A_1276 = tpu.vector_load %arg4[%get3A_1274, %get3A_1275] {strides = array<i32>} : memref<128x512xf32, #tpu.memory_space<vmem>>, vector<1x16xf32>,
        %get3A_1277 = vector.shape_cast %get3A_1276 : vector<1x16xf32> to vector<16xf32>
        %abs3A_1278 = math.absf %get3A_1277 : vector<16xf32>
        %lt3A_1279 = arith.constant 0.000000e+00 : f32
        %lt3A_1280 = vector.broadcast %lt3A_1279 : f32 to vector<16xf32>
        %lt3A_1281 = arith.cmpf olt, %get3A_1277, %lt3A_1280 : vector<16xf32>
        %broadcast_in_dim3A_1282 = arith.constant 58 : i32
        %broadcast_in_dim3A_1283 = vector.broadcast %broadcast_in_dim3A_1282 : i32 to vector<16xi32>
        %broadcast_in_dim3A_1284 = arith.constant 26 : i32
        %broadcast_in_dim3A_1285 = vector.broadcast %broadcast_in_dim3A_1284 : i32 to vector<16xi32>
        %select_n3A_1286 = arith.select %lt3A_1281, %broadcast_in_dim3A_1283, %broadcast_in_dim3A_1285 : vector<16xi1>, vector<16xi32>
        %gt3A_1287 = arith.cmpf ogt, %abs3A_1278, %select_n3A_1271 : vector<16xf32>
        %eq3A_1288 = arith.cmpf oeq, %abs3A_1278, %select_n3A_1271 : vector<16xf32>
        %lt3A_1289 = arith.cmpi slt, %select_n3A_1286, %select_n3A_1272 : vector<16xi32>
        %and3A_1290 = arith.andi %eq3A_1288, %lt3A_1289 : vector<16xi1>
        %or3A_1291 = arith.ori %gt3A_1287, %and3A_1290 : vector<16xi1>
        %select_n3A_1292 = arith.select %gt3A_1287, %abs3A_1278, %select_n3A_1271 : vector<16xi1>, vector<16xf32>
        %select_n3A_1293 = arith.select %or3A_1291, %select_n3A_1286, %select_n3A_1272 : vector<16xi1>, vector<16xi32>
        %get3A_1294 = arith.constant 59 : i32
        %get3A_1295 = arith.index_cast %get3A_1294 : i32 to index
        %get3A_1296 = arith.index_cast %mul3A_59 : i32 to index
        %get3A_1297 = tpu.vector_load %arg4[%get3A_1295, %get3A_1296] {strides = array<i32>} : memref<128x512xf32, #tpu.memory_space<vmem>>, vector<1x16xf32>,
        %get3A_1298 = vector.shape_cast %get3A_1297 : vector<1x16xf32> to vector<16xf32>
        %abs3A_1299 = math.absf %get3A_1298 : vector<16xf32>
        %lt3A_1300 = arith.constant 0.000000e+00 : f32
        %lt3A_1301 = vector.broadcast %lt3A_1300 : f32 to vector<16xf32>
        %lt3A_1302 = arith.cmpf olt, %get3A_1298, %lt3A_1301 : vector<16xf32>
        %broadcast_in_dim3A_1303 = arith.constant 59 : i32
        %broadcast_in_dim3A_1304 = vector.broadcast %broadcast_in_dim3A_1303 : i32 to vector<16xi32>
        %broadcast_in_dim3A_1305 = arith.constant 27 : i32
        %broadcast_in_dim3A_1306 = vector.broadcast %broadcast_in_dim3A_1305 : i32 to vector<16xi32>
        %select_n3A_1307 = arith.select %lt3A_1302, %broadcast_in_dim3A_1304, %broadcast_in_dim3A_1306 : vector<16xi1>, vector<16xi32>
        %gt3A_1308 = arith.cmpf ogt, %abs3A_1299, %select_n3A_1292 : vector<16xf32>
        %eq3A_1309 = arith.cmpf oeq, %abs3A_1299, %select_n3A_1292 : vector<16xf32>
        %lt3A_1310 = arith.cmpi slt, %select_n3A_1307, %select_n3A_1293 : vector<16xi32>
        %and3A_1311 = arith.andi %eq3A_1309, %lt3A_1310 : vector<16xi1>
        %or3A_1312 = arith.ori %gt3A_1308, %and3A_1311 : vector<16xi1>
        %select_n3A_1313 = arith.select %gt3A_1308, %abs3A_1299, %select_n3A_1292 : vector<16xi1>, vector<16xf32>
        %select_n3A_1314 = arith.select %or3A_1312, %select_n3A_1307, %select_n3A_1293 : vector<16xi1>, vector<16xi32>
        %get3A_1315 = arith.constant 60 : i32
        %get3A_1316 = arith.index_cast %get3A_1315 : i32 to index
        %get3A_1317 = arith.index_cast %mul3A_59 : i32 to index
        %get3A_1318 = tpu.vector_load %arg4[%get3A_1316, %get3A_1317] {strides = array<i32>} : memref<128x512xf32, #tpu.memory_space<vmem>>, vector<1x16xf32>,
        %get3A_1319 = vector.shape_cast %get3A_1318 : vector<1x16xf32> to vector<16xf32>
        %abs3A_1320 = math.absf %get3A_1319 : vector<16xf32>
        %lt3A_1321 = arith.constant 0.000000e+00 : f32
        %lt3A_1322 = vector.broadcast %lt3A_1321 : f32 to vector<16xf32>
        %lt3A_1323 = arith.cmpf olt, %get3A_1319, %lt3A_1322 : vector<16xf32>
        %broadcast_in_dim3A_1324 = arith.constant 60 : i32
        %broadcast_in_dim3A_1325 = vector.broadcast %broadcast_in_dim3A_1324 : i32 to vector<16xi32>
        %broadcast_in_dim3A_1326 = arith.constant 28 : i32
        %broadcast_in_dim3A_1327 = vector.broadcast %broadcast_in_dim3A_1326 : i32 to vector<16xi32>
        %select_n3A_1328 = arith.select %lt3A_1323, %broadcast_in_dim3A_1325, %broadcast_in_dim3A_1327 : vector<16xi1>, vector<16xi32>
        %gt3A_1329 = arith.cmpf ogt, %abs3A_1320, %select_n3A_1313 : vector<16xf32>
        %eq3A_1330 = arith.cmpf oeq, %abs3A_1320, %select_n3A_1313 : vector<16xf32>
        %lt3A_1331 = arith.cmpi slt, %select_n3A_1328, %select_n3A_1314 : vector<16xi32>
        %and3A_1332 = arith.andi %eq3A_1330, %lt3A_1331 : vector<16xi1>
        %or3A_1333 = arith.ori %gt3A_1329, %and3A_1332 : vector<16xi1>
        %select_n3A_1334 = arith.select %gt3A_1329, %abs3A_1320, %select_n3A_1313 : vector<16xi1>, vector<16xf32>
        %select_n3A_1335 = arith.select %or3A_1333, %select_n3A_1328, %select_n3A_1314 : vector<16xi1>, vector<16xi32>
        %get3A_1336 = arith.constant 61 : i32
        %get3A_1337 = arith.index_cast %get3A_1336 : i32 to index
        %get3A_1338 = arith.index_cast %mul3A_59 : i32 to index
        %get3A_1339 = tpu.vector_load %arg4[%get3A_1337, %get3A_1338] {strides = array<i32>} : memref<128x512xf32, #tpu.memory_space<vmem>>, vector<1x16xf32>,
        %get3A_1340 = vector.shape_cast %get3A_1339 : vector<1x16xf32> to vector<16xf32>
        %abs3A_1341 = math.absf %get3A_1340 : vector<16xf32>
        %lt3A_1342 = arith.constant 0.000000e+00 : f32
        %lt3A_1343 = vector.broadcast %lt3A_1342 : f32 to vector<16xf32>
        %lt3A_1344 = arith.cmpf olt, %get3A_1340, %lt3A_1343 : vector<16xf32>
        %broadcast_in_dim3A_1345 = arith.constant 61 : i32
        %broadcast_in_dim3A_1346 = vector.broadcast %broadcast_in_dim3A_1345 : i32 to vector<16xi32>
        %broadcast_in_dim3A_1347 = arith.constant 29 : i32
        %broadcast_in_dim3A_1348 = vector.broadcast %broadcast_in_dim3A_1347 : i32 to vector<16xi32>
        %select_n3A_1349 = arith.select %lt3A_1344, %broadcast_in_dim3A_1346, %broadcast_in_dim3A_1348 : vector<16xi1>, vector<16xi32>
        %gt3A_1350 = arith.cmpf ogt, %abs3A_1341, %select_n3A_1334 : vector<16xf32>
        %eq3A_1351 = arith.cmpf oeq, %abs3A_1341, %select_n3A_1334 : vector<16xf32>
        %lt3A_1352 = arith.cmpi slt, %select_n3A_1349, %select_n3A_1335 : vector<16xi32>
        %and3A_1353 = arith.andi %eq3A_1351, %lt3A_1352 : vector<16xi1>
        %or3A_1354 = arith.ori %gt3A_1350, %and3A_1353 : vector<16xi1>
        %select_n3A_1355 = arith.select %gt3A_1350, %abs3A_1341, %select_n3A_1334 : vector<16xi1>, vector<16xf32>
        %select_n3A_1356 = arith.select %or3A_1354, %select_n3A_1349, %select_n3A_1335 : vector<16xi1>, vector<16xi32>
        %get3A_1357 = arith.constant 62 : i32
        %get3A_1358 = arith.index_cast %get3A_1357 : i32 to index
        %get3A_1359 = arith.index_cast %mul3A_59 : i32 to index
        %get3A_1360 = tpu.vector_load %arg4[%get3A_1358, %get3A_1359] {strides = array<i32>} : memref<128x512xf32, #tpu.memory_space<vmem>>, vector<1x16xf32>,
        %get3A_1361 = vector.shape_cast %get3A_1360 : vector<1x16xf32> to vector<16xf32>
        %abs3A_1362 = math.absf %get3A_1361 : vector<16xf32>
        %lt3A_1363 = arith.constant 0.000000e+00 : f32
        %lt3A_1364 = vector.broadcast %lt3A_1363 : f32 to vector<16xf32>
        %lt3A_1365 = arith.cmpf olt, %get3A_1361, %lt3A_1364 : vector<16xf32>
        %broadcast_in_dim3A_1366 = arith.constant 62 : i32
        %broadcast_in_dim3A_1367 = vector.broadcast %broadcast_in_dim3A_1366 : i32 to vector<16xi32>
        %broadcast_in_dim3A_1368 = arith.constant 30 : i32
        %broadcast_in_dim3A_1369 = vector.broadcast %broadcast_in_dim3A_1368 : i32 to vector<16xi32>
        %select_n3A_1370 = arith.select %lt3A_1365, %broadcast_in_dim3A_1367, %broadcast_in_dim3A_1369 : vector<16xi1>, vector<16xi32>
        %gt3A_1371 = arith.cmpf ogt, %abs3A_1362, %select_n3A_1355 : vector<16xf32>
        %eq3A_1372 = arith.cmpf oeq, %abs3A_1362, %select_n3A_1355 : vector<16xf32>
        %lt3A_1373 = arith.cmpi slt, %select_n3A_1370, %select_n3A_1356 : vector<16xi32>
        %and3A_1374 = arith.andi %eq3A_1372, %lt3A_1373 : vector<16xi1>
        %or3A_1375 = arith.ori %gt3A_1371, %and3A_1374 : vector<16xi1>
        %select_n3A_1376 = arith.select %gt3A_1371, %abs3A_1362, %select_n3A_1355 : vector<16xi1>, vector<16xf32>
        %select_n3A_1377 = arith.select %or3A_1375, %select_n3A_1370, %select_n3A_1356 : vector<16xi1>, vector<16xi32>
        %get3A_1378 = arith.constant 63 : i32
        %get3A_1379 = arith.index_cast %get3A_1378 : i32 to index
        %get3A_1380 = arith.index_cast %mul3A_59 : i32 to index
        %get3A_1381 = tpu.vector_load %arg4[%get3A_1379, %get3A_1380] {strides = array<i32>} : memref<128x512xf32, #tpu.memory_space<vmem>>, vector<1x16xf32>,
        %get3A_1382 = vector.shape_cast %get3A_1381 : vector<1x16xf32> to vector<16xf32>
        %abs3A_1383 = math.absf %get3A_1382 : vector<16xf32>
        %lt3A_1384 = arith.constant 0.000000e+00 : f32
        %lt3A_1385 = vector.broadcast %lt3A_1384 : f32 to vector<16xf32>
        %lt3A_1386 = arith.cmpf olt, %get3A_1382, %lt3A_1385 : vector<16xf32>
        %broadcast_in_dim3A_1387 = arith.constant 63 : i32
        %broadcast_in_dim3A_1388 = vector.broadcast %broadcast_in_dim3A_1387 : i32 to vector<16xi32>
        %broadcast_in_dim3A_1389 = arith.constant 31 : i32
        %broadcast_in_dim3A_1390 = vector.broadcast %broadcast_in_dim3A_1389 : i32 to vector<16xi32>
        %select_n3A_1391 = arith.select %lt3A_1386, %broadcast_in_dim3A_1388, %broadcast_in_dim3A_1390 : vector<16xi1>, vector<16xi32>
        %gt3A_1392 = arith.cmpf ogt, %abs3A_1383, %select_n3A_1376 : vector<16xf32>
        %eq3A_1393 = arith.cmpf oeq, %abs3A_1383, %select_n3A_1376 : vector<16xf32>
        %lt3A_1394 = arith.cmpi slt, %select_n3A_1391, %select_n3A_1377 : vector<16xi32>
        %and3A_1395 = arith.andi %eq3A_1393, %lt3A_1394 : vector<16xi1>
        %or3A_1396 = arith.ori %gt3A_1392, %and3A_1395 : vector<16xi1>
        %select_n3A_1397 = arith.select %gt3A_1392, %abs3A_1383, %select_n3A_1376 : vector<16xi1>, vector<16xf32>
        %select_n3A_1398 = arith.select %or3A_1396, %select_n3A_1391, %select_n3A_1377 : vector<16xi1>, vector<16xi32>
        %iota3A_1399 = tpu.iota {dimensions = array<i32: 0>} : vector<16xi32>
        %mul3A_1400 = arith.constant 16 : i32
        %mul3A_1401 = arith.muli %scan3A_56, %mul3A_1400 : i32
        %add3A_1402 = arith.addi %mul3A_45, %mul3A_1401 : i32
        %add3A_1403 = vector.broadcast %add3A_1402 : i32 to vector<16xi32>
        %add3A_1404 = arith.addi %iota3A_1399, %add3A_1403 : vector<16xi32>
        %mul3A_1405 = arith.constant 4096 : i32
        %mul3A_1406 = vector.broadcast %mul3A_1405 : i32 to vector<16xi32>
        %mul3A_1407 = arith.muli %select_n3A_1398, %mul3A_1406 : vector<16xi32>
        %add3A_1408 = arith.addi %mul3A_1407, %add3A_1404 : vector<16xi32>
        %swap3A_1409 = arith.constant 1 : i32
        %swap3A_1410 = arith.index_cast %swap3A_1409 : i32 to index
        %swap3A_1411 = arith.index_cast %mul3A_59 : i32 to index
        %swap3A_1412 = tpu.vector_load %arg5[%swap3A_1410, %swap3A_1411] {strides = array<i32>} : memref<4x512xi32, #tpu.memory_space<vmem>>, vector<1x16xi32>,
        %swap3A_1413 = vector.shape_cast %swap3A_1412 : vector<1x16xi32> to vector<16xi32>
        %swap3A_1414 = vector.shape_cast %add3A_1408 : vector<16xi32> to vector<1x16xi32>
        tpu.vector_store %arg5[%swap3A_1410, %swap3A_1411], %swap3A_1414 {strides = array<i32>} : memref<4x512xi32, #tpu.memory_space<vmem>>, vector<1x16xi32>,
        %get3A_1415 = arith.constant 64 : i32
        %get3A_1416 = arith.index_cast %get3A_1415 : i32 to index
        %get3A_1417 = arith.index_cast %mul3A_59 : i32 to index
        %get3A_1418 = tpu.vector_load %arg4[%get3A_1416, %get3A_1417] {strides = array<i32>} : memref<128x512xf32, #tpu.memory_space<vmem>>, vector<1x16xf32>,
        %get3A_1419 = vector.shape_cast %get3A_1418 : vector<1x16xf32> to vector<16xf32>
        %abs3A_1420 = math.absf %get3A_1419 : vector<16xf32>
        %lt3A_1421 = arith.constant 0.000000e+00 : f32
        %lt3A_1422 = vector.broadcast %lt3A_1421 : f32 to vector<16xf32>
        %lt3A_1423 = arith.cmpf olt, %get3A_1419, %lt3A_1422 : vector<16xf32>
        %broadcast_in_dim3A_1424 = arith.constant 32 : i32
        %broadcast_in_dim3A_1425 = vector.broadcast %broadcast_in_dim3A_1424 : i32 to vector<16xi32>
        %broadcast_in_dim3A_1426 = arith.constant 0 : i32
        %broadcast_in_dim3A_1427 = vector.broadcast %broadcast_in_dim3A_1426 : i32 to vector<16xi32>
        %select_n3A_1428 = arith.select %lt3A_1423, %broadcast_in_dim3A_1425, %broadcast_in_dim3A_1427 : vector<16xi1>, vector<16xi32>
        %get3A_1429 = arith.constant 65 : i32
        %get3A_1430 = arith.index_cast %get3A_1429 : i32 to index
        %get3A_1431 = arith.index_cast %mul3A_59 : i32 to index
        %get3A_1432 = tpu.vector_load %arg4[%get3A_1430, %get3A_1431] {strides = array<i32>} : memref<128x512xf32, #tpu.memory_space<vmem>>, vector<1x16xf32>,
        %get3A_1433 = vector.shape_cast %get3A_1432 : vector<1x16xf32> to vector<16xf32>
        %abs3A_1434 = math.absf %get3A_1433 : vector<16xf32>
        %lt3A_1435 = arith.constant 0.000000e+00 : f32
        %lt3A_1436 = vector.broadcast %lt3A_1435 : f32 to vector<16xf32>
        %lt3A_1437 = arith.cmpf olt, %get3A_1433, %lt3A_1436 : vector<16xf32>
        %broadcast_in_dim3A_1438 = arith.constant 33 : i32
        %broadcast_in_dim3A_1439 = vector.broadcast %broadcast_in_dim3A_1438 : i32 to vector<16xi32>
        %broadcast_in_dim3A_1440 = arith.constant 1 : i32
        %broadcast_in_dim3A_1441 = vector.broadcast %broadcast_in_dim3A_1440 : i32 to vector<16xi32>
        %select_n3A_1442 = arith.select %lt3A_1437, %broadcast_in_dim3A_1439, %broadcast_in_dim3A_1441 : vector<16xi1>, vector<16xi32>
        %gt3A_1443 = arith.cmpf ogt, %abs3A_1434, %abs3A_1420 : vector<16xf32>
        %eq3A_1444 = arith.cmpf oeq, %abs3A_1434, %abs3A_1420 : vector<16xf32>
        %lt3A_1445 = arith.cmpi slt, %select_n3A_1442, %select_n3A_1428 : vector<16xi32>
        %and3A_1446 = arith.andi %eq3A_1444, %lt3A_1445 : vector<16xi1>
        %or3A_1447 = arith.ori %gt3A_1443, %and3A_1446 : vector<16xi1>
        %select_n3A_1448 = arith.select %gt3A_1443, %abs3A_1434, %abs3A_1420 : vector<16xi1>, vector<16xf32>
        %select_n3A_1449 = arith.select %or3A_1447, %select_n3A_1442, %select_n3A_1428 : vector<16xi1>, vector<16xi32>
        %get3A_1450 = arith.constant 66 : i32
        %get3A_1451 = arith.index_cast %get3A_1450 : i32 to index
        %get3A_1452 = arith.index_cast %mul3A_59 : i32 to index
        %get3A_1453 = tpu.vector_load %arg4[%get3A_1451, %get3A_1452] {strides = array<i32>} : memref<128x512xf32, #tpu.memory_space<vmem>>, vector<1x16xf32>,
        %get3A_1454 = vector.shape_cast %get3A_1453 : vector<1x16xf32> to vector<16xf32>
        %abs3A_1455 = math.absf %get3A_1454 : vector<16xf32>
        %lt3A_1456 = arith.constant 0.000000e+00 : f32
        %lt3A_1457 = vector.broadcast %lt3A_1456 : f32 to vector<16xf32>
        %lt3A_1458 = arith.cmpf olt, %get3A_1454, %lt3A_1457 : vector<16xf32>
        %broadcast_in_dim3A_1459 = arith.constant 34 : i32
        %broadcast_in_dim3A_1460 = vector.broadcast %broadcast_in_dim3A_1459 : i32 to vector<16xi32>
        %broadcast_in_dim3A_1461 = arith.constant 2 : i32
        %broadcast_in_dim3A_1462 = vector.broadcast %broadcast_in_dim3A_1461 : i32 to vector<16xi32>
        %select_n3A_1463 = arith.select %lt3A_1458, %broadcast_in_dim3A_1460, %broadcast_in_dim3A_1462 : vector<16xi1>, vector<16xi32>
        %gt3A_1464 = arith.cmpf ogt, %abs3A_1455, %select_n3A_1448 : vector<16xf32>
        %eq3A_1465 = arith.cmpf oeq, %abs3A_1455, %select_n3A_1448 : vector<16xf32>
        %lt3A_1466 = arith.cmpi slt, %select_n3A_1463, %select_n3A_1449 : vector<16xi32>
        %and3A_1467 = arith.andi %eq3A_1465, %lt3A_1466 : vector<16xi1>
        %or3A_1468 = arith.ori %gt3A_1464, %and3A_1467 : vector<16xi1>
        %select_n3A_1469 = arith.select %gt3A_1464, %abs3A_1455, %select_n3A_1448 : vector<16xi1>, vector<16xf32>
        %select_n3A_1470 = arith.select %or3A_1468, %select_n3A_1463, %select_n3A_1449 : vector<16xi1>, vector<16xi32>
        %get3A_1471 = arith.constant 67 : i32
        %get3A_1472 = arith.index_cast %get3A_1471 : i32 to index
        %get3A_1473 = arith.index_cast %mul3A_59 : i32 to index
        %get3A_1474 = tpu.vector_load %arg4[%get3A_1472, %get3A_1473] {strides = array<i32>} : memref<128x512xf32, #tpu.memory_space<vmem>>, vector<1x16xf32>,
        %get3A_1475 = vector.shape_cast %get3A_1474 : vector<1x16xf32> to vector<16xf32>
        %abs3A_1476 = math.absf %get3A_1475 : vector<16xf32>
        %lt3A_1477 = arith.constant 0.000000e+00 : f32
        %lt3A_1478 = vector.broadcast %lt3A_1477 : f32 to vector<16xf32>
        %lt3A_1479 = arith.cmpf olt, %get3A_1475, %lt3A_1478 : vector<16xf32>
        %broadcast_in_dim3A_1480 = arith.constant 35 : i32
        %broadcast_in_dim3A_1481 = vector.broadcast %broadcast_in_dim3A_1480 : i32 to vector<16xi32>
        %broadcast_in_dim3A_1482 = arith.constant 3 : i32
        %broadcast_in_dim3A_1483 = vector.broadcast %broadcast_in_dim3A_1482 : i32 to vector<16xi32>
        %select_n3A_1484 = arith.select %lt3A_1479, %broadcast_in_dim3A_1481, %broadcast_in_dim3A_1483 : vector<16xi1>, vector<16xi32>
        %gt3A_1485 = arith.cmpf ogt, %abs3A_1476, %select_n3A_1469 : vector<16xf32>
        %eq3A_1486 = arith.cmpf oeq, %abs3A_1476, %select_n3A_1469 : vector<16xf32>
        %lt3A_1487 = arith.cmpi slt, %select_n3A_1484, %select_n3A_1470 : vector<16xi32>
        %and3A_1488 = arith.andi %eq3A_1486, %lt3A_1487 : vector<16xi1>
        %or3A_1489 = arith.ori %gt3A_1485, %and3A_1488 : vector<16xi1>
        %select_n3A_1490 = arith.select %gt3A_1485, %abs3A_1476, %select_n3A_1469 : vector<16xi1>, vector<16xf32>
        %select_n3A_1491 = arith.select %or3A_1489, %select_n3A_1484, %select_n3A_1470 : vector<16xi1>, vector<16xi32>
        %get3A_1492 = arith.constant 68 : i32
        %get3A_1493 = arith.index_cast %get3A_1492 : i32 to index
        %get3A_1494 = arith.index_cast %mul3A_59 : i32 to index
        %get3A_1495 = tpu.vector_load %arg4[%get3A_1493, %get3A_1494] {strides = array<i32>} : memref<128x512xf32, #tpu.memory_space<vmem>>, vector<1x16xf32>,
        %get3A_1496 = vector.shape_cast %get3A_1495 : vector<1x16xf32> to vector<16xf32>
        %abs3A_1497 = math.absf %get3A_1496 : vector<16xf32>
        %lt3A_1498 = arith.constant 0.000000e+00 : f32
        %lt3A_1499 = vector.broadcast %lt3A_1498 : f32 to vector<16xf32>
        %lt3A_1500 = arith.cmpf olt, %get3A_1496, %lt3A_1499 : vector<16xf32>
        %broadcast_in_dim3A_1501 = arith.constant 36 : i32
        %broadcast_in_dim3A_1502 = vector.broadcast %broadcast_in_dim3A_1501 : i32 to vector<16xi32>
        %broadcast_in_dim3A_1503 = arith.constant 4 : i32
        %broadcast_in_dim3A_1504 = vector.broadcast %broadcast_in_dim3A_1503 : i32 to vector<16xi32>
        %select_n3A_1505 = arith.select %lt3A_1500, %broadcast_in_dim3A_1502, %broadcast_in_dim3A_1504 : vector<16xi1>, vector<16xi32>
        %gt3A_1506 = arith.cmpf ogt, %abs3A_1497, %select_n3A_1490 : vector<16xf32>
        %eq3A_1507 = arith.cmpf oeq, %abs3A_1497, %select_n3A_1490 : vector<16xf32>
        %lt3A_1508 = arith.cmpi slt, %select_n3A_1505, %select_n3A_1491 : vector<16xi32>
        %and3A_1509 = arith.andi %eq3A_1507, %lt3A_1508 : vector<16xi1>
        %or3A_1510 = arith.ori %gt3A_1506, %and3A_1509 : vector<16xi1>
        %select_n3A_1511 = arith.select %gt3A_1506, %abs3A_1497, %select_n3A_1490 : vector<16xi1>, vector<16xf32>
        %select_n3A_1512 = arith.select %or3A_1510, %select_n3A_1505, %select_n3A_1491 : vector<16xi1>, vector<16xi32>
        %get3A_1513 = arith.constant 69 : i32
        %get3A_1514 = arith.index_cast %get3A_1513 : i32 to index
        %get3A_1515 = arith.index_cast %mul3A_59 : i32 to index
        %get3A_1516 = tpu.vector_load %arg4[%get3A_1514, %get3A_1515] {strides = array<i32>} : memref<128x512xf32, #tpu.memory_space<vmem>>, vector<1x16xf32>,
        %get3A_1517 = vector.shape_cast %get3A_1516 : vector<1x16xf32> to vector<16xf32>
        %abs3A_1518 = math.absf %get3A_1517 : vector<16xf32>
        %lt3A_1519 = arith.constant 0.000000e+00 : f32
        %lt3A_1520 = vector.broadcast %lt3A_1519 : f32 to vector<16xf32>
        %lt3A_1521 = arith.cmpf olt, %get3A_1517, %lt3A_1520 : vector<16xf32>
        %broadcast_in_dim3A_1522 = arith.constant 37 : i32
        %broadcast_in_dim3A_1523 = vector.broadcast %broadcast_in_dim3A_1522 : i32 to vector<16xi32>
        %broadcast_in_dim3A_1524 = arith.constant 5 : i32
        %broadcast_in_dim3A_1525 = vector.broadcast %broadcast_in_dim3A_1524 : i32 to vector<16xi32>
        %select_n3A_1526 = arith.select %lt3A_1521, %broadcast_in_dim3A_1523, %broadcast_in_dim3A_1525 : vector<16xi1>, vector<16xi32>
        %gt3A_1527 = arith.cmpf ogt, %abs3A_1518, %select_n3A_1511 : vector<16xf32>
        %eq3A_1528 = arith.cmpf oeq, %abs3A_1518, %select_n3A_1511 : vector<16xf32>
        %lt3A_1529 = arith.cmpi slt, %select_n3A_1526, %select_n3A_1512 : vector<16xi32>
        %and3A_1530 = arith.andi %eq3A_1528, %lt3A_1529 : vector<16xi1>
        %or3A_1531 = arith.ori %gt3A_1527, %and3A_1530 : vector<16xi1>
        %select_n3A_1532 = arith.select %gt3A_1527, %abs3A_1518, %select_n3A_1511 : vector<16xi1>, vector<16xf32>
        %select_n3A_1533 = arith.select %or3A_1531, %select_n3A_1526, %select_n3A_1512 : vector<16xi1>, vector<16xi32>
        %get3A_1534 = arith.constant 70 : i32
        %get3A_1535 = arith.index_cast %get3A_1534 : i32 to index
        %get3A_1536 = arith.index_cast %mul3A_59 : i32 to index
        %get3A_1537 = tpu.vector_load %arg4[%get3A_1535, %get3A_1536] {strides = array<i32>} : memref<128x512xf32, #tpu.memory_space<vmem>>, vector<1x16xf32>,
        %get3A_1538 = vector.shape_cast %get3A_1537 : vector<1x16xf32> to vector<16xf32>
        %abs3A_1539 = math.absf %get3A_1538 : vector<16xf32>
        %lt3A_1540 = arith.constant 0.000000e+00 : f32
        %lt3A_1541 = vector.broadcast %lt3A_1540 : f32 to vector<16xf32>
        %lt3A_1542 = arith.cmpf olt, %get3A_1538, %lt3A_1541 : vector<16xf32>
        %broadcast_in_dim3A_1543 = arith.constant 38 : i32
        %broadcast_in_dim3A_1544 = vector.broadcast %broadcast_in_dim3A_1543 : i32 to vector<16xi32>
        %broadcast_in_dim3A_1545 = arith.constant 6 : i32
        %broadcast_in_dim3A_1546 = vector.broadcast %broadcast_in_dim3A_1545 : i32 to vector<16xi32>
        %select_n3A_1547 = arith.select %lt3A_1542, %broadcast_in_dim3A_1544, %broadcast_in_dim3A_1546 : vector<16xi1>, vector<16xi32>
        %gt3A_1548 = arith.cmpf ogt, %abs3A_1539, %select_n3A_1532 : vector<16xf32>
        %eq3A_1549 = arith.cmpf oeq, %abs3A_1539, %select_n3A_1532 : vector<16xf32>
        %lt3A_1550 = arith.cmpi slt, %select_n3A_1547, %select_n3A_1533 : vector<16xi32>
        %and3A_1551 = arith.andi %eq3A_1549, %lt3A_1550 : vector<16xi1>
        %or3A_1552 = arith.ori %gt3A_1548, %and3A_1551 : vector<16xi1>
        %select_n3A_1553 = arith.select %gt3A_1548, %abs3A_1539, %select_n3A_1532 : vector<16xi1>, vector<16xf32>
        %select_n3A_1554 = arith.select %or3A_1552, %select_n3A_1547, %select_n3A_1533 : vector<16xi1>, vector<16xi32>
        %get3A_1555 = arith.constant 71 : i32
        %get3A_1556 = arith.index_cast %get3A_1555 : i32 to index
        %get3A_1557 = arith.index_cast %mul3A_59 : i32 to index
        %get3A_1558 = tpu.vector_load %arg4[%get3A_1556, %get3A_1557] {strides = array<i32>} : memref<128x512xf32, #tpu.memory_space<vmem>>, vector<1x16xf32>,
        %get3A_1559 = vector.shape_cast %get3A_1558 : vector<1x16xf32> to vector<16xf32>
        %abs3A_1560 = math.absf %get3A_1559 : vector<16xf32>
        %lt3A_1561 = arith.constant 0.000000e+00 : f32
        %lt3A_1562 = vector.broadcast %lt3A_1561 : f32 to vector<16xf32>
        %lt3A_1563 = arith.cmpf olt, %get3A_1559, %lt3A_1562 : vector<16xf32>
        %broadcast_in_dim3A_1564 = arith.constant 39 : i32
        %broadcast_in_dim3A_1565 = vector.broadcast %broadcast_in_dim3A_1564 : i32 to vector<16xi32>
        %broadcast_in_dim3A_1566 = arith.constant 7 : i32
        %broadcast_in_dim3A_1567 = vector.broadcast %broadcast_in_dim3A_1566 : i32 to vector<16xi32>
        %select_n3A_1568 = arith.select %lt3A_1563, %broadcast_in_dim3A_1565, %broadcast_in_dim3A_1567 : vector<16xi1>, vector<16xi32>
        %gt3A_1569 = arith.cmpf ogt, %abs3A_1560, %select_n3A_1553 : vector<16xf32>
        %eq3A_1570 = arith.cmpf oeq, %abs3A_1560, %select_n3A_1553 : vector<16xf32>
        %lt3A_1571 = arith.cmpi slt, %select_n3A_1568, %select_n3A_1554 : vector<16xi32>
        %and3A_1572 = arith.andi %eq3A_1570, %lt3A_1571 : vector<16xi1>
        %or3A_1573 = arith.ori %gt3A_1569, %and3A_1572 : vector<16xi1>
        %select_n3A_1574 = arith.select %gt3A_1569, %abs3A_1560, %select_n3A_1553 : vector<16xi1>, vector<16xf32>
        %select_n3A_1575 = arith.select %or3A_1573, %select_n3A_1568, %select_n3A_1554 : vector<16xi1>, vector<16xi32>
        %get3A_1576 = arith.constant 72 : i32
        %get3A_1577 = arith.index_cast %get3A_1576 : i32 to index
        %get3A_1578 = arith.index_cast %mul3A_59 : i32 to index
        %get3A_1579 = tpu.vector_load %arg4[%get3A_1577, %get3A_1578] {strides = array<i32>} : memref<128x512xf32, #tpu.memory_space<vmem>>, vector<1x16xf32>,
        %get3A_1580 = vector.shape_cast %get3A_1579 : vector<1x16xf32> to vector<16xf32>
        %abs3A_1581 = math.absf %get3A_1580 : vector<16xf32>
        %lt3A_1582 = arith.constant 0.000000e+00 : f32
        %lt3A_1583 = vector.broadcast %lt3A_1582 : f32 to vector<16xf32>
        %lt3A_1584 = arith.cmpf olt, %get3A_1580, %lt3A_1583 : vector<16xf32>
        %broadcast_in_dim3A_1585 = arith.constant 40 : i32
        %broadcast_in_dim3A_1586 = vector.broadcast %broadcast_in_dim3A_1585 : i32 to vector<16xi32>
        %broadcast_in_dim3A_1587 = arith.constant 8 : i32
        %broadcast_in_dim3A_1588 = vector.broadcast %broadcast_in_dim3A_1587 : i32 to vector<16xi32>
        %select_n3A_1589 = arith.select %lt3A_1584, %broadcast_in_dim3A_1586, %broadcast_in_dim3A_1588 : vector<16xi1>, vector<16xi32>
        %gt3A_1590 = arith.cmpf ogt, %abs3A_1581, %select_n3A_1574 : vector<16xf32>
        %eq3A_1591 = arith.cmpf oeq, %abs3A_1581, %select_n3A_1574 : vector<16xf32>
        %lt3A_1592 = arith.cmpi slt, %select_n3A_1589, %select_n3A_1575 : vector<16xi32>
        %and3A_1593 = arith.andi %eq3A_1591, %lt3A_1592 : vector<16xi1>
        %or3A_1594 = arith.ori %gt3A_1590, %and3A_1593 : vector<16xi1>
        %select_n3A_1595 = arith.select %gt3A_1590, %abs3A_1581, %select_n3A_1574 : vector<16xi1>, vector<16xf32>
        %select_n3A_1596 = arith.select %or3A_1594, %select_n3A_1589, %select_n3A_1575 : vector<16xi1>, vector<16xi32>
        %get3A_1597 = arith.constant 73 : i32
        %get3A_1598 = arith.index_cast %get3A_1597 : i32 to index
        %get3A_1599 = arith.index_cast %mul3A_59 : i32 to index
        %get3A_1600 = tpu.vector_load %arg4[%get3A_1598, %get3A_1599] {strides = array<i32>} : memref<128x512xf32, #tpu.memory_space<vmem>>, vector<1x16xf32>,
        %get3A_1601 = vector.shape_cast %get3A_1600 : vector<1x16xf32> to vector<16xf32>
        %abs3A_1602 = math.absf %get3A_1601 : vector<16xf32>
        %lt3A_1603 = arith.constant 0.000000e+00 : f32
        %lt3A_1604 = vector.broadcast %lt3A_1603 : f32 to vector<16xf32>
        %lt3A_1605 = arith.cmpf olt, %get3A_1601, %lt3A_1604 : vector<16xf32>
        %broadcast_in_dim3A_1606 = arith.constant 41 : i32
        %broadcast_in_dim3A_1607 = vector.broadcast %broadcast_in_dim3A_1606 : i32 to vector<16xi32>
        %broadcast_in_dim3A_1608 = arith.constant 9 : i32
        %broadcast_in_dim3A_1609 = vector.broadcast %broadcast_in_dim3A_1608 : i32 to vector<16xi32>
        %select_n3A_1610 = arith.select %lt3A_1605, %broadcast_in_dim3A_1607, %broadcast_in_dim3A_1609 : vector<16xi1>, vector<16xi32>
        %gt3A_1611 = arith.cmpf ogt, %abs3A_1602, %select_n3A_1595 : vector<16xf32>
        %eq3A_1612 = arith.cmpf oeq, %abs3A_1602, %select_n3A_1595 : vector<16xf32>
        %lt3A_1613 = arith.cmpi slt, %select_n3A_1610, %select_n3A_1596 : vector<16xi32>
        %and3A_1614 = arith.andi %eq3A_1612, %lt3A_1613 : vector<16xi1>
        %or3A_1615 = arith.ori %gt3A_1611, %and3A_1614 : vector<16xi1>
        %select_n3A_1616 = arith.select %gt3A_1611, %abs3A_1602, %select_n3A_1595 : vector<16xi1>, vector<16xf32>
        %select_n3A_1617 = arith.select %or3A_1615, %select_n3A_1610, %select_n3A_1596 : vector<16xi1>, vector<16xi32>
        %get3A_1618 = arith.constant 74 : i32
        %get3A_1619 = arith.index_cast %get3A_1618 : i32 to index
        %get3A_1620 = arith.index_cast %mul3A_59 : i32 to index
        %get3A_1621 = tpu.vector_load %arg4[%get3A_1619, %get3A_1620] {strides = array<i32>} : memref<128x512xf32, #tpu.memory_space<vmem>>, vector<1x16xf32>,
        %get3A_1622 = vector.shape_cast %get3A_1621 : vector<1x16xf32> to vector<16xf32>
        %abs3A_1623 = math.absf %get3A_1622 : vector<16xf32>
        %lt3A_1624 = arith.constant 0.000000e+00 : f32
        %lt3A_1625 = vector.broadcast %lt3A_1624 : f32 to vector<16xf32>
        %lt3A_1626 = arith.cmpf olt, %get3A_1622, %lt3A_1625 : vector<16xf32>
        %broadcast_in_dim3A_1627 = arith.constant 42 : i32
        %broadcast_in_dim3A_1628 = vector.broadcast %broadcast_in_dim3A_1627 : i32 to vector<16xi32>
        %broadcast_in_dim3A_1629 = arith.constant 10 : i32
        %broadcast_in_dim3A_1630 = vector.broadcast %broadcast_in_dim3A_1629 : i32 to vector<16xi32>
        %select_n3A_1631 = arith.select %lt3A_1626, %broadcast_in_dim3A_1628, %broadcast_in_dim3A_1630 : vector<16xi1>, vector<16xi32>
        %gt3A_1632 = arith.cmpf ogt, %abs3A_1623, %select_n3A_1616 : vector<16xf32>
        %eq3A_1633 = arith.cmpf oeq, %abs3A_1623, %select_n3A_1616 : vector<16xf32>
        %lt3A_1634 = arith.cmpi slt, %select_n3A_1631, %select_n3A_1617 : vector<16xi32>
        %and3A_1635 = arith.andi %eq3A_1633, %lt3A_1634 : vector<16xi1>
        %or3A_1636 = arith.ori %gt3A_1632, %and3A_1635 : vector<16xi1>
        %select_n3A_1637 = arith.select %gt3A_1632, %abs3A_1623, %select_n3A_1616 : vector<16xi1>, vector<16xf32>
        %select_n3A_1638 = arith.select %or3A_1636, %select_n3A_1631, %select_n3A_1617 : vector<16xi1>, vector<16xi32>
        %get3A_1639 = arith.constant 75 : i32
        %get3A_1640 = arith.index_cast %get3A_1639 : i32 to index
        %get3A_1641 = arith.index_cast %mul3A_59 : i32 to index
        %get3A_1642 = tpu.vector_load %arg4[%get3A_1640, %get3A_1641] {strides = array<i32>} : memref<128x512xf32, #tpu.memory_space<vmem>>, vector<1x16xf32>,
        %get3A_1643 = vector.shape_cast %get3A_1642 : vector<1x16xf32> to vector<16xf32>
        %abs3A_1644 = math.absf %get3A_1643 : vector<16xf32>
        %lt3A_1645 = arith.constant 0.000000e+00 : f32
        %lt3A_1646 = vector.broadcast %lt3A_1645 : f32 to vector<16xf32>
        %lt3A_1647 = arith.cmpf olt, %get3A_1643, %lt3A_1646 : vector<16xf32>
        %broadcast_in_dim3A_1648 = arith.constant 43 : i32
        %broadcast_in_dim3A_1649 = vector.broadcast %broadcast_in_dim3A_1648 : i32 to vector<16xi32>
        %broadcast_in_dim3A_1650 = arith.constant 11 : i32
        %broadcast_in_dim3A_1651 = vector.broadcast %broadcast_in_dim3A_1650 : i32 to vector<16xi32>
        %select_n3A_1652 = arith.select %lt3A_1647, %broadcast_in_dim3A_1649, %broadcast_in_dim3A_1651 : vector<16xi1>, vector<16xi32>
        %gt3A_1653 = arith.cmpf ogt, %abs3A_1644, %select_n3A_1637 : vector<16xf32>
        %eq3A_1654 = arith.cmpf oeq, %abs3A_1644, %select_n3A_1637 : vector<16xf32>
        %lt3A_1655 = arith.cmpi slt, %select_n3A_1652, %select_n3A_1638 : vector<16xi32>
        %and3A_1656 = arith.andi %eq3A_1654, %lt3A_1655 : vector<16xi1>
        %or3A_1657 = arith.ori %gt3A_1653, %and3A_1656 : vector<16xi1>
        %select_n3A_1658 = arith.select %gt3A_1653, %abs3A_1644, %select_n3A_1637 : vector<16xi1>, vector<16xf32>
        %select_n3A_1659 = arith.select %or3A_1657, %select_n3A_1652, %select_n3A_1638 : vector<16xi1>, vector<16xi32>
        %get3A_1660 = arith.constant 76 : i32
        %get3A_1661 = arith.index_cast %get3A_1660 : i32 to index
        %get3A_1662 = arith.index_cast %mul3A_59 : i32 to index
        %get3A_1663 = tpu.vector_load %arg4[%get3A_1661, %get3A_1662] {strides = array<i32>} : memref<128x512xf32, #tpu.memory_space<vmem>>, vector<1x16xf32>,
        %get3A_1664 = vector.shape_cast %get3A_1663 : vector<1x16xf32> to vector<16xf32>
        %abs3A_1665 = math.absf %get3A_1664 : vector<16xf32>
        %lt3A_1666 = arith.constant 0.000000e+00 : f32
        %lt3A_1667 = vector.broadcast %lt3A_1666 : f32 to vector<16xf32>
        %lt3A_1668 = arith.cmpf olt, %get3A_1664, %lt3A_1667 : vector<16xf32>
        %broadcast_in_dim3A_1669 = arith.constant 44 : i32
        %broadcast_in_dim3A_1670 = vector.broadcast %broadcast_in_dim3A_1669 : i32 to vector<16xi32>
        %broadcast_in_dim3A_1671 = arith.constant 12 : i32
        %broadcast_in_dim3A_1672 = vector.broadcast %broadcast_in_dim3A_1671 : i32 to vector<16xi32>
        %select_n3A_1673 = arith.select %lt3A_1668, %broadcast_in_dim3A_1670, %broadcast_in_dim3A_1672 : vector<16xi1>, vector<16xi32>
        %gt3A_1674 = arith.cmpf ogt, %abs3A_1665, %select_n3A_1658 : vector<16xf32>
        %eq3A_1675 = arith.cmpf oeq, %abs3A_1665, %select_n3A_1658 : vector<16xf32>
        %lt3A_1676 = arith.cmpi slt, %select_n3A_1673, %select_n3A_1659 : vector<16xi32>
        %and3A_1677 = arith.andi %eq3A_1675, %lt3A_1676 : vector<16xi1>
        %or3A_1678 = arith.ori %gt3A_1674, %and3A_1677 : vector<16xi1>
        %select_n3A_1679 = arith.select %gt3A_1674, %abs3A_1665, %select_n3A_1658 : vector<16xi1>, vector<16xf32>
        %select_n3A_1680 = arith.select %or3A_1678, %select_n3A_1673, %select_n3A_1659 : vector<16xi1>, vector<16xi32>
        %get3A_1681 = arith.constant 77 : i32
        %get3A_1682 = arith.index_cast %get3A_1681 : i32 to index
        %get3A_1683 = arith.index_cast %mul3A_59 : i32 to index
        %get3A_1684 = tpu.vector_load %arg4[%get3A_1682, %get3A_1683] {strides = array<i32>} : memref<128x512xf32, #tpu.memory_space<vmem>>, vector<1x16xf32>,
        %get3A_1685 = vector.shape_cast %get3A_1684 : vector<1x16xf32> to vector<16xf32>
        %abs3A_1686 = math.absf %get3A_1685 : vector<16xf32>
        %lt3A_1687 = arith.constant 0.000000e+00 : f32
        %lt3A_1688 = vector.broadcast %lt3A_1687 : f32 to vector<16xf32>
        %lt3A_1689 = arith.cmpf olt, %get3A_1685, %lt3A_1688 : vector<16xf32>
        %broadcast_in_dim3A_1690 = arith.constant 45 : i32
        %broadcast_in_dim3A_1691 = vector.broadcast %broadcast_in_dim3A_1690 : i32 to vector<16xi32>
        %broadcast_in_dim3A_1692 = arith.constant 13 : i32
        %broadcast_in_dim3A_1693 = vector.broadcast %broadcast_in_dim3A_1692 : i32 to vector<16xi32>
        %select_n3A_1694 = arith.select %lt3A_1689, %broadcast_in_dim3A_1691, %broadcast_in_dim3A_1693 : vector<16xi1>, vector<16xi32>
        %gt3A_1695 = arith.cmpf ogt, %abs3A_1686, %select_n3A_1679 : vector<16xf32>
        %eq3A_1696 = arith.cmpf oeq, %abs3A_1686, %select_n3A_1679 : vector<16xf32>
        %lt3A_1697 = arith.cmpi slt, %select_n3A_1694, %select_n3A_1680 : vector<16xi32>
        %and3A_1698 = arith.andi %eq3A_1696, %lt3A_1697 : vector<16xi1>
        %or3A_1699 = arith.ori %gt3A_1695, %and3A_1698 : vector<16xi1>
        %select_n3A_1700 = arith.select %gt3A_1695, %abs3A_1686, %select_n3A_1679 : vector<16xi1>, vector<16xf32>
        %select_n3A_1701 = arith.select %or3A_1699, %select_n3A_1694, %select_n3A_1680 : vector<16xi1>, vector<16xi32>
        %get3A_1702 = arith.constant 78 : i32
        %get3A_1703 = arith.index_cast %get3A_1702 : i32 to index
        %get3A_1704 = arith.index_cast %mul3A_59 : i32 to index
        %get3A_1705 = tpu.vector_load %arg4[%get3A_1703, %get3A_1704] {strides = array<i32>} : memref<128x512xf32, #tpu.memory_space<vmem>>, vector<1x16xf32>,
        %get3A_1706 = vector.shape_cast %get3A_1705 : vector<1x16xf32> to vector<16xf32>
        %abs3A_1707 = math.absf %get3A_1706 : vector<16xf32>
        %lt3A_1708 = arith.constant 0.000000e+00 : f32
        %lt3A_1709 = vector.broadcast %lt3A_1708 : f32 to vector<16xf32>
        %lt3A_1710 = arith.cmpf olt, %get3A_1706, %lt3A_1709 : vector<16xf32>
        %broadcast_in_dim3A_1711 = arith.constant 46 : i32
        %broadcast_in_dim3A_1712 = vector.broadcast %broadcast_in_dim3A_1711 : i32 to vector<16xi32>
        %broadcast_in_dim3A_1713 = arith.constant 14 : i32
        %broadcast_in_dim3A_1714 = vector.broadcast %broadcast_in_dim3A_1713 : i32 to vector<16xi32>
        %select_n3A_1715 = arith.select %lt3A_1710, %broadcast_in_dim3A_1712, %broadcast_in_dim3A_1714 : vector<16xi1>, vector<16xi32>
        %gt3A_1716 = arith.cmpf ogt, %abs3A_1707, %select_n3A_1700 : vector<16xf32>
        %eq3A_1717 = arith.cmpf oeq, %abs3A_1707, %select_n3A_1700 : vector<16xf32>
        %lt3A_1718 = arith.cmpi slt, %select_n3A_1715, %select_n3A_1701 : vector<16xi32>
        %and3A_1719 = arith.andi %eq3A_1717, %lt3A_1718 : vector<16xi1>
        %or3A_1720 = arith.ori %gt3A_1716, %and3A_1719 : vector<16xi1>
        %select_n3A_1721 = arith.select %gt3A_1716, %abs3A_1707, %select_n3A_1700 : vector<16xi1>, vector<16xf32>
        %select_n3A_1722 = arith.select %or3A_1720, %select_n3A_1715, %select_n3A_1701 : vector<16xi1>, vector<16xi32>
        %get3A_1723 = arith.constant 79 : i32
        %get3A_1724 = arith.index_cast %get3A_1723 : i32 to index
        %get3A_1725 = arith.index_cast %mul3A_59 : i32 to index
        %get3A_1726 = tpu.vector_load %arg4[%get3A_1724, %get3A_1725] {strides = array<i32>} : memref<128x512xf32, #tpu.memory_space<vmem>>, vector<1x16xf32>,
        %get3A_1727 = vector.shape_cast %get3A_1726 : vector<1x16xf32> to vector<16xf32>
        %abs3A_1728 = math.absf %get3A_1727 : vector<16xf32>
        %lt3A_1729 = arith.constant 0.000000e+00 : f32
        %lt3A_1730 = vector.broadcast %lt3A_1729 : f32 to vector<16xf32>
        %lt3A_1731 = arith.cmpf olt, %get3A_1727, %lt3A_1730 : vector<16xf32>
        %broadcast_in_dim3A_1732 = arith.constant 47 : i32
        %broadcast_in_dim3A_1733 = vector.broadcast %broadcast_in_dim3A_1732 : i32 to vector<16xi32>
        %broadcast_in_dim3A_1734 = arith.constant 15 : i32
        %broadcast_in_dim3A_1735 = vector.broadcast %broadcast_in_dim3A_1734 : i32 to vector<16xi32>
        %select_n3A_1736 = arith.select %lt3A_1731, %broadcast_in_dim3A_1733, %broadcast_in_dim3A_1735 : vector<16xi1>, vector<16xi32>
        %gt3A_1737 = arith.cmpf ogt, %abs3A_1728, %select_n3A_1721 : vector<16xf32>
        %eq3A_1738 = arith.cmpf oeq, %abs3A_1728, %select_n3A_1721 : vector<16xf32>
        %lt3A_1739 = arith.cmpi slt, %select_n3A_1736, %select_n3A_1722 : vector<16xi32>
        %and3A_1740 = arith.andi %eq3A_1738, %lt3A_1739 : vector<16xi1>
        %or3A_1741 = arith.ori %gt3A_1737, %and3A_1740 : vector<16xi1>
        %select_n3A_1742 = arith.select %gt3A_1737, %abs3A_1728, %select_n3A_1721 : vector<16xi1>, vector<16xf32>
        %select_n3A_1743 = arith.select %or3A_1741, %select_n3A_1736, %select_n3A_1722 : vector<16xi1>, vector<16xi32>
        %get3A_1744 = arith.constant 80 : i32
        %get3A_1745 = arith.index_cast %get3A_1744 : i32 to index
        %get3A_1746 = arith.index_cast %mul3A_59 : i32 to index
        %get3A_1747 = tpu.vector_load %arg4[%get3A_1745, %get3A_1746] {strides = array<i32>} : memref<128x512xf32, #tpu.memory_space<vmem>>, vector<1x16xf32>,
        %get3A_1748 = vector.shape_cast %get3A_1747 : vector<1x16xf32> to vector<16xf32>
        %abs3A_1749 = math.absf %get3A_1748 : vector<16xf32>
        %lt3A_1750 = arith.constant 0.000000e+00 : f32
        %lt3A_1751 = vector.broadcast %lt3A_1750 : f32 to vector<16xf32>
        %lt3A_1752 = arith.cmpf olt, %get3A_1748, %lt3A_1751 : vector<16xf32>
        %broadcast_in_dim3A_1753 = arith.constant 48 : i32
        %broadcast_in_dim3A_1754 = vector.broadcast %broadcast_in_dim3A_1753 : i32 to vector<16xi32>
        %broadcast_in_dim3A_1755 = arith.constant 16 : i32
        %broadcast_in_dim3A_1756 = vector.broadcast %broadcast_in_dim3A_1755 : i32 to vector<16xi32>
        %select_n3A_1757 = arith.select %lt3A_1752, %broadcast_in_dim3A_1754, %broadcast_in_dim3A_1756 : vector<16xi1>, vector<16xi32>
        %gt3A_1758 = arith.cmpf ogt, %abs3A_1749, %select_n3A_1742 : vector<16xf32>
        %eq3A_1759 = arith.cmpf oeq, %abs3A_1749, %select_n3A_1742 : vector<16xf32>
        %lt3A_1760 = arith.cmpi slt, %select_n3A_1757, %select_n3A_1743 : vector<16xi32>
        %and3A_1761 = arith.andi %eq3A_1759, %lt3A_1760 : vector<16xi1>
        %or3A_1762 = arith.ori %gt3A_1758, %and3A_1761 : vector<16xi1>
        %select_n3A_1763 = arith.select %gt3A_1758, %abs3A_1749, %select_n3A_1742 : vector<16xi1>, vector<16xf32>
        %select_n3A_1764 = arith.select %or3A_1762, %select_n3A_1757, %select_n3A_1743 : vector<16xi1>, vector<16xi32>
        %get3A_1765 = arith.constant 81 : i32
        %get3A_1766 = arith.index_cast %get3A_1765 : i32 to index
        %get3A_1767 = arith.index_cast %mul3A_59 : i32 to index
        %get3A_1768 = tpu.vector_load %arg4[%get3A_1766, %get3A_1767] {strides = array<i32>} : memref<128x512xf32, #tpu.memory_space<vmem>>, vector<1x16xf32>,
        %get3A_1769 = vector.shape_cast %get3A_1768 : vector<1x16xf32> to vector<16xf32>
        %abs3A_1770 = math.absf %get3A_1769 : vector<16xf32>
        %lt3A_1771 = arith.constant 0.000000e+00 : f32
        %lt3A_1772 = vector.broadcast %lt3A_1771 : f32 to vector<16xf32>
        %lt3A_1773 = arith.cmpf olt, %get3A_1769, %lt3A_1772 : vector<16xf32>
        %broadcast_in_dim3A_1774 = arith.constant 49 : i32
        %broadcast_in_dim3A_1775 = vector.broadcast %broadcast_in_dim3A_1774 : i32 to vector<16xi32>
        %broadcast_in_dim3A_1776 = arith.constant 17 : i32
        %broadcast_in_dim3A_1777 = vector.broadcast %broadcast_in_dim3A_1776 : i32 to vector<16xi32>
        %select_n3A_1778 = arith.select %lt3A_1773, %broadcast_in_dim3A_1775, %broadcast_in_dim3A_1777 : vector<16xi1>, vector<16xi32>
        %gt3A_1779 = arith.cmpf ogt, %abs3A_1770, %select_n3A_1763 : vector<16xf32>
        %eq3A_1780 = arith.cmpf oeq, %abs3A_1770, %select_n3A_1763 : vector<16xf32>
        %lt3A_1781 = arith.cmpi slt, %select_n3A_1778, %select_n3A_1764 : vector<16xi32>
        %and3A_1782 = arith.andi %eq3A_1780, %lt3A_1781 : vector<16xi1>
        %or3A_1783 = arith.ori %gt3A_1779, %and3A_1782 : vector<16xi1>
        %select_n3A_1784 = arith.select %gt3A_1779, %abs3A_1770, %select_n3A_1763 : vector<16xi1>, vector<16xf32>
        %select_n3A_1785 = arith.select %or3A_1783, %select_n3A_1778, %select_n3A_1764 : vector<16xi1>, vector<16xi32>
        %get3A_1786 = arith.constant 82 : i32
        %get3A_1787 = arith.index_cast %get3A_1786 : i32 to index
        %get3A_1788 = arith.index_cast %mul3A_59 : i32 to index
        %get3A_1789 = tpu.vector_load %arg4[%get3A_1787, %get3A_1788] {strides = array<i32>} : memref<128x512xf32, #tpu.memory_space<vmem>>, vector<1x16xf32>,
        %get3A_1790 = vector.shape_cast %get3A_1789 : vector<1x16xf32> to vector<16xf32>
        %abs3A_1791 = math.absf %get3A_1790 : vector<16xf32>
        %lt3A_1792 = arith.constant 0.000000e+00 : f32
        %lt3A_1793 = vector.broadcast %lt3A_1792 : f32 to vector<16xf32>
        %lt3A_1794 = arith.cmpf olt, %get3A_1790, %lt3A_1793 : vector<16xf32>
        %broadcast_in_dim3A_1795 = arith.constant 50 : i32
        %broadcast_in_dim3A_1796 = vector.broadcast %broadcast_in_dim3A_1795 : i32 to vector<16xi32>
        %broadcast_in_dim3A_1797 = arith.constant 18 : i32
        %broadcast_in_dim3A_1798 = vector.broadcast %broadcast_in_dim3A_1797 : i32 to vector<16xi32>
        %select_n3A_1799 = arith.select %lt3A_1794, %broadcast_in_dim3A_1796, %broadcast_in_dim3A_1798 : vector<16xi1>, vector<16xi32>
        %gt3A_1800 = arith.cmpf ogt, %abs3A_1791, %select_n3A_1784 : vector<16xf32>
        %eq3A_1801 = arith.cmpf oeq, %abs3A_1791, %select_n3A_1784 : vector<16xf32>
        %lt3A_1802 = arith.cmpi slt, %select_n3A_1799, %select_n3A_1785 : vector<16xi32>
        %and3A_1803 = arith.andi %eq3A_1801, %lt3A_1802 : vector<16xi1>
        %or3A_1804 = arith.ori %gt3A_1800, %and3A_1803 : vector<16xi1>
        %select_n3A_1805 = arith.select %gt3A_1800, %abs3A_1791, %select_n3A_1784 : vector<16xi1>, vector<16xf32>
        %select_n3A_1806 = arith.select %or3A_1804, %select_n3A_1799, %select_n3A_1785 : vector<16xi1>, vector<16xi32>
        %get3A_1807 = arith.constant 83 : i32
        %get3A_1808 = arith.index_cast %get3A_1807 : i32 to index
        %get3A_1809 = arith.index_cast %mul3A_59 : i32 to index
        %get3A_1810 = tpu.vector_load %arg4[%get3A_1808, %get3A_1809] {strides = array<i32>} : memref<128x512xf32, #tpu.memory_space<vmem>>, vector<1x16xf32>,
        %get3A_1811 = vector.shape_cast %get3A_1810 : vector<1x16xf32> to vector<16xf32>
        %abs3A_1812 = math.absf %get3A_1811 : vector<16xf32>
        %lt3A_1813 = arith.constant 0.000000e+00 : f32
        %lt3A_1814 = vector.broadcast %lt3A_1813 : f32 to vector<16xf32>
        %lt3A_1815 = arith.cmpf olt, %get3A_1811, %lt3A_1814 : vector<16xf32>
        %broadcast_in_dim3A_1816 = arith.constant 51 : i32
        %broadcast_in_dim3A_1817 = vector.broadcast %broadcast_in_dim3A_1816 : i32 to vector<16xi32>
        %broadcast_in_dim3A_1818 = arith.constant 19 : i32
        %broadcast_in_dim3A_1819 = vector.broadcast %broadcast_in_dim3A_1818 : i32 to vector<16xi32>
        %select_n3A_1820 = arith.select %lt3A_1815, %broadcast_in_dim3A_1817, %broadcast_in_dim3A_1819 : vector<16xi1>, vector<16xi32>
        %gt3A_1821 = arith.cmpf ogt, %abs3A_1812, %select_n3A_1805 : vector<16xf32>
        %eq3A_1822 = arith.cmpf oeq, %abs3A_1812, %select_n3A_1805 : vector<16xf32>
        %lt3A_1823 = arith.cmpi slt, %select_n3A_1820, %select_n3A_1806 : vector<16xi32>
        %and3A_1824 = arith.andi %eq3A_1822, %lt3A_1823 : vector<16xi1>
        %or3A_1825 = arith.ori %gt3A_1821, %and3A_1824 : vector<16xi1>
        %select_n3A_1826 = arith.select %gt3A_1821, %abs3A_1812, %select_n3A_1805 : vector<16xi1>, vector<16xf32>
        %select_n3A_1827 = arith.select %or3A_1825, %select_n3A_1820, %select_n3A_1806 : vector<16xi1>, vector<16xi32>
        %get3A_1828 = arith.constant 84 : i32
        %get3A_1829 = arith.index_cast %get3A_1828 : i32 to index
        %get3A_1830 = arith.index_cast %mul3A_59 : i32 to index
        %get3A_1831 = tpu.vector_load %arg4[%get3A_1829, %get3A_1830] {strides = array<i32>} : memref<128x512xf32, #tpu.memory_space<vmem>>, vector<1x16xf32>,
        %get3A_1832 = vector.shape_cast %get3A_1831 : vector<1x16xf32> to vector<16xf32>
        %abs3A_1833 = math.absf %get3A_1832 : vector<16xf32>
        %lt3A_1834 = arith.constant 0.000000e+00 : f32
        %lt3A_1835 = vector.broadcast %lt3A_1834 : f32 to vector<16xf32>
        %lt3A_1836 = arith.cmpf olt, %get3A_1832, %lt3A_1835 : vector<16xf32>
        %broadcast_in_dim3A_1837 = arith.constant 52 : i32
        %broadcast_in_dim3A_1838 = vector.broadcast %broadcast_in_dim3A_1837 : i32 to vector<16xi32>
        %broadcast_in_dim3A_1839 = arith.constant 20 : i32
        %broadcast_in_dim3A_1840 = vector.broadcast %broadcast_in_dim3A_1839 : i32 to vector<16xi32>
        %select_n3A_1841 = arith.select %lt3A_1836, %broadcast_in_dim3A_1838, %broadcast_in_dim3A_1840 : vector<16xi1>, vector<16xi32>
        %gt3A_1842 = arith.cmpf ogt, %abs3A_1833, %select_n3A_1826 : vector<16xf32>
        %eq3A_1843 = arith.cmpf oeq, %abs3A_1833, %select_n3A_1826 : vector<16xf32>
        %lt3A_1844 = arith.cmpi slt, %select_n3A_1841, %select_n3A_1827 : vector<16xi32>
        %and3A_1845 = arith.andi %eq3A_1843, %lt3A_1844 : vector<16xi1>
        %or3A_1846 = arith.ori %gt3A_1842, %and3A_1845 : vector<16xi1>
        %select_n3A_1847 = arith.select %gt3A_1842, %abs3A_1833, %select_n3A_1826 : vector<16xi1>, vector<16xf32>
        %select_n3A_1848 = arith.select %or3A_1846, %select_n3A_1841, %select_n3A_1827 : vector<16xi1>, vector<16xi32>
        %get3A_1849 = arith.constant 85 : i32
        %get3A_1850 = arith.index_cast %get3A_1849 : i32 to index
        %get3A_1851 = arith.index_cast %mul3A_59 : i32 to index
        %get3A_1852 = tpu.vector_load %arg4[%get3A_1850, %get3A_1851] {strides = array<i32>} : memref<128x512xf32, #tpu.memory_space<vmem>>, vector<1x16xf32>,
        %get3A_1853 = vector.shape_cast %get3A_1852 : vector<1x16xf32> to vector<16xf32>
        %abs3A_1854 = math.absf %get3A_1853 : vector<16xf32>
        %lt3A_1855 = arith.constant 0.000000e+00 : f32
        %lt3A_1856 = vector.broadcast %lt3A_1855 : f32 to vector<16xf32>
        %lt3A_1857 = arith.cmpf olt, %get3A_1853, %lt3A_1856 : vector<16xf32>
        %broadcast_in_dim3A_1858 = arith.constant 53 : i32
        %broadcast_in_dim3A_1859 = vector.broadcast %broadcast_in_dim3A_1858 : i32 to vector<16xi32>
        %broadcast_in_dim3A_1860 = arith.constant 21 : i32
        %broadcast_in_dim3A_1861 = vector.broadcast %broadcast_in_dim3A_1860 : i32 to vector<16xi32>
        %select_n3A_1862 = arith.select %lt3A_1857, %broadcast_in_dim3A_1859, %broadcast_in_dim3A_1861 : vector<16xi1>, vector<16xi32>
        %gt3A_1863 = arith.cmpf ogt, %abs3A_1854, %select_n3A_1847 : vector<16xf32>
        %eq3A_1864 = arith.cmpf oeq, %abs3A_1854, %select_n3A_1847 : vector<16xf32>
        %lt3A_1865 = arith.cmpi slt, %select_n3A_1862, %select_n3A_1848 : vector<16xi32>
        %and3A_1866 = arith.andi %eq3A_1864, %lt3A_1865 : vector<16xi1>
        %or3A_1867 = arith.ori %gt3A_1863, %and3A_1866 : vector<16xi1>
        %select_n3A_1868 = arith.select %gt3A_1863, %abs3A_1854, %select_n3A_1847 : vector<16xi1>, vector<16xf32>
        %select_n3A_1869 = arith.select %or3A_1867, %select_n3A_1862, %select_n3A_1848 : vector<16xi1>, vector<16xi32>
        %get3A_1870 = arith.constant 86 : i32
        %get3A_1871 = arith.index_cast %get3A_1870 : i32 to index
        %get3A_1872 = arith.index_cast %mul3A_59 : i32 to index
        %get3A_1873 = tpu.vector_load %arg4[%get3A_1871, %get3A_1872] {strides = array<i32>} : memref<128x512xf32, #tpu.memory_space<vmem>>, vector<1x16xf32>,
        %get3A_1874 = vector.shape_cast %get3A_1873 : vector<1x16xf32> to vector<16xf32>
        %abs3A_1875 = math.absf %get3A_1874 : vector<16xf32>
        %lt3A_1876 = arith.constant 0.000000e+00 : f32
        %lt3A_1877 = vector.broadcast %lt3A_1876 : f32 to vector<16xf32>
        %lt3A_1878 = arith.cmpf olt, %get3A_1874, %lt3A_1877 : vector<16xf32>
        %broadcast_in_dim3A_1879 = arith.constant 54 : i32
        %broadcast_in_dim3A_1880 = vector.broadcast %broadcast_in_dim3A_1879 : i32 to vector<16xi32>
        %broadcast_in_dim3A_1881 = arith.constant 22 : i32
        %broadcast_in_dim3A_1882 = vector.broadcast %broadcast_in_dim3A_1881 : i32 to vector<16xi32>
        %select_n3A_1883 = arith.select %lt3A_1878, %broadcast_in_dim3A_1880, %broadcast_in_dim3A_1882 : vector<16xi1>, vector<16xi32>
        %gt3A_1884 = arith.cmpf ogt, %abs3A_1875, %select_n3A_1868 : vector<16xf32>
        %eq3A_1885 = arith.cmpf oeq, %abs3A_1875, %select_n3A_1868 : vector<16xf32>
        %lt3A_1886 = arith.cmpi slt, %select_n3A_1883, %select_n3A_1869 : vector<16xi32>
        %and3A_1887 = arith.andi %eq3A_1885, %lt3A_1886 : vector<16xi1>
        %or3A_1888 = arith.ori %gt3A_1884, %and3A_1887 : vector<16xi1>
        %select_n3A_1889 = arith.select %gt3A_1884, %abs3A_1875, %select_n3A_1868 : vector<16xi1>, vector<16xf32>
        %select_n3A_1890 = arith.select %or3A_1888, %select_n3A_1883, %select_n3A_1869 : vector<16xi1>, vector<16xi32>
        %get3A_1891 = arith.constant 87 : i32
        %get3A_1892 = arith.index_cast %get3A_1891 : i32 to index
        %get3A_1893 = arith.index_cast %mul3A_59 : i32 to index
        %get3A_1894 = tpu.vector_load %arg4[%get3A_1892, %get3A_1893] {strides = array<i32>} : memref<128x512xf32, #tpu.memory_space<vmem>>, vector<1x16xf32>,
        %get3A_1895 = vector.shape_cast %get3A_1894 : vector<1x16xf32> to vector<16xf32>
        %abs3A_1896 = math.absf %get3A_1895 : vector<16xf32>
        %lt3A_1897 = arith.constant 0.000000e+00 : f32
        %lt3A_1898 = vector.broadcast %lt3A_1897 : f32 to vector<16xf32>
        %lt3A_1899 = arith.cmpf olt, %get3A_1895, %lt3A_1898 : vector<16xf32>
        %broadcast_in_dim3A_1900 = arith.constant 55 : i32
        %broadcast_in_dim3A_1901 = vector.broadcast %broadcast_in_dim3A_1900 : i32 to vector<16xi32>
        %broadcast_in_dim3A_1902 = arith.constant 23 : i32
        %broadcast_in_dim3A_1903 = vector.broadcast %broadcast_in_dim3A_1902 : i32 to vector<16xi32>
        %select_n3A_1904 = arith.select %lt3A_1899, %broadcast_in_dim3A_1901, %broadcast_in_dim3A_1903 : vector<16xi1>, vector<16xi32>
        %gt3A_1905 = arith.cmpf ogt, %abs3A_1896, %select_n3A_1889 : vector<16xf32>
        %eq3A_1906 = arith.cmpf oeq, %abs3A_1896, %select_n3A_1889 : vector<16xf32>
        %lt3A_1907 = arith.cmpi slt, %select_n3A_1904, %select_n3A_1890 : vector<16xi32>
        %and3A_1908 = arith.andi %eq3A_1906, %lt3A_1907 : vector<16xi1>
        %or3A_1909 = arith.ori %gt3A_1905, %and3A_1908 : vector<16xi1>
        %select_n3A_1910 = arith.select %gt3A_1905, %abs3A_1896, %select_n3A_1889 : vector<16xi1>, vector<16xf32>
        %select_n3A_1911 = arith.select %or3A_1909, %select_n3A_1904, %select_n3A_1890 : vector<16xi1>, vector<16xi32>
        %get3A_1912 = arith.constant 88 : i32
        %get3A_1913 = arith.index_cast %get3A_1912 : i32 to index
        %get3A_1914 = arith.index_cast %mul3A_59 : i32 to index
        %get3A_1915 = tpu.vector_load %arg4[%get3A_1913, %get3A_1914] {strides = array<i32>} : memref<128x512xf32, #tpu.memory_space<vmem>>, vector<1x16xf32>,
        %get3A_1916 = vector.shape_cast %get3A_1915 : vector<1x16xf32> to vector<16xf32>
        %abs3A_1917 = math.absf %get3A_1916 : vector<16xf32>
        %lt3A_1918 = arith.constant 0.000000e+00 : f32
        %lt3A_1919 = vector.broadcast %lt3A_1918 : f32 to vector<16xf32>
        %lt3A_1920 = arith.cmpf olt, %get3A_1916, %lt3A_1919 : vector<16xf32>
        %broadcast_in_dim3A_1921 = arith.constant 56 : i32
        %broadcast_in_dim3A_1922 = vector.broadcast %broadcast_in_dim3A_1921 : i32 to vector<16xi32>
        %broadcast_in_dim3A_1923 = arith.constant 24 : i32
        %broadcast_in_dim3A_1924 = vector.broadcast %broadcast_in_dim3A_1923 : i32 to vector<16xi32>
        %select_n3A_1925 = arith.select %lt3A_1920, %broadcast_in_dim3A_1922, %broadcast_in_dim3A_1924 : vector<16xi1>, vector<16xi32>
        %gt3A_1926 = arith.cmpf ogt, %abs3A_1917, %select_n3A_1910 : vector<16xf32>
        %eq3A_1927 = arith.cmpf oeq, %abs3A_1917, %select_n3A_1910 : vector<16xf32>
        %lt3A_1928 = arith.cmpi slt, %select_n3A_1925, %select_n3A_1911 : vector<16xi32>
        %and3A_1929 = arith.andi %eq3A_1927, %lt3A_1928 : vector<16xi1>
        %or3A_1930 = arith.ori %gt3A_1926, %and3A_1929 : vector<16xi1>
        %select_n3A_1931 = arith.select %gt3A_1926, %abs3A_1917, %select_n3A_1910 : vector<16xi1>, vector<16xf32>
        %select_n3A_1932 = arith.select %or3A_1930, %select_n3A_1925, %select_n3A_1911 : vector<16xi1>, vector<16xi32>
        %get3A_1933 = arith.constant 89 : i32
        %get3A_1934 = arith.index_cast %get3A_1933 : i32 to index
        %get3A_1935 = arith.index_cast %mul3A_59 : i32 to index
        %get3A_1936 = tpu.vector_load %arg4[%get3A_1934, %get3A_1935] {strides = array<i32>} : memref<128x512xf32, #tpu.memory_space<vmem>>, vector<1x16xf32>,
        %get3A_1937 = vector.shape_cast %get3A_1936 : vector<1x16xf32> to vector<16xf32>
        %abs3A_1938 = math.absf %get3A_1937 : vector<16xf32>
        %lt3A_1939 = arith.constant 0.000000e+00 : f32
        %lt3A_1940 = vector.broadcast %lt3A_1939 : f32 to vector<16xf32>
        %lt3A_1941 = arith.cmpf olt, %get3A_1937, %lt3A_1940 : vector<16xf32>
        %broadcast_in_dim3A_1942 = arith.constant 57 : i32
        %broadcast_in_dim3A_1943 = vector.broadcast %broadcast_in_dim3A_1942 : i32 to vector<16xi32>
        %broadcast_in_dim3A_1944 = arith.constant 25 : i32
        %broadcast_in_dim3A_1945 = vector.broadcast %broadcast_in_dim3A_1944 : i32 to vector<16xi32>
        %select_n3A_1946 = arith.select %lt3A_1941, %broadcast_in_dim3A_1943, %broadcast_in_dim3A_1945 : vector<16xi1>, vector<16xi32>
        %gt3A_1947 = arith.cmpf ogt, %abs3A_1938, %select_n3A_1931 : vector<16xf32>
        %eq3A_1948 = arith.cmpf oeq, %abs3A_1938, %select_n3A_1931 : vector<16xf32>
        %lt3A_1949 = arith.cmpi slt, %select_n3A_1946, %select_n3A_1932 : vector<16xi32>
        %and3A_1950 = arith.andi %eq3A_1948, %lt3A_1949 : vector<16xi1>
        %or3A_1951 = arith.ori %gt3A_1947, %and3A_1950 : vector<16xi1>
        %select_n3A_1952 = arith.select %gt3A_1947, %abs3A_1938, %select_n3A_1931 : vector<16xi1>, vector<16xf32>
        %select_n3A_1953 = arith.select %or3A_1951, %select_n3A_1946, %select_n3A_1932 : vector<16xi1>, vector<16xi32>
        %get3A_1954 = arith.constant 90 : i32
        %get3A_1955 = arith.index_cast %get3A_1954 : i32 to index
        %get3A_1956 = arith.index_cast %mul3A_59 : i32 to index
        %get3A_1957 = tpu.vector_load %arg4[%get3A_1955, %get3A_1956] {strides = array<i32>} : memref<128x512xf32, #tpu.memory_space<vmem>>, vector<1x16xf32>,
        %get3A_1958 = vector.shape_cast %get3A_1957 : vector<1x16xf32> to vector<16xf32>
        %abs3A_1959 = math.absf %get3A_1958 : vector<16xf32>
        %lt3A_1960 = arith.constant 0.000000e+00 : f32
        %lt3A_1961 = vector.broadcast %lt3A_1960 : f32 to vector<16xf32>
        %lt3A_1962 = arith.cmpf olt, %get3A_1958, %lt3A_1961 : vector<16xf32>
        %broadcast_in_dim3A_1963 = arith.constant 58 : i32
        %broadcast_in_dim3A_1964 = vector.broadcast %broadcast_in_dim3A_1963 : i32 to vector<16xi32>
        %broadcast_in_dim3A_1965 = arith.constant 26 : i32
        %broadcast_in_dim3A_1966 = vector.broadcast %broadcast_in_dim3A_1965 : i32 to vector<16xi32>
        %select_n3A_1967 = arith.select %lt3A_1962, %broadcast_in_dim3A_1964, %broadcast_in_dim3A_1966 : vector<16xi1>, vector<16xi32>
        %gt3A_1968 = arith.cmpf ogt, %abs3A_1959, %select_n3A_1952 : vector<16xf32>
        %eq3A_1969 = arith.cmpf oeq, %abs3A_1959, %select_n3A_1952 : vector<16xf32>
        %lt3A_1970 = arith.cmpi slt, %select_n3A_1967, %select_n3A_1953 : vector<16xi32>
        %and3A_1971 = arith.andi %eq3A_1969, %lt3A_1970 : vector<16xi1>
        %or3A_1972 = arith.ori %gt3A_1968, %and3A_1971 : vector<16xi1>
        %select_n3A_1973 = arith.select %gt3A_1968, %abs3A_1959, %select_n3A_1952 : vector<16xi1>, vector<16xf32>
        %select_n3A_1974 = arith.select %or3A_1972, %select_n3A_1967, %select_n3A_1953 : vector<16xi1>, vector<16xi32>
        %get3A_1975 = arith.constant 91 : i32
        %get3A_1976 = arith.index_cast %get3A_1975 : i32 to index
        %get3A_1977 = arith.index_cast %mul3A_59 : i32 to index
        %get3A_1978 = tpu.vector_load %arg4[%get3A_1976, %get3A_1977] {strides = array<i32>} : memref<128x512xf32, #tpu.memory_space<vmem>>, vector<1x16xf32>,
        %get3A_1979 = vector.shape_cast %get3A_1978 : vector<1x16xf32> to vector<16xf32>
        %abs3A_1980 = math.absf %get3A_1979 : vector<16xf32>
        %lt3A_1981 = arith.constant 0.000000e+00 : f32
        %lt3A_1982 = vector.broadcast %lt3A_1981 : f32 to vector<16xf32>
        %lt3A_1983 = arith.cmpf olt, %get3A_1979, %lt3A_1982 : vector<16xf32>
        %broadcast_in_dim3A_1984 = arith.constant 59 : i32
        %broadcast_in_dim3A_1985 = vector.broadcast %broadcast_in_dim3A_1984 : i32 to vector<16xi32>
        %broadcast_in_dim3A_1986 = arith.constant 27 : i32
        %broadcast_in_dim3A_1987 = vector.broadcast %broadcast_in_dim3A_1986 : i32 to vector<16xi32>
        %select_n3A_1988 = arith.select %lt3A_1983, %broadcast_in_dim3A_1985, %broadcast_in_dim3A_1987 : vector<16xi1>, vector<16xi32>
        %gt3A_1989 = arith.cmpf ogt, %abs3A_1980, %select_n3A_1973 : vector<16xf32>
        %eq3A_1990 = arith.cmpf oeq, %abs3A_1980, %select_n3A_1973 : vector<16xf32>
        %lt3A_1991 = arith.cmpi slt, %select_n3A_1988, %select_n3A_1974 : vector<16xi32>
        %and3A_1992 = arith.andi %eq3A_1990, %lt3A_1991 : vector<16xi1>
        %or3A_1993 = arith.ori %gt3A_1989, %and3A_1992 : vector<16xi1>
        %select_n3A_1994 = arith.select %gt3A_1989, %abs3A_1980, %select_n3A_1973 : vector<16xi1>, vector<16xf32>
        %select_n3A_1995 = arith.select %or3A_1993, %select_n3A_1988, %select_n3A_1974 : vector<16xi1>, vector<16xi32>
        %get3A_1996 = arith.constant 92 : i32
        %get3A_1997 = arith.index_cast %get3A_1996 : i32 to index
        %get3A_1998 = arith.index_cast %mul3A_59 : i32 to index
        %get3A_1999 = tpu.vector_load %arg4[%get3A_1997, %get3A_1998] {strides = array<i32>} : memref<128x512xf32, #tpu.memory_space<vmem>>, vector<1x16xf32>,
        %get3A_2000 = vector.shape_cast %get3A_1999 : vector<1x16xf32> to vector<16xf32>
        %abs3A_2001 = math.absf %get3A_2000 : vector<16xf32>
        %lt3A_2002 = arith.constant 0.000000e+00 : f32
        %lt3A_2003 = vector.broadcast %lt3A_2002 : f32 to vector<16xf32>
        %lt3A_2004 = arith.cmpf olt, %get3A_2000, %lt3A_2003 : vector<16xf32>
        %broadcast_in_dim3A_2005 = arith.constant 60 : i32
        %broadcast_in_dim3A_2006 = vector.broadcast %broadcast_in_dim3A_2005 : i32 to vector<16xi32>
        %broadcast_in_dim3A_2007 = arith.constant 28 : i32
        %broadcast_in_dim3A_2008 = vector.broadcast %broadcast_in_dim3A_2007 : i32 to vector<16xi32>
        %select_n3A_2009 = arith.select %lt3A_2004, %broadcast_in_dim3A_2006, %broadcast_in_dim3A_2008 : vector<16xi1>, vector<16xi32>
        %gt3A_2010 = arith.cmpf ogt, %abs3A_2001, %select_n3A_1994 : vector<16xf32>
        %eq3A_2011 = arith.cmpf oeq, %abs3A_2001, %select_n3A_1994 : vector<16xf32>
        %lt3A_2012 = arith.cmpi slt, %select_n3A_2009, %select_n3A_1995 : vector<16xi32>
        %and3A_2013 = arith.andi %eq3A_2011, %lt3A_2012 : vector<16xi1>
        %or3A_2014 = arith.ori %gt3A_2010, %and3A_2013 : vector<16xi1>
        %select_n3A_2015 = arith.select %gt3A_2010, %abs3A_2001, %select_n3A_1994 : vector<16xi1>, vector<16xf32>
        %select_n3A_2016 = arith.select %or3A_2014, %select_n3A_2009, %select_n3A_1995 : vector<16xi1>, vector<16xi32>
        %get3A_2017 = arith.constant 93 : i32
        %get3A_2018 = arith.index_cast %get3A_2017 : i32 to index
        %get3A_2019 = arith.index_cast %mul3A_59 : i32 to index
        %get3A_2020 = tpu.vector_load %arg4[%get3A_2018, %get3A_2019] {strides = array<i32>} : memref<128x512xf32, #tpu.memory_space<vmem>>, vector<1x16xf32>,
        %get3A_2021 = vector.shape_cast %get3A_2020 : vector<1x16xf32> to vector<16xf32>
        %abs3A_2022 = math.absf %get3A_2021 : vector<16xf32>
        %lt3A_2023 = arith.constant 0.000000e+00 : f32
        %lt3A_2024 = vector.broadcast %lt3A_2023 : f32 to vector<16xf32>
        %lt3A_2025 = arith.cmpf olt, %get3A_2021, %lt3A_2024 : vector<16xf32>
        %broadcast_in_dim3A_2026 = arith.constant 61 : i32
        %broadcast_in_dim3A_2027 = vector.broadcast %broadcast_in_dim3A_2026 : i32 to vector<16xi32>
        %broadcast_in_dim3A_2028 = arith.constant 29 : i32
        %broadcast_in_dim3A_2029 = vector.broadcast %broadcast_in_dim3A_2028 : i32 to vector<16xi32>
        %select_n3A_2030 = arith.select %lt3A_2025, %broadcast_in_dim3A_2027, %broadcast_in_dim3A_2029 : vector<16xi1>, vector<16xi32>
        %gt3A_2031 = arith.cmpf ogt, %abs3A_2022, %select_n3A_2015 : vector<16xf32>
        %eq3A_2032 = arith.cmpf oeq, %abs3A_2022, %select_n3A_2015 : vector<16xf32>
        %lt3A_2033 = arith.cmpi slt, %select_n3A_2030, %select_n3A_2016 : vector<16xi32>
        %and3A_2034 = arith.andi %eq3A_2032, %lt3A_2033 : vector<16xi1>
        %or3A_2035 = arith.ori %gt3A_2031, %and3A_2034 : vector<16xi1>
        %select_n3A_2036 = arith.select %gt3A_2031, %abs3A_2022, %select_n3A_2015 : vector<16xi1>, vector<16xf32>
        %select_n3A_2037 = arith.select %or3A_2035, %select_n3A_2030, %select_n3A_2016 : vector<16xi1>, vector<16xi32>
        %get3A_2038 = arith.constant 94 : i32
        %get3A_2039 = arith.index_cast %get3A_2038 : i32 to index
        %get3A_2040 = arith.index_cast %mul3A_59 : i32 to index
        %get3A_2041 = tpu.vector_load %arg4[%get3A_2039, %get3A_2040] {strides = array<i32>} : memref<128x512xf32, #tpu.memory_space<vmem>>, vector<1x16xf32>,
        %get3A_2042 = vector.shape_cast %get3A_2041 : vector<1x16xf32> to vector<16xf32>
        %abs3A_2043 = math.absf %get3A_2042 : vector<16xf32>
        %lt3A_2044 = arith.constant 0.000000e+00 : f32
        %lt3A_2045 = vector.broadcast %lt3A_2044 : f32 to vector<16xf32>
        %lt3A_2046 = arith.cmpf olt, %get3A_2042, %lt3A_2045 : vector<16xf32>
        %broadcast_in_dim3A_2047 = arith.constant 62 : i32
        %broadcast_in_dim3A_2048 = vector.broadcast %broadcast_in_dim3A_2047 : i32 to vector<16xi32>
        %broadcast_in_dim3A_2049 = arith.constant 30 : i32
        %broadcast_in_dim3A_2050 = vector.broadcast %broadcast_in_dim3A_2049 : i32 to vector<16xi32>
        %select_n3A_2051 = arith.select %lt3A_2046, %broadcast_in_dim3A_2048, %broadcast_in_dim3A_2050 : vector<16xi1>, vector<16xi32>
        %gt3A_2052 = arith.cmpf ogt, %abs3A_2043, %select_n3A_2036 : vector<16xf32>
        %eq3A_2053 = arith.cmpf oeq, %abs3A_2043, %select_n3A_2036 : vector<16xf32>
        %lt3A_2054 = arith.cmpi slt, %select_n3A_2051, %select_n3A_2037 : vector<16xi32>
        %and3A_2055 = arith.andi %eq3A_2053, %lt3A_2054 : vector<16xi1>
        %or3A_2056 = arith.ori %gt3A_2052, %and3A_2055 : vector<16xi1>
        %select_n3A_2057 = arith.select %gt3A_2052, %abs3A_2043, %select_n3A_2036 : vector<16xi1>, vector<16xf32>
        %select_n3A_2058 = arith.select %or3A_2056, %select_n3A_2051, %select_n3A_2037 : vector<16xi1>, vector<16xi32>
        %get3A_2059 = arith.constant 95 : i32
        %get3A_2060 = arith.index_cast %get3A_2059 : i32 to index
        %get3A_2061 = arith.index_cast %mul3A_59 : i32 to index
        %get3A_2062 = tpu.vector_load %arg4[%get3A_2060, %get3A_2061] {strides = array<i32>} : memref<128x512xf32, #tpu.memory_space<vmem>>, vector<1x16xf32>,
        %get3A_2063 = vector.shape_cast %get3A_2062 : vector<1x16xf32> to vector<16xf32>
        %abs3A_2064 = math.absf %get3A_2063 : vector<16xf32>
        %lt3A_2065 = arith.constant 0.000000e+00 : f32
        %lt3A_2066 = vector.broadcast %lt3A_2065 : f32 to vector<16xf32>
        %lt3A_2067 = arith.cmpf olt, %get3A_2063, %lt3A_2066 : vector<16xf32>
        %broadcast_in_dim3A_2068 = arith.constant 63 : i32
        %broadcast_in_dim3A_2069 = vector.broadcast %broadcast_in_dim3A_2068 : i32 to vector<16xi32>
        %broadcast_in_dim3A_2070 = arith.constant 31 : i32
        %broadcast_in_dim3A_2071 = vector.broadcast %broadcast_in_dim3A_2070 : i32 to vector<16xi32>
        %select_n3A_2072 = arith.select %lt3A_2067, %broadcast_in_dim3A_2069, %broadcast_in_dim3A_2071 : vector<16xi1>, vector<16xi32>
        %gt3A_2073 = arith.cmpf ogt, %abs3A_2064, %select_n3A_2057 : vector<16xf32>
        %eq3A_2074 = arith.cmpf oeq, %abs3A_2064, %select_n3A_2057 : vector<16xf32>
        %lt3A_2075 = arith.cmpi slt, %select_n3A_2072, %select_n3A_2058 : vector<16xi32>
        %and3A_2076 = arith.andi %eq3A_2074, %lt3A_2075 : vector<16xi1>
        %or3A_2077 = arith.ori %gt3A_2073, %and3A_2076 : vector<16xi1>
        %select_n3A_2078 = arith.select %gt3A_2073, %abs3A_2064, %select_n3A_2057 : vector<16xi1>, vector<16xf32>
        %select_n3A_2079 = arith.select %or3A_2077, %select_n3A_2072, %select_n3A_2058 : vector<16xi1>, vector<16xi32>
        %iota3A_2080 = tpu.iota {dimensions = array<i32: 0>} : vector<16xi32>
        %mul3A_2081 = arith.constant 16 : i32
        %mul3A_2082 = arith.muli %scan3A_56, %mul3A_2081 : i32
        %add3A_2083 = arith.addi %mul3A_45, %mul3A_2082 : i32
        %add3A_2084 = vector.broadcast %add3A_2083 : i32 to vector<16xi32>
        %add3A_2085 = arith.addi %iota3A_2080, %add3A_2084 : vector<16xi32>
        %mul3A_2086 = arith.constant 4096 : i32
        %mul3A_2087 = vector.broadcast %mul3A_2086 : i32 to vector<16xi32>
        %mul3A_2088 = arith.muli %select_n3A_2079, %mul3A_2087 : vector<16xi32>
        %add3A_2089 = arith.addi %mul3A_2088, %add3A_2085 : vector<16xi32>
        %swap3A_2090 = arith.constant 2 : i32
        %swap3A_2091 = arith.index_cast %swap3A_2090 : i32 to index
        %swap3A_2092 = arith.index_cast %mul3A_59 : i32 to index
        %swap3A_2093 = tpu.vector_load %arg5[%swap3A_2091, %swap3A_2092] {strides = array<i32>} : memref<4x512xi32, #tpu.memory_space<vmem>>, vector<1x16xi32>,
        %swap3A_2094 = vector.shape_cast %swap3A_2093 : vector<1x16xi32> to vector<16xi32>
        %swap3A_2095 = vector.shape_cast %add3A_2089 : vector<16xi32> to vector<1x16xi32>
        tpu.vector_store %arg5[%swap3A_2091, %swap3A_2092], %swap3A_2095 {strides = array<i32>} : memref<4x512xi32, #tpu.memory_space<vmem>>, vector<1x16xi32>,
        %get3A_2096 = arith.constant 96 : i32
        %get3A_2097 = arith.index_cast %get3A_2096 : i32 to index
        %get3A_2098 = arith.index_cast %mul3A_59 : i32 to index
        %get3A_2099 = tpu.vector_load %arg4[%get3A_2097, %get3A_2098] {strides = array<i32>} : memref<128x512xf32, #tpu.memory_space<vmem>>, vector<1x16xf32>,
        %get3A_2100 = vector.shape_cast %get3A_2099 : vector<1x16xf32> to vector<16xf32>
        %abs3A_2101 = math.absf %get3A_2100 : vector<16xf32>
        %lt3A_2102 = arith.constant 0.000000e+00 : f32
        %lt3A_2103 = vector.broadcast %lt3A_2102 : f32 to vector<16xf32>
        %lt3A_2104 = arith.cmpf olt, %get3A_2100, %lt3A_2103 : vector<16xf32>
        %broadcast_in_dim3A_2105 = arith.constant 32 : i32
        %broadcast_in_dim3A_2106 = vector.broadcast %broadcast_in_dim3A_2105 : i32 to vector<16xi32>
        %broadcast_in_dim3A_2107 = arith.constant 0 : i32
        %broadcast_in_dim3A_2108 = vector.broadcast %broadcast_in_dim3A_2107 : i32 to vector<16xi32>
        %select_n3A_2109 = arith.select %lt3A_2104, %broadcast_in_dim3A_2106, %broadcast_in_dim3A_2108 : vector<16xi1>, vector<16xi32>
        %get3A_2110 = arith.constant 97 : i32
        %get3A_2111 = arith.index_cast %get3A_2110 : i32 to index
        %get3A_2112 = arith.index_cast %mul3A_59 : i32 to index
        %get3A_2113 = tpu.vector_load %arg4[%get3A_2111, %get3A_2112] {strides = array<i32>} : memref<128x512xf32, #tpu.memory_space<vmem>>, vector<1x16xf32>,
        %get3A_2114 = vector.shape_cast %get3A_2113 : vector<1x16xf32> to vector<16xf32>
        %abs3A_2115 = math.absf %get3A_2114 : vector<16xf32>
        %lt3A_2116 = arith.constant 0.000000e+00 : f32
        %lt3A_2117 = vector.broadcast %lt3A_2116 : f32 to vector<16xf32>
        %lt3A_2118 = arith.cmpf olt, %get3A_2114, %lt3A_2117 : vector<16xf32>
        %broadcast_in_dim3A_2119 = arith.constant 33 : i32
        %broadcast_in_dim3A_2120 = vector.broadcast %broadcast_in_dim3A_2119 : i32 to vector<16xi32>
        %broadcast_in_dim3A_2121 = arith.constant 1 : i32
        %broadcast_in_dim3A_2122 = vector.broadcast %broadcast_in_dim3A_2121 : i32 to vector<16xi32>
        %select_n3A_2123 = arith.select %lt3A_2118, %broadcast_in_dim3A_2120, %broadcast_in_dim3A_2122 : vector<16xi1>, vector<16xi32>
        %gt3A_2124 = arith.cmpf ogt, %abs3A_2115, %abs3A_2101 : vector<16xf32>
        %eq3A_2125 = arith.cmpf oeq, %abs3A_2115, %abs3A_2101 : vector<16xf32>
        %lt3A_2126 = arith.cmpi slt, %select_n3A_2123, %select_n3A_2109 : vector<16xi32>
        %and3A_2127 = arith.andi %eq3A_2125, %lt3A_2126 : vector<16xi1>
        %or3A_2128 = arith.ori %gt3A_2124, %and3A_2127 : vector<16xi1>
        %select_n3A_2129 = arith.select %gt3A_2124, %abs3A_2115, %abs3A_2101 : vector<16xi1>, vector<16xf32>
        %select_n3A_2130 = arith.select %or3A_2128, %select_n3A_2123, %select_n3A_2109 : vector<16xi1>, vector<16xi32>
        %get3A_2131 = arith.constant 98 : i32
        %get3A_2132 = arith.index_cast %get3A_2131 : i32 to index
        %get3A_2133 = arith.index_cast %mul3A_59 : i32 to index
        %get3A_2134 = tpu.vector_load %arg4[%get3A_2132, %get3A_2133] {strides = array<i32>} : memref<128x512xf32, #tpu.memory_space<vmem>>, vector<1x16xf32>,
        %get3A_2135 = vector.shape_cast %get3A_2134 : vector<1x16xf32> to vector<16xf32>
        %abs3A_2136 = math.absf %get3A_2135 : vector<16xf32>
        %lt3A_2137 = arith.constant 0.000000e+00 : f32
        %lt3A_2138 = vector.broadcast %lt3A_2137 : f32 to vector<16xf32>
        %lt3A_2139 = arith.cmpf olt, %get3A_2135, %lt3A_2138 : vector<16xf32>
        %broadcast_in_dim3A_2140 = arith.constant 34 : i32
        %broadcast_in_dim3A_2141 = vector.broadcast %broadcast_in_dim3A_2140 : i32 to vector<16xi32>
        %broadcast_in_dim3A_2142 = arith.constant 2 : i32
        %broadcast_in_dim3A_2143 = vector.broadcast %broadcast_in_dim3A_2142 : i32 to vector<16xi32>
        %select_n3A_2144 = arith.select %lt3A_2139, %broadcast_in_dim3A_2141, %broadcast_in_dim3A_2143 : vector<16xi1>, vector<16xi32>
        %gt3A_2145 = arith.cmpf ogt, %abs3A_2136, %select_n3A_2129 : vector<16xf32>
        %eq3A_2146 = arith.cmpf oeq, %abs3A_2136, %select_n3A_2129 : vector<16xf32>
        %lt3A_2147 = arith.cmpi slt, %select_n3A_2144, %select_n3A_2130 : vector<16xi32>
        %and3A_2148 = arith.andi %eq3A_2146, %lt3A_2147 : vector<16xi1>
        %or3A_2149 = arith.ori %gt3A_2145, %and3A_2148 : vector<16xi1>
        %select_n3A_2150 = arith.select %gt3A_2145, %abs3A_2136, %select_n3A_2129 : vector<16xi1>, vector<16xf32>
        %select_n3A_2151 = arith.select %or3A_2149, %select_n3A_2144, %select_n3A_2130 : vector<16xi1>, vector<16xi32>
        %get3A_2152 = arith.constant 99 : i32
        %get3A_2153 = arith.index_cast %get3A_2152 : i32 to index
        %get3A_2154 = arith.index_cast %mul3A_59 : i32 to index
        %get3A_2155 = tpu.vector_load %arg4[%get3A_2153, %get3A_2154] {strides = array<i32>} : memref<128x512xf32, #tpu.memory_space<vmem>>, vector<1x16xf32>,
        %get3A_2156 = vector.shape_cast %get3A_2155 : vector<1x16xf32> to vector<16xf32>
        %abs3A_2157 = math.absf %get3A_2156 : vector<16xf32>
        %lt3A_2158 = arith.constant 0.000000e+00 : f32
        %lt3A_2159 = vector.broadcast %lt3A_2158 : f32 to vector<16xf32>
        %lt3A_2160 = arith.cmpf olt, %get3A_2156, %lt3A_2159 : vector<16xf32>
        %broadcast_in_dim3A_2161 = arith.constant 35 : i32
        %broadcast_in_dim3A_2162 = vector.broadcast %broadcast_in_dim3A_2161 : i32 to vector<16xi32>
        %broadcast_in_dim3A_2163 = arith.constant 3 : i32
        %broadcast_in_dim3A_2164 = vector.broadcast %broadcast_in_dim3A_2163 : i32 to vector<16xi32>
        %select_n3A_2165 = arith.select %lt3A_2160, %broadcast_in_dim3A_2162, %broadcast_in_dim3A_2164 : vector<16xi1>, vector<16xi32>
        %gt3A_2166 = arith.cmpf ogt, %abs3A_2157, %select_n3A_2150 : vector<16xf32>
        %eq3A_2167 = arith.cmpf oeq, %abs3A_2157, %select_n3A_2150 : vector<16xf32>
        %lt3A_2168 = arith.cmpi slt, %select_n3A_2165, %select_n3A_2151 : vector<16xi32>
        %and3A_2169 = arith.andi %eq3A_2167, %lt3A_2168 : vector<16xi1>
        %or3A_2170 = arith.ori %gt3A_2166, %and3A_2169 : vector<16xi1>
        %select_n3A_2171 = arith.select %gt3A_2166, %abs3A_2157, %select_n3A_2150 : vector<16xi1>, vector<16xf32>
        %select_n3A_2172 = arith.select %or3A_2170, %select_n3A_2165, %select_n3A_2151 : vector<16xi1>, vector<16xi32>
        %get3A_2173 = arith.constant 100 : i32
        %get3A_2174 = arith.index_cast %get3A_2173 : i32 to index
        %get3A_2175 = arith.index_cast %mul3A_59 : i32 to index
        %get3A_2176 = tpu.vector_load %arg4[%get3A_2174, %get3A_2175] {strides = array<i32>} : memref<128x512xf32, #tpu.memory_space<vmem>>, vector<1x16xf32>,
        %get3A_2177 = vector.shape_cast %get3A_2176 : vector<1x16xf32> to vector<16xf32>
        %abs3A_2178 = math.absf %get3A_2177 : vector<16xf32>
        %lt3A_2179 = arith.constant 0.000000e+00 : f32
        %lt3A_2180 = vector.broadcast %lt3A_2179 : f32 to vector<16xf32>
        %lt3A_2181 = arith.cmpf olt, %get3A_2177, %lt3A_2180 : vector<16xf32>
        %broadcast_in_dim3A_2182 = arith.constant 36 : i32
        %broadcast_in_dim3A_2183 = vector.broadcast %broadcast_in_dim3A_2182 : i32 to vector<16xi32>
        %broadcast_in_dim3A_2184 = arith.constant 4 : i32
        %broadcast_in_dim3A_2185 = vector.broadcast %broadcast_in_dim3A_2184 : i32 to vector<16xi32>
        %select_n3A_2186 = arith.select %lt3A_2181, %broadcast_in_dim3A_2183, %broadcast_in_dim3A_2185 : vector<16xi1>, vector<16xi32>
        %gt3A_2187 = arith.cmpf ogt, %abs3A_2178, %select_n3A_2171 : vector<16xf32>
        %eq3A_2188 = arith.cmpf oeq, %abs3A_2178, %select_n3A_2171 : vector<16xf32>
        %lt3A_2189 = arith.cmpi slt, %select_n3A_2186, %select_n3A_2172 : vector<16xi32>
        %and3A_2190 = arith.andi %eq3A_2188, %lt3A_2189 : vector<16xi1>
        %or3A_2191 = arith.ori %gt3A_2187, %and3A_2190 : vector<16xi1>
        %select_n3A_2192 = arith.select %gt3A_2187, %abs3A_2178, %select_n3A_2171 : vector<16xi1>, vector<16xf32>
        %select_n3A_2193 = arith.select %or3A_2191, %select_n3A_2186, %select_n3A_2172 : vector<16xi1>, vector<16xi32>
        %get3A_2194 = arith.constant 101 : i32
        %get3A_2195 = arith.index_cast %get3A_2194 : i32 to index
        %get3A_2196 = arith.index_cast %mul3A_59 : i32 to index
        %get3A_2197 = tpu.vector_load %arg4[%get3A_2195, %get3A_2196] {strides = array<i32>} : memref<128x512xf32, #tpu.memory_space<vmem>>, vector<1x16xf32>,
        %get3A_2198 = vector.shape_cast %get3A_2197 : vector<1x16xf32> to vector<16xf32>
        %abs3A_2199 = math.absf %get3A_2198 : vector<16xf32>
        %lt3A_2200 = arith.constant 0.000000e+00 : f32
        %lt3A_2201 = vector.broadcast %lt3A_2200 : f32 to vector<16xf32>
        %lt3A_2202 = arith.cmpf olt, %get3A_2198, %lt3A_2201 : vector<16xf32>
        %broadcast_in_dim3A_2203 = arith.constant 37 : i32
        %broadcast_in_dim3A_2204 = vector.broadcast %broadcast_in_dim3A_2203 : i32 to vector<16xi32>
        %broadcast_in_dim3A_2205 = arith.constant 5 : i32
        %broadcast_in_dim3A_2206 = vector.broadcast %broadcast_in_dim3A_2205 : i32 to vector<16xi32>
        %select_n3A_2207 = arith.select %lt3A_2202, %broadcast_in_dim3A_2204, %broadcast_in_dim3A_2206 : vector<16xi1>, vector<16xi32>
        %gt3A_2208 = arith.cmpf ogt, %abs3A_2199, %select_n3A_2192 : vector<16xf32>
        %eq3A_2209 = arith.cmpf oeq, %abs3A_2199, %select_n3A_2192 : vector<16xf32>
        %lt3A_2210 = arith.cmpi slt, %select_n3A_2207, %select_n3A_2193 : vector<16xi32>
        %and3A_2211 = arith.andi %eq3A_2209, %lt3A_2210 : vector<16xi1>
        %or3A_2212 = arith.ori %gt3A_2208, %and3A_2211 : vector<16xi1>
        %select_n3A_2213 = arith.select %gt3A_2208, %abs3A_2199, %select_n3A_2192 : vector<16xi1>, vector<16xf32>
        %select_n3A_2214 = arith.select %or3A_2212, %select_n3A_2207, %select_n3A_2193 : vector<16xi1>, vector<16xi32>
        %get3A_2215 = arith.constant 102 : i32
        %get3A_2216 = arith.index_cast %get3A_2215 : i32 to index
        %get3A_2217 = arith.index_cast %mul3A_59 : i32 to index
        %get3A_2218 = tpu.vector_load %arg4[%get3A_2216, %get3A_2217] {strides = array<i32>} : memref<128x512xf32, #tpu.memory_space<vmem>>, vector<1x16xf32>,
        %get3A_2219 = vector.shape_cast %get3A_2218 : vector<1x16xf32> to vector<16xf32>
        %abs3A_2220 = math.absf %get3A_2219 : vector<16xf32>
        %lt3A_2221 = arith.constant 0.000000e+00 : f32
        %lt3A_2222 = vector.broadcast %lt3A_2221 : f32 to vector<16xf32>
        %lt3A_2223 = arith.cmpf olt, %get3A_2219, %lt3A_2222 : vector<16xf32>
        %broadcast_in_dim3A_2224 = arith.constant 38 : i32
        %broadcast_in_dim3A_2225 = vector.broadcast %broadcast_in_dim3A_2224 : i32 to vector<16xi32>
        %broadcast_in_dim3A_2226 = arith.constant 6 : i32
        %broadcast_in_dim3A_2227 = vector.broadcast %broadcast_in_dim3A_2226 : i32 to vector<16xi32>
        %select_n3A_2228 = arith.select %lt3A_2223, %broadcast_in_dim3A_2225, %broadcast_in_dim3A_2227 : vector<16xi1>, vector<16xi32>
        %gt3A_2229 = arith.cmpf ogt, %abs3A_2220, %select_n3A_2213 : vector<16xf32>
        %eq3A_2230 = arith.cmpf oeq, %abs3A_2220, %select_n3A_2213 : vector<16xf32>
        %lt3A_2231 = arith.cmpi slt, %select_n3A_2228, %select_n3A_2214 : vector<16xi32>
        %and3A_2232 = arith.andi %eq3A_2230, %lt3A_2231 : vector<16xi1>
        %or3A_2233 = arith.ori %gt3A_2229, %and3A_2232 : vector<16xi1>
        %select_n3A_2234 = arith.select %gt3A_2229, %abs3A_2220, %select_n3A_2213 : vector<16xi1>, vector<16xf32>
        %select_n3A_2235 = arith.select %or3A_2233, %select_n3A_2228, %select_n3A_2214 : vector<16xi1>, vector<16xi32>
        %get3A_2236 = arith.constant 103 : i32
        %get3A_2237 = arith.index_cast %get3A_2236 : i32 to index
        %get3A_2238 = arith.index_cast %mul3A_59 : i32 to index
        %get3A_2239 = tpu.vector_load %arg4[%get3A_2237, %get3A_2238] {strides = array<i32>} : memref<128x512xf32, #tpu.memory_space<vmem>>, vector<1x16xf32>,
        %get3A_2240 = vector.shape_cast %get3A_2239 : vector<1x16xf32> to vector<16xf32>
        %abs3A_2241 = math.absf %get3A_2240 : vector<16xf32>
        %lt3A_2242 = arith.constant 0.000000e+00 : f32
        %lt3A_2243 = vector.broadcast %lt3A_2242 : f32 to vector<16xf32>
        %lt3A_2244 = arith.cmpf olt, %get3A_2240, %lt3A_2243 : vector<16xf32>
        %broadcast_in_dim3A_2245 = arith.constant 39 : i32
        %broadcast_in_dim3A_2246 = vector.broadcast %broadcast_in_dim3A_2245 : i32 to vector<16xi32>
        %broadcast_in_dim3A_2247 = arith.constant 7 : i32
        %broadcast_in_dim3A_2248 = vector.broadcast %broadcast_in_dim3A_2247 : i32 to vector<16xi32>
        %select_n3A_2249 = arith.select %lt3A_2244, %broadcast_in_dim3A_2246, %broadcast_in_dim3A_2248 : vector<16xi1>, vector<16xi32>
        %gt3A_2250 = arith.cmpf ogt, %abs3A_2241, %select_n3A_2234 : vector<16xf32>
        %eq3A_2251 = arith.cmpf oeq, %abs3A_2241, %select_n3A_2234 : vector<16xf32>
        %lt3A_2252 = arith.cmpi slt, %select_n3A_2249, %select_n3A_2235 : vector<16xi32>
        %and3A_2253 = arith.andi %eq3A_2251, %lt3A_2252 : vector<16xi1>
        %or3A_2254 = arith.ori %gt3A_2250, %and3A_2253 : vector<16xi1>
        %select_n3A_2255 = arith.select %gt3A_2250, %abs3A_2241, %select_n3A_2234 : vector<16xi1>, vector<16xf32>
        %select_n3A_2256 = arith.select %or3A_2254, %select_n3A_2249, %select_n3A_2235 : vector<16xi1>, vector<16xi32>
        %get3A_2257 = arith.constant 104 : i32
        %get3A_2258 = arith.index_cast %get3A_2257 : i32 to index
        %get3A_2259 = arith.index_cast %mul3A_59 : i32 to index
        %get3A_2260 = tpu.vector_load %arg4[%get3A_2258, %get3A_2259] {strides = array<i32>} : memref<128x512xf32, #tpu.memory_space<vmem>>, vector<1x16xf32>,
        %get3A_2261 = vector.shape_cast %get3A_2260 : vector<1x16xf32> to vector<16xf32>
        %abs3A_2262 = math.absf %get3A_2261 : vector<16xf32>
        %lt3A_2263 = arith.constant 0.000000e+00 : f32
        %lt3A_2264 = vector.broadcast %lt3A_2263 : f32 to vector<16xf32>
        %lt3A_2265 = arith.cmpf olt, %get3A_2261, %lt3A_2264 : vector<16xf32>
        %broadcast_in_dim3A_2266 = arith.constant 40 : i32
        %broadcast_in_dim3A_2267 = vector.broadcast %broadcast_in_dim3A_2266 : i32 to vector<16xi32>
        %broadcast_in_dim3A_2268 = arith.constant 8 : i32
        %broadcast_in_dim3A_2269 = vector.broadcast %broadcast_in_dim3A_2268 : i32 to vector<16xi32>
        %select_n3A_2270 = arith.select %lt3A_2265, %broadcast_in_dim3A_2267, %broadcast_in_dim3A_2269 : vector<16xi1>, vector<16xi32>
        %gt3A_2271 = arith.cmpf ogt, %abs3A_2262, %select_n3A_2255 : vector<16xf32>
        %eq3A_2272 = arith.cmpf oeq, %abs3A_2262, %select_n3A_2255 : vector<16xf32>
        %lt3A_2273 = arith.cmpi slt, %select_n3A_2270, %select_n3A_2256 : vector<16xi32>
        %and3A_2274 = arith.andi %eq3A_2272, %lt3A_2273 : vector<16xi1>
        %or3A_2275 = arith.ori %gt3A_2271, %and3A_2274 : vector<16xi1>
        %select_n3A_2276 = arith.select %gt3A_2271, %abs3A_2262, %select_n3A_2255 : vector<16xi1>, vector<16xf32>
        %select_n3A_2277 = arith.select %or3A_2275, %select_n3A_2270, %select_n3A_2256 : vector<16xi1>, vector<16xi32>
        %get3A_2278 = arith.constant 105 : i32
        %get3A_2279 = arith.index_cast %get3A_2278 : i32 to index
        %get3A_2280 = arith.index_cast %mul3A_59 : i32 to index
        %get3A_2281 = tpu.vector_load %arg4[%get3A_2279, %get3A_2280] {strides = array<i32>} : memref<128x512xf32, #tpu.memory_space<vmem>>, vector<1x16xf32>,
        %get3A_2282 = vector.shape_cast %get3A_2281 : vector<1x16xf32> to vector<16xf32>
        %abs3A_2283 = math.absf %get3A_2282 : vector<16xf32>
        %lt3A_2284 = arith.constant 0.000000e+00 : f32
        %lt3A_2285 = vector.broadcast %lt3A_2284 : f32 to vector<16xf32>
        %lt3A_2286 = arith.cmpf olt, %get3A_2282, %lt3A_2285 : vector<16xf32>
        %broadcast_in_dim3A_2287 = arith.constant 41 : i32
        %broadcast_in_dim3A_2288 = vector.broadcast %broadcast_in_dim3A_2287 : i32 to vector<16xi32>
        %broadcast_in_dim3A_2289 = arith.constant 9 : i32
        %broadcast_in_dim3A_2290 = vector.broadcast %broadcast_in_dim3A_2289 : i32 to vector<16xi32>
        %select_n3A_2291 = arith.select %lt3A_2286, %broadcast_in_dim3A_2288, %broadcast_in_dim3A_2290 : vector<16xi1>, vector<16xi32>
        %gt3A_2292 = arith.cmpf ogt, %abs3A_2283, %select_n3A_2276 : vector<16xf32>
        %eq3A_2293 = arith.cmpf oeq, %abs3A_2283, %select_n3A_2276 : vector<16xf32>
        %lt3A_2294 = arith.cmpi slt, %select_n3A_2291, %select_n3A_2277 : vector<16xi32>
        %and3A_2295 = arith.andi %eq3A_2293, %lt3A_2294 : vector<16xi1>
        %or3A_2296 = arith.ori %gt3A_2292, %and3A_2295 : vector<16xi1>
        %select_n3A_2297 = arith.select %gt3A_2292, %abs3A_2283, %select_n3A_2276 : vector<16xi1>, vector<16xf32>
        %select_n3A_2298 = arith.select %or3A_2296, %select_n3A_2291, %select_n3A_2277 : vector<16xi1>, vector<16xi32>
        %get3A_2299 = arith.constant 106 : i32
        %get3A_2300 = arith.index_cast %get3A_2299 : i32 to index
        %get3A_2301 = arith.index_cast %mul3A_59 : i32 to index
        %get3A_2302 = tpu.vector_load %arg4[%get3A_2300, %get3A_2301] {strides = array<i32>} : memref<128x512xf32, #tpu.memory_space<vmem>>, vector<1x16xf32>,
        %get3A_2303 = vector.shape_cast %get3A_2302 : vector<1x16xf32> to vector<16xf32>
        %abs3A_2304 = math.absf %get3A_2303 : vector<16xf32>
        %lt3A_2305 = arith.constant 0.000000e+00 : f32
        %lt3A_2306 = vector.broadcast %lt3A_2305 : f32 to vector<16xf32>
        %lt3A_2307 = arith.cmpf olt, %get3A_2303, %lt3A_2306 : vector<16xf32>
        %broadcast_in_dim3A_2308 = arith.constant 42 : i32
        %broadcast_in_dim3A_2309 = vector.broadcast %broadcast_in_dim3A_2308 : i32 to vector<16xi32>
        %broadcast_in_dim3A_2310 = arith.constant 10 : i32
        %broadcast_in_dim3A_2311 = vector.broadcast %broadcast_in_dim3A_2310 : i32 to vector<16xi32>
        %select_n3A_2312 = arith.select %lt3A_2307, %broadcast_in_dim3A_2309, %broadcast_in_dim3A_2311 : vector<16xi1>, vector<16xi32>
        %gt3A_2313 = arith.cmpf ogt, %abs3A_2304, %select_n3A_2297 : vector<16xf32>
        %eq3A_2314 = arith.cmpf oeq, %abs3A_2304, %select_n3A_2297 : vector<16xf32>
        %lt3A_2315 = arith.cmpi slt, %select_n3A_2312, %select_n3A_2298 : vector<16xi32>
        %and3A_2316 = arith.andi %eq3A_2314, %lt3A_2315 : vector<16xi1>
        %or3A_2317 = arith.ori %gt3A_2313, %and3A_2316 : vector<16xi1>
        %select_n3A_2318 = arith.select %gt3A_2313, %abs3A_2304, %select_n3A_2297 : vector<16xi1>, vector<16xf32>
        %select_n3A_2319 = arith.select %or3A_2317, %select_n3A_2312, %select_n3A_2298 : vector<16xi1>, vector<16xi32>
        %get3A_2320 = arith.constant 107 : i32
        %get3A_2321 = arith.index_cast %get3A_2320 : i32 to index
        %get3A_2322 = arith.index_cast %mul3A_59 : i32 to index
        %get3A_2323 = tpu.vector_load %arg4[%get3A_2321, %get3A_2322] {strides = array<i32>} : memref<128x512xf32, #tpu.memory_space<vmem>>, vector<1x16xf32>,
        %get3A_2324 = vector.shape_cast %get3A_2323 : vector<1x16xf32> to vector<16xf32>
        %abs3A_2325 = math.absf %get3A_2324 : vector<16xf32>
        %lt3A_2326 = arith.constant 0.000000e+00 : f32
        %lt3A_2327 = vector.broadcast %lt3A_2326 : f32 to vector<16xf32>
        %lt3A_2328 = arith.cmpf olt, %get3A_2324, %lt3A_2327 : vector<16xf32>
        %broadcast_in_dim3A_2329 = arith.constant 43 : i32
        %broadcast_in_dim3A_2330 = vector.broadcast %broadcast_in_dim3A_2329 : i32 to vector<16xi32>
        %broadcast_in_dim3A_2331 = arith.constant 11 : i32
        %broadcast_in_dim3A_2332 = vector.broadcast %broadcast_in_dim3A_2331 : i32 to vector<16xi32>
        %select_n3A_2333 = arith.select %lt3A_2328, %broadcast_in_dim3A_2330, %broadcast_in_dim3A_2332 : vector<16xi1>, vector<16xi32>
        %gt3A_2334 = arith.cmpf ogt, %abs3A_2325, %select_n3A_2318 : vector<16xf32>
        %eq3A_2335 = arith.cmpf oeq, %abs3A_2325, %select_n3A_2318 : vector<16xf32>
        %lt3A_2336 = arith.cmpi slt, %select_n3A_2333, %select_n3A_2319 : vector<16xi32>
        %and3A_2337 = arith.andi %eq3A_2335, %lt3A_2336 : vector<16xi1>
        %or3A_2338 = arith.ori %gt3A_2334, %and3A_2337 : vector<16xi1>
        %select_n3A_2339 = arith.select %gt3A_2334, %abs3A_2325, %select_n3A_2318 : vector<16xi1>, vector<16xf32>
        %select_n3A_2340 = arith.select %or3A_2338, %select_n3A_2333, %select_n3A_2319 : vector<16xi1>, vector<16xi32>
        %get3A_2341 = arith.constant 108 : i32
        %get3A_2342 = arith.index_cast %get3A_2341 : i32 to index
        %get3A_2343 = arith.index_cast %mul3A_59 : i32 to index
        %get3A_2344 = tpu.vector_load %arg4[%get3A_2342, %get3A_2343] {strides = array<i32>} : memref<128x512xf32, #tpu.memory_space<vmem>>, vector<1x16xf32>,
        %get3A_2345 = vector.shape_cast %get3A_2344 : vector<1x16xf32> to vector<16xf32>
        %abs3A_2346 = math.absf %get3A_2345 : vector<16xf32>
        %lt3A_2347 = arith.constant 0.000000e+00 : f32
        %lt3A_2348 = vector.broadcast %lt3A_2347 : f32 to vector<16xf32>
        %lt3A_2349 = arith.cmpf olt, %get3A_2345, %lt3A_2348 : vector<16xf32>
        %broadcast_in_dim3A_2350 = arith.constant 44 : i32
        %broadcast_in_dim3A_2351 = vector.broadcast %broadcast_in_dim3A_2350 : i32 to vector<16xi32>
        %broadcast_in_dim3A_2352 = arith.constant 12 : i32
        %broadcast_in_dim3A_2353 = vector.broadcast %broadcast_in_dim3A_2352 : i32 to vector<16xi32>
        %select_n3A_2354 = arith.select %lt3A_2349, %broadcast_in_dim3A_2351, %broadcast_in_dim3A_2353 : vector<16xi1>, vector<16xi32>
        %gt3A_2355 = arith.cmpf ogt, %abs3A_2346, %select_n3A_2339 : vector<16xf32>
        %eq3A_2356 = arith.cmpf oeq, %abs3A_2346, %select_n3A_2339 : vector<16xf32>
        %lt3A_2357 = arith.cmpi slt, %select_n3A_2354, %select_n3A_2340 : vector<16xi32>
        %and3A_2358 = arith.andi %eq3A_2356, %lt3A_2357 : vector<16xi1>
        %or3A_2359 = arith.ori %gt3A_2355, %and3A_2358 : vector<16xi1>
        %select_n3A_2360 = arith.select %gt3A_2355, %abs3A_2346, %select_n3A_2339 : vector<16xi1>, vector<16xf32>
        %select_n3A_2361 = arith.select %or3A_2359, %select_n3A_2354, %select_n3A_2340 : vector<16xi1>, vector<16xi32>
        %get3A_2362 = arith.constant 109 : i32
        %get3A_2363 = arith.index_cast %get3A_2362 : i32 to index
        %get3A_2364 = arith.index_cast %mul3A_59 : i32 to index
        %get3A_2365 = tpu.vector_load %arg4[%get3A_2363, %get3A_2364] {strides = array<i32>} : memref<128x512xf32, #tpu.memory_space<vmem>>, vector<1x16xf32>,
        %get3A_2366 = vector.shape_cast %get3A_2365 : vector<1x16xf32> to vector<16xf32>
        %abs3A_2367 = math.absf %get3A_2366 : vector<16xf32>
        %lt3A_2368 = arith.constant 0.000000e+00 : f32
        %lt3A_2369 = vector.broadcast %lt3A_2368 : f32 to vector<16xf32>
        %lt3A_2370 = arith.cmpf olt, %get3A_2366, %lt3A_2369 : vector<16xf32>
        %broadcast_in_dim3A_2371 = arith.constant 45 : i32
        %broadcast_in_dim3A_2372 = vector.broadcast %broadcast_in_dim3A_2371 : i32 to vector<16xi32>
        %broadcast_in_dim3A_2373 = arith.constant 13 : i32
        %broadcast_in_dim3A_2374 = vector.broadcast %broadcast_in_dim3A_2373 : i32 to vector<16xi32>
        %select_n3A_2375 = arith.select %lt3A_2370, %broadcast_in_dim3A_2372, %broadcast_in_dim3A_2374 : vector<16xi1>, vector<16xi32>
        %gt3A_2376 = arith.cmpf ogt, %abs3A_2367, %select_n3A_2360 : vector<16xf32>
        %eq3A_2377 = arith.cmpf oeq, %abs3A_2367, %select_n3A_2360 : vector<16xf32>
        %lt3A_2378 = arith.cmpi slt, %select_n3A_2375, %select_n3A_2361 : vector<16xi32>
        %and3A_2379 = arith.andi %eq3A_2377, %lt3A_2378 : vector<16xi1>
        %or3A_2380 = arith.ori %gt3A_2376, %and3A_2379 : vector<16xi1>
        %select_n3A_2381 = arith.select %gt3A_2376, %abs3A_2367, %select_n3A_2360 : vector<16xi1>, vector<16xf32>
        %select_n3A_2382 = arith.select %or3A_2380, %select_n3A_2375, %select_n3A_2361 : vector<16xi1>, vector<16xi32>
        %get3A_2383 = arith.constant 110 : i32
        %get3A_2384 = arith.index_cast %get3A_2383 : i32 to index
        %get3A_2385 = arith.index_cast %mul3A_59 : i32 to index
        %get3A_2386 = tpu.vector_load %arg4[%get3A_2384, %get3A_2385] {strides = array<i32>} : memref<128x512xf32, #tpu.memory_space<vmem>>, vector<1x16xf32>,
        %get3A_2387 = vector.shape_cast %get3A_2386 : vector<1x16xf32> to vector<16xf32>
        %abs3A_2388 = math.absf %get3A_2387 : vector<16xf32>
        %lt3A_2389 = arith.constant 0.000000e+00 : f32
        %lt3A_2390 = vector.broadcast %lt3A_2389 : f32 to vector<16xf32>
        %lt3A_2391 = arith.cmpf olt, %get3A_2387, %lt3A_2390 : vector<16xf32>
        %broadcast_in_dim3A_2392 = arith.constant 46 : i32
        %broadcast_in_dim3A_2393 = vector.broadcast %broadcast_in_dim3A_2392 : i32 to vector<16xi32>
        %broadcast_in_dim3A_2394 = arith.constant 14 : i32
        %broadcast_in_dim3A_2395 = vector.broadcast %broadcast_in_dim3A_2394 : i32 to vector<16xi32>
        %select_n3A_2396 = arith.select %lt3A_2391, %broadcast_in_dim3A_2393, %broadcast_in_dim3A_2395 : vector<16xi1>, vector<16xi32>
        %gt3A_2397 = arith.cmpf ogt, %abs3A_2388, %select_n3A_2381 : vector<16xf32>
        %eq3A_2398 = arith.cmpf oeq, %abs3A_2388, %select_n3A_2381 : vector<16xf32>
        %lt3A_2399 = arith.cmpi slt, %select_n3A_2396, %select_n3A_2382 : vector<16xi32>
        %and3A_2400 = arith.andi %eq3A_2398, %lt3A_2399 : vector<16xi1>
        %or3A_2401 = arith.ori %gt3A_2397, %and3A_2400 : vector<16xi1>
        %select_n3A_2402 = arith.select %gt3A_2397, %abs3A_2388, %select_n3A_2381 : vector<16xi1>, vector<16xf32>
        %select_n3A_2403 = arith.select %or3A_2401, %select_n3A_2396, %select_n3A_2382 : vector<16xi1>, vector<16xi32>
        %get3A_2404 = arith.constant 111 : i32
        %get3A_2405 = arith.index_cast %get3A_2404 : i32 to index
        %get3A_2406 = arith.index_cast %mul3A_59 : i32 to index
        %get3A_2407 = tpu.vector_load %arg4[%get3A_2405, %get3A_2406] {strides = array<i32>} : memref<128x512xf32, #tpu.memory_space<vmem>>, vector<1x16xf32>,
        %get3A_2408 = vector.shape_cast %get3A_2407 : vector<1x16xf32> to vector<16xf32>
        %abs3A_2409 = math.absf %get3A_2408 : vector<16xf32>
        %lt3A_2410 = arith.constant 0.000000e+00 : f32
        %lt3A_2411 = vector.broadcast %lt3A_2410 : f32 to vector<16xf32>
        %lt3A_2412 = arith.cmpf olt, %get3A_2408, %lt3A_2411 : vector<16xf32>
        %broadcast_in_dim3A_2413 = arith.constant 47 : i32
        %broadcast_in_dim3A_2414 = vector.broadcast %broadcast_in_dim3A_2413 : i32 to vector<16xi32>
        %broadcast_in_dim3A_2415 = arith.constant 15 : i32
        %broadcast_in_dim3A_2416 = vector.broadcast %broadcast_in_dim3A_2415 : i32 to vector<16xi32>
        %select_n3A_2417 = arith.select %lt3A_2412, %broadcast_in_dim3A_2414, %broadcast_in_dim3A_2416 : vector<16xi1>, vector<16xi32>
        %gt3A_2418 = arith.cmpf ogt, %abs3A_2409, %select_n3A_2402 : vector<16xf32>
        %eq3A_2419 = arith.cmpf oeq, %abs3A_2409, %select_n3A_2402 : vector<16xf32>
        %lt3A_2420 = arith.cmpi slt, %select_n3A_2417, %select_n3A_2403 : vector<16xi32>
        %and3A_2421 = arith.andi %eq3A_2419, %lt3A_2420 : vector<16xi1>
        %or3A_2422 = arith.ori %gt3A_2418, %and3A_2421 : vector<16xi1>
        %select_n3A_2423 = arith.select %gt3A_2418, %abs3A_2409, %select_n3A_2402 : vector<16xi1>, vector<16xf32>
        %select_n3A_2424 = arith.select %or3A_2422, %select_n3A_2417, %select_n3A_2403 : vector<16xi1>, vector<16xi32>
        %get3A_2425 = arith.constant 112 : i32
        %get3A_2426 = arith.index_cast %get3A_2425 : i32 to index
        %get3A_2427 = arith.index_cast %mul3A_59 : i32 to index
        %get3A_2428 = tpu.vector_load %arg4[%get3A_2426, %get3A_2427] {strides = array<i32>} : memref<128x512xf32, #tpu.memory_space<vmem>>, vector<1x16xf32>,
        %get3A_2429 = vector.shape_cast %get3A_2428 : vector<1x16xf32> to vector<16xf32>
        %abs3A_2430 = math.absf %get3A_2429 : vector<16xf32>
        %lt3A_2431 = arith.constant 0.000000e+00 : f32
        %lt3A_2432 = vector.broadcast %lt3A_2431 : f32 to vector<16xf32>
        %lt3A_2433 = arith.cmpf olt, %get3A_2429, %lt3A_2432 : vector<16xf32>
        %broadcast_in_dim3A_2434 = arith.constant 48 : i32
        %broadcast_in_dim3A_2435 = vector.broadcast %broadcast_in_dim3A_2434 : i32 to vector<16xi32>
        %broadcast_in_dim3A_2436 = arith.constant 16 : i32
        %broadcast_in_dim3A_2437 = vector.broadcast %broadcast_in_dim3A_2436 : i32 to vector<16xi32>
        %select_n3A_2438 = arith.select %lt3A_2433, %broadcast_in_dim3A_2435, %broadcast_in_dim3A_2437 : vector<16xi1>, vector<16xi32>
        %gt3A_2439 = arith.cmpf ogt, %abs3A_2430, %select_n3A_2423 : vector<16xf32>
        %eq3A_2440 = arith.cmpf oeq, %abs3A_2430, %select_n3A_2423 : vector<16xf32>
        %lt3A_2441 = arith.cmpi slt, %select_n3A_2438, %select_n3A_2424 : vector<16xi32>
        %and3A_2442 = arith.andi %eq3A_2440, %lt3A_2441 : vector<16xi1>
        %or3A_2443 = arith.ori %gt3A_2439, %and3A_2442 : vector<16xi1>
        %select_n3A_2444 = arith.select %gt3A_2439, %abs3A_2430, %select_n3A_2423 : vector<16xi1>, vector<16xf32>
        %select_n3A_2445 = arith.select %or3A_2443, %select_n3A_2438, %select_n3A_2424 : vector<16xi1>, vector<16xi32>
        %get3A_2446 = arith.constant 113 : i32
        %get3A_2447 = arith.index_cast %get3A_2446 : i32 to index
        %get3A_2448 = arith.index_cast %mul3A_59 : i32 to index
        %get3A_2449 = tpu.vector_load %arg4[%get3A_2447, %get3A_2448] {strides = array<i32>} : memref<128x512xf32, #tpu.memory_space<vmem>>, vector<1x16xf32>,
        %get3A_2450 = vector.shape_cast %get3A_2449 : vector<1x16xf32> to vector<16xf32>
        %abs3A_2451 = math.absf %get3A_2450 : vector<16xf32>
        %lt3A_2452 = arith.constant 0.000000e+00 : f32
        %lt3A_2453 = vector.broadcast %lt3A_2452 : f32 to vector<16xf32>
        %lt3A_2454 = arith.cmpf olt, %get3A_2450, %lt3A_2453 : vector<16xf32>
        %broadcast_in_dim3A_2455 = arith.constant 49 : i32
        %broadcast_in_dim3A_2456 = vector.broadcast %broadcast_in_dim3A_2455 : i32 to vector<16xi32>
        %broadcast_in_dim3A_2457 = arith.constant 17 : i32
        %broadcast_in_dim3A_2458 = vector.broadcast %broadcast_in_dim3A_2457 : i32 to vector<16xi32>
        %select_n3A_2459 = arith.select %lt3A_2454, %broadcast_in_dim3A_2456, %broadcast_in_dim3A_2458 : vector<16xi1>, vector<16xi32>
        %gt3A_2460 = arith.cmpf ogt, %abs3A_2451, %select_n3A_2444 : vector<16xf32>
        %eq3A_2461 = arith.cmpf oeq, %abs3A_2451, %select_n3A_2444 : vector<16xf32>
        %lt3A_2462 = arith.cmpi slt, %select_n3A_2459, %select_n3A_2445 : vector<16xi32>
        %and3A_2463 = arith.andi %eq3A_2461, %lt3A_2462 : vector<16xi1>
        %or3A_2464 = arith.ori %gt3A_2460, %and3A_2463 : vector<16xi1>
        %select_n3A_2465 = arith.select %gt3A_2460, %abs3A_2451, %select_n3A_2444 : vector<16xi1>, vector<16xf32>
        %select_n3A_2466 = arith.select %or3A_2464, %select_n3A_2459, %select_n3A_2445 : vector<16xi1>, vector<16xi32>
        %get3A_2467 = arith.constant 114 : i32
        %get3A_2468 = arith.index_cast %get3A_2467 : i32 to index
        %get3A_2469 = arith.index_cast %mul3A_59 : i32 to index
        %get3A_2470 = tpu.vector_load %arg4[%get3A_2468, %get3A_2469] {strides = array<i32>} : memref<128x512xf32, #tpu.memory_space<vmem>>, vector<1x16xf32>,
        %get3A_2471 = vector.shape_cast %get3A_2470 : vector<1x16xf32> to vector<16xf32>
        %abs3A_2472 = math.absf %get3A_2471 : vector<16xf32>
        %lt3A_2473 = arith.constant 0.000000e+00 : f32
        %lt3A_2474 = vector.broadcast %lt3A_2473 : f32 to vector<16xf32>
        %lt3A_2475 = arith.cmpf olt, %get3A_2471, %lt3A_2474 : vector<16xf32>
        %broadcast_in_dim3A_2476 = arith.constant 50 : i32
        %broadcast_in_dim3A_2477 = vector.broadcast %broadcast_in_dim3A_2476 : i32 to vector<16xi32>
        %broadcast_in_dim3A_2478 = arith.constant 18 : i32
        %broadcast_in_dim3A_2479 = vector.broadcast %broadcast_in_dim3A_2478 : i32 to vector<16xi32>
        %select_n3A_2480 = arith.select %lt3A_2475, %broadcast_in_dim3A_2477, %broadcast_in_dim3A_2479 : vector<16xi1>, vector<16xi32>
        %gt3A_2481 = arith.cmpf ogt, %abs3A_2472, %select_n3A_2465 : vector<16xf32>
        %eq3A_2482 = arith.cmpf oeq, %abs3A_2472, %select_n3A_2465 : vector<16xf32>
        %lt3A_2483 = arith.cmpi slt, %select_n3A_2480, %select_n3A_2466 : vector<16xi32>
        %and3A_2484 = arith.andi %eq3A_2482, %lt3A_2483 : vector<16xi1>
        %or3A_2485 = arith.ori %gt3A_2481, %and3A_2484 : vector<16xi1>
        %select_n3A_2486 = arith.select %gt3A_2481, %abs3A_2472, %select_n3A_2465 : vector<16xi1>, vector<16xf32>
        %select_n3A_2487 = arith.select %or3A_2485, %select_n3A_2480, %select_n3A_2466 : vector<16xi1>, vector<16xi32>
        %get3A_2488 = arith.constant 115 : i32
        %get3A_2489 = arith.index_cast %get3A_2488 : i32 to index
        %get3A_2490 = arith.index_cast %mul3A_59 : i32 to index
        %get3A_2491 = tpu.vector_load %arg4[%get3A_2489, %get3A_2490] {strides = array<i32>} : memref<128x512xf32, #tpu.memory_space<vmem>>, vector<1x16xf32>,
        %get3A_2492 = vector.shape_cast %get3A_2491 : vector<1x16xf32> to vector<16xf32>
        %abs3A_2493 = math.absf %get3A_2492 : vector<16xf32>
        %lt3A_2494 = arith.constant 0.000000e+00 : f32
        %lt3A_2495 = vector.broadcast %lt3A_2494 : f32 to vector<16xf32>
        %lt3A_2496 = arith.cmpf olt, %get3A_2492, %lt3A_2495 : vector<16xf32>
        %broadcast_in_dim3A_2497 = arith.constant 51 : i32
        %broadcast_in_dim3A_2498 = vector.broadcast %broadcast_in_dim3A_2497 : i32 to vector<16xi32>
        %broadcast_in_dim3A_2499 = arith.constant 19 : i32
        %broadcast_in_dim3A_2500 = vector.broadcast %broadcast_in_dim3A_2499 : i32 to vector<16xi32>
        %select_n3A_2501 = arith.select %lt3A_2496, %broadcast_in_dim3A_2498, %broadcast_in_dim3A_2500 : vector<16xi1>, vector<16xi32>
        %gt3A_2502 = arith.cmpf ogt, %abs3A_2493, %select_n3A_2486 : vector<16xf32>
        %eq3A_2503 = arith.cmpf oeq, %abs3A_2493, %select_n3A_2486 : vector<16xf32>
        %lt3A_2504 = arith.cmpi slt, %select_n3A_2501, %select_n3A_2487 : vector<16xi32>
        %and3A_2505 = arith.andi %eq3A_2503, %lt3A_2504 : vector<16xi1>
        %or3A_2506 = arith.ori %gt3A_2502, %and3A_2505 : vector<16xi1>
        %select_n3A_2507 = arith.select %gt3A_2502, %abs3A_2493, %select_n3A_2486 : vector<16xi1>, vector<16xf32>
        %select_n3A_2508 = arith.select %or3A_2506, %select_n3A_2501, %select_n3A_2487 : vector<16xi1>, vector<16xi32>
        %get3A_2509 = arith.constant 116 : i32
        %get3A_2510 = arith.index_cast %get3A_2509 : i32 to index
        %get3A_2511 = arith.index_cast %mul3A_59 : i32 to index
        %get3A_2512 = tpu.vector_load %arg4[%get3A_2510, %get3A_2511] {strides = array<i32>} : memref<128x512xf32, #tpu.memory_space<vmem>>, vector<1x16xf32>,
        %get3A_2513 = vector.shape_cast %get3A_2512 : vector<1x16xf32> to vector<16xf32>
        %abs3A_2514 = math.absf %get3A_2513 : vector<16xf32>
        %lt3A_2515 = arith.constant 0.000000e+00 : f32
        %lt3A_2516 = vector.broadcast %lt3A_2515 : f32 to vector<16xf32>
        %lt3A_2517 = arith.cmpf olt, %get3A_2513, %lt3A_2516 : vector<16xf32>
        %broadcast_in_dim3A_2518 = arith.constant 52 : i32
        %broadcast_in_dim3A_2519 = vector.broadcast %broadcast_in_dim3A_2518 : i32 to vector<16xi32>
        %broadcast_in_dim3A_2520 = arith.constant 20 : i32
        %broadcast_in_dim3A_2521 = vector.broadcast %broadcast_in_dim3A_2520 : i32 to vector<16xi32>
        %select_n3A_2522 = arith.select %lt3A_2517, %broadcast_in_dim3A_2519, %broadcast_in_dim3A_2521 : vector<16xi1>, vector<16xi32>
        %gt3A_2523 = arith.cmpf ogt, %abs3A_2514, %select_n3A_2507 : vector<16xf32>
        %eq3A_2524 = arith.cmpf oeq, %abs3A_2514, %select_n3A_2507 : vector<16xf32>
        %lt3A_2525 = arith.cmpi slt, %select_n3A_2522, %select_n3A_2508 : vector<16xi32>
        %and3A_2526 = arith.andi %eq3A_2524, %lt3A_2525 : vector<16xi1>
        %or3A_2527 = arith.ori %gt3A_2523, %and3A_2526 : vector<16xi1>
        %select_n3A_2528 = arith.select %gt3A_2523, %abs3A_2514, %select_n3A_2507 : vector<16xi1>, vector<16xf32>
        %select_n3A_2529 = arith.select %or3A_2527, %select_n3A_2522, %select_n3A_2508 : vector<16xi1>, vector<16xi32>
        %get3A_2530 = arith.constant 117 : i32
        %get3A_2531 = arith.index_cast %get3A_2530 : i32 to index
        %get3A_2532 = arith.index_cast %mul3A_59 : i32 to index
        %get3A_2533 = tpu.vector_load %arg4[%get3A_2531, %get3A_2532] {strides = array<i32>} : memref<128x512xf32, #tpu.memory_space<vmem>>, vector<1x16xf32>,
        %get3A_2534 = vector.shape_cast %get3A_2533 : vector<1x16xf32> to vector<16xf32>
        %abs3A_2535 = math.absf %get3A_2534 : vector<16xf32>
        %lt3A_2536 = arith.constant 0.000000e+00 : f32
        %lt3A_2537 = vector.broadcast %lt3A_2536 : f32 to vector<16xf32>
        %lt3A_2538 = arith.cmpf olt, %get3A_2534, %lt3A_2537 : vector<16xf32>
        %broadcast_in_dim3A_2539 = arith.constant 53 : i32
        %broadcast_in_dim3A_2540 = vector.broadcast %broadcast_in_dim3A_2539 : i32 to vector<16xi32>
        %broadcast_in_dim3A_2541 = arith.constant 21 : i32
        %broadcast_in_dim3A_2542 = vector.broadcast %broadcast_in_dim3A_2541 : i32 to vector<16xi32>
        %select_n3A_2543 = arith.select %lt3A_2538, %broadcast_in_dim3A_2540, %broadcast_in_dim3A_2542 : vector<16xi1>, vector<16xi32>
        %gt3A_2544 = arith.cmpf ogt, %abs3A_2535, %select_n3A_2528 : vector<16xf32>
        %eq3A_2545 = arith.cmpf oeq, %abs3A_2535, %select_n3A_2528 : vector<16xf32>
        %lt3A_2546 = arith.cmpi slt, %select_n3A_2543, %select_n3A_2529 : vector<16xi32>
        %and3A_2547 = arith.andi %eq3A_2545, %lt3A_2546 : vector<16xi1>
        %or3A_2548 = arith.ori %gt3A_2544, %and3A_2547 : vector<16xi1>
        %select_n3A_2549 = arith.select %gt3A_2544, %abs3A_2535, %select_n3A_2528 : vector<16xi1>, vector<16xf32>
        %select_n3A_2550 = arith.select %or3A_2548, %select_n3A_2543, %select_n3A_2529 : vector<16xi1>, vector<16xi32>
        %get3A_2551 = arith.constant 118 : i32
        %get3A_2552 = arith.index_cast %get3A_2551 : i32 to index
        %get3A_2553 = arith.index_cast %mul3A_59 : i32 to index
        %get3A_2554 = tpu.vector_load %arg4[%get3A_2552, %get3A_2553] {strides = array<i32>} : memref<128x512xf32, #tpu.memory_space<vmem>>, vector<1x16xf32>,
        %get3A_2555 = vector.shape_cast %get3A_2554 : vector<1x16xf32> to vector<16xf32>
        %abs3A_2556 = math.absf %get3A_2555 : vector<16xf32>
        %lt3A_2557 = arith.constant 0.000000e+00 : f32
        %lt3A_2558 = vector.broadcast %lt3A_2557 : f32 to vector<16xf32>
        %lt3A_2559 = arith.cmpf olt, %get3A_2555, %lt3A_2558 : vector<16xf32>
        %broadcast_in_dim3A_2560 = arith.constant 54 : i32
        %broadcast_in_dim3A_2561 = vector.broadcast %broadcast_in_dim3A_2560 : i32 to vector<16xi32>
        %broadcast_in_dim3A_2562 = arith.constant 22 : i32
        %broadcast_in_dim3A_2563 = vector.broadcast %broadcast_in_dim3A_2562 : i32 to vector<16xi32>
        %select_n3A_2564 = arith.select %lt3A_2559, %broadcast_in_dim3A_2561, %broadcast_in_dim3A_2563 : vector<16xi1>, vector<16xi32>
        %gt3A_2565 = arith.cmpf ogt, %abs3A_2556, %select_n3A_2549 : vector<16xf32>
        %eq3A_2566 = arith.cmpf oeq, %abs3A_2556, %select_n3A_2549 : vector<16xf32>
        %lt3A_2567 = arith.cmpi slt, %select_n3A_2564, %select_n3A_2550 : vector<16xi32>
        %and3A_2568 = arith.andi %eq3A_2566, %lt3A_2567 : vector<16xi1>
        %or3A_2569 = arith.ori %gt3A_2565, %and3A_2568 : vector<16xi1>
        %select_n3A_2570 = arith.select %gt3A_2565, %abs3A_2556, %select_n3A_2549 : vector<16xi1>, vector<16xf32>
        %select_n3A_2571 = arith.select %or3A_2569, %select_n3A_2564, %select_n3A_2550 : vector<16xi1>, vector<16xi32>
        %get3A_2572 = arith.constant 119 : i32
        %get3A_2573 = arith.index_cast %get3A_2572 : i32 to index
        %get3A_2574 = arith.index_cast %mul3A_59 : i32 to index
        %get3A_2575 = tpu.vector_load %arg4[%get3A_2573, %get3A_2574] {strides = array<i32>} : memref<128x512xf32, #tpu.memory_space<vmem>>, vector<1x16xf32>,
        %get3A_2576 = vector.shape_cast %get3A_2575 : vector<1x16xf32> to vector<16xf32>
        %abs3A_2577 = math.absf %get3A_2576 : vector<16xf32>
        %lt3A_2578 = arith.constant 0.000000e+00 : f32
        %lt3A_2579 = vector.broadcast %lt3A_2578 : f32 to vector<16xf32>
        %lt3A_2580 = arith.cmpf olt, %get3A_2576, %lt3A_2579 : vector<16xf32>
        %broadcast_in_dim3A_2581 = arith.constant 55 : i32
        %broadcast_in_dim3A_2582 = vector.broadcast %broadcast_in_dim3A_2581 : i32 to vector<16xi32>
        %broadcast_in_dim3A_2583 = arith.constant 23 : i32
        %broadcast_in_dim3A_2584 = vector.broadcast %broadcast_in_dim3A_2583 : i32 to vector<16xi32>
        %select_n3A_2585 = arith.select %lt3A_2580, %broadcast_in_dim3A_2582, %broadcast_in_dim3A_2584 : vector<16xi1>, vector<16xi32>
        %gt3A_2586 = arith.cmpf ogt, %abs3A_2577, %select_n3A_2570 : vector<16xf32>
        %eq3A_2587 = arith.cmpf oeq, %abs3A_2577, %select_n3A_2570 : vector<16xf32>
        %lt3A_2588 = arith.cmpi slt, %select_n3A_2585, %select_n3A_2571 : vector<16xi32>
        %and3A_2589 = arith.andi %eq3A_2587, %lt3A_2588 : vector<16xi1>
        %or3A_2590 = arith.ori %gt3A_2586, %and3A_2589 : vector<16xi1>
        %select_n3A_2591 = arith.select %gt3A_2586, %abs3A_2577, %select_n3A_2570 : vector<16xi1>, vector<16xf32>
        %select_n3A_2592 = arith.select %or3A_2590, %select_n3A_2585, %select_n3A_2571 : vector<16xi1>, vector<16xi32>
        %get3A_2593 = arith.constant 120 : i32
        %get3A_2594 = arith.index_cast %get3A_2593 : i32 to index
        %get3A_2595 = arith.index_cast %mul3A_59 : i32 to index
        %get3A_2596 = tpu.vector_load %arg4[%get3A_2594, %get3A_2595] {strides = array<i32>} : memref<128x512xf32, #tpu.memory_space<vmem>>, vector<1x16xf32>,
        %get3A_2597 = vector.shape_cast %get3A_2596 : vector<1x16xf32> to vector<16xf32>
        %abs3A_2598 = math.absf %get3A_2597 : vector<16xf32>
        %lt3A_2599 = arith.constant 0.000000e+00 : f32
        %lt3A_2600 = vector.broadcast %lt3A_2599 : f32 to vector<16xf32>
        %lt3A_2601 = arith.cmpf olt, %get3A_2597, %lt3A_2600 : vector<16xf32>
        %broadcast_in_dim3A_2602 = arith.constant 56 : i32
        %broadcast_in_dim3A_2603 = vector.broadcast %broadcast_in_dim3A_2602 : i32 to vector<16xi32>
        %broadcast_in_dim3A_2604 = arith.constant 24 : i32
        %broadcast_in_dim3A_2605 = vector.broadcast %broadcast_in_dim3A_2604 : i32 to vector<16xi32>
        %select_n3A_2606 = arith.select %lt3A_2601, %broadcast_in_dim3A_2603, %broadcast_in_dim3A_2605 : vector<16xi1>, vector<16xi32>
        %gt3A_2607 = arith.cmpf ogt, %abs3A_2598, %select_n3A_2591 : vector<16xf32>
        %eq3A_2608 = arith.cmpf oeq, %abs3A_2598, %select_n3A_2591 : vector<16xf32>
        %lt3A_2609 = arith.cmpi slt, %select_n3A_2606, %select_n3A_2592 : vector<16xi32>
        %and3A_2610 = arith.andi %eq3A_2608, %lt3A_2609 : vector<16xi1>
        %or3A_2611 = arith.ori %gt3A_2607, %and3A_2610 : vector<16xi1>
        %select_n3A_2612 = arith.select %gt3A_2607, %abs3A_2598, %select_n3A_2591 : vector<16xi1>, vector<16xf32>
        %select_n3A_2613 = arith.select %or3A_2611, %select_n3A_2606, %select_n3A_2592 : vector<16xi1>, vector<16xi32>
        %get3A_2614 = arith.constant 121 : i32
        %get3A_2615 = arith.index_cast %get3A_2614 : i32 to index
        %get3A_2616 = arith.index_cast %mul3A_59 : i32 to index
        %get3A_2617 = tpu.vector_load %arg4[%get3A_2615, %get3A_2616] {strides = array<i32>} : memref<128x512xf32, #tpu.memory_space<vmem>>, vector<1x16xf32>,
        %get3A_2618 = vector.shape_cast %get3A_2617 : vector<1x16xf32> to vector<16xf32>
        %abs3A_2619 = math.absf %get3A_2618 : vector<16xf32>
        %lt3A_2620 = arith.constant 0.000000e+00 : f32
        %lt3A_2621 = vector.broadcast %lt3A_2620 : f32 to vector<16xf32>
        %lt3A_2622 = arith.cmpf olt, %get3A_2618, %lt3A_2621 : vector<16xf32>
        %broadcast_in_dim3A_2623 = arith.constant 57 : i32
        %broadcast_in_dim3A_2624 = vector.broadcast %broadcast_in_dim3A_2623 : i32 to vector<16xi32>
        %broadcast_in_dim3A_2625 = arith.constant 25 : i32
        %broadcast_in_dim3A_2626 = vector.broadcast %broadcast_in_dim3A_2625 : i32 to vector<16xi32>
        %select_n3A_2627 = arith.select %lt3A_2622, %broadcast_in_dim3A_2624, %broadcast_in_dim3A_2626 : vector<16xi1>, vector<16xi32>
        %gt3A_2628 = arith.cmpf ogt, %abs3A_2619, %select_n3A_2612 : vector<16xf32>
        %eq3A_2629 = arith.cmpf oeq, %abs3A_2619, %select_n3A_2612 : vector<16xf32>
        %lt3A_2630 = arith.cmpi slt, %select_n3A_2627, %select_n3A_2613 : vector<16xi32>
        %and3A_2631 = arith.andi %eq3A_2629, %lt3A_2630 : vector<16xi1>
        %or3A_2632 = arith.ori %gt3A_2628, %and3A_2631 : vector<16xi1>
        %select_n3A_2633 = arith.select %gt3A_2628, %abs3A_2619, %select_n3A_2612 : vector<16xi1>, vector<16xf32>
        %select_n3A_2634 = arith.select %or3A_2632, %select_n3A_2627, %select_n3A_2613 : vector<16xi1>, vector<16xi32>
        %get3A_2635 = arith.constant 122 : i32
        %get3A_2636 = arith.index_cast %get3A_2635 : i32 to index
        %get3A_2637 = arith.index_cast %mul3A_59 : i32 to index
        %get3A_2638 = tpu.vector_load %arg4[%get3A_2636, %get3A_2637] {strides = array<i32>} : memref<128x512xf32, #tpu.memory_space<vmem>>, vector<1x16xf32>,
        %get3A_2639 = vector.shape_cast %get3A_2638 : vector<1x16xf32> to vector<16xf32>
        %abs3A_2640 = math.absf %get3A_2639 : vector<16xf32>
        %lt3A_2641 = arith.constant 0.000000e+00 : f32
        %lt3A_2642 = vector.broadcast %lt3A_2641 : f32 to vector<16xf32>
        %lt3A_2643 = arith.cmpf olt, %get3A_2639, %lt3A_2642 : vector<16xf32>
        %broadcast_in_dim3A_2644 = arith.constant 58 : i32
        %broadcast_in_dim3A_2645 = vector.broadcast %broadcast_in_dim3A_2644 : i32 to vector<16xi32>
        %broadcast_in_dim3A_2646 = arith.constant 26 : i32
        %broadcast_in_dim3A_2647 = vector.broadcast %broadcast_in_dim3A_2646 : i32 to vector<16xi32>
        %select_n3A_2648 = arith.select %lt3A_2643, %broadcast_in_dim3A_2645, %broadcast_in_dim3A_2647 : vector<16xi1>, vector<16xi32>
        %gt3A_2649 = arith.cmpf ogt, %abs3A_2640, %select_n3A_2633 : vector<16xf32>
        %eq3A_2650 = arith.cmpf oeq, %abs3A_2640, %select_n3A_2633 : vector<16xf32>
        %lt3A_2651 = arith.cmpi slt, %select_n3A_2648, %select_n3A_2634 : vector<16xi32>
        %and3A_2652 = arith.andi %eq3A_2650, %lt3A_2651 : vector<16xi1>
        %or3A_2653 = arith.ori %gt3A_2649, %and3A_2652 : vector<16xi1>
        %select_n3A_2654 = arith.select %gt3A_2649, %abs3A_2640, %select_n3A_2633 : vector<16xi1>, vector<16xf32>
        %select_n3A_2655 = arith.select %or3A_2653, %select_n3A_2648, %select_n3A_2634 : vector<16xi1>, vector<16xi32>
        %get3A_2656 = arith.constant 123 : i32
        %get3A_2657 = arith.index_cast %get3A_2656 : i32 to index
        %get3A_2658 = arith.index_cast %mul3A_59 : i32 to index
        %get3A_2659 = tpu.vector_load %arg4[%get3A_2657, %get3A_2658] {strides = array<i32>} : memref<128x512xf32, #tpu.memory_space<vmem>>, vector<1x16xf32>,
        %get3A_2660 = vector.shape_cast %get3A_2659 : vector<1x16xf32> to vector<16xf32>
        %abs3A_2661 = math.absf %get3A_2660 : vector<16xf32>
        %lt3A_2662 = arith.constant 0.000000e+00 : f32
        %lt3A_2663 = vector.broadcast %lt3A_2662 : f32 to vector<16xf32>
        %lt3A_2664 = arith.cmpf olt, %get3A_2660, %lt3A_2663 : vector<16xf32>
        %broadcast_in_dim3A_2665 = arith.constant 59 : i32
        %broadcast_in_dim3A_2666 = vector.broadcast %broadcast_in_dim3A_2665 : i32 to vector<16xi32>
        %broadcast_in_dim3A_2667 = arith.constant 27 : i32
        %broadcast_in_dim3A_2668 = vector.broadcast %broadcast_in_dim3A_2667 : i32 to vector<16xi32>
        %select_n3A_2669 = arith.select %lt3A_2664, %broadcast_in_dim3A_2666, %broadcast_in_dim3A_2668 : vector<16xi1>, vector<16xi32>
        %gt3A_2670 = arith.cmpf ogt, %abs3A_2661, %select_n3A_2654 : vector<16xf32>
        %eq3A_2671 = arith.cmpf oeq, %abs3A_2661, %select_n3A_2654 : vector<16xf32>
        %lt3A_2672 = arith.cmpi slt, %select_n3A_2669, %select_n3A_2655 : vector<16xi32>
        %and3A_2673 = arith.andi %eq3A_2671, %lt3A_2672 : vector<16xi1>
        %or3A_2674 = arith.ori %gt3A_2670, %and3A_2673 : vector<16xi1>
        %select_n3A_2675 = arith.select %gt3A_2670, %abs3A_2661, %select_n3A_2654 : vector<16xi1>, vector<16xf32>
        %select_n3A_2676 = arith.select %or3A_2674, %select_n3A_2669, %select_n3A_2655 : vector<16xi1>, vector<16xi32>
        %get3A_2677 = arith.constant 124 : i32
        %get3A_2678 = arith.index_cast %get3A_2677 : i32 to index
        %get3A_2679 = arith.index_cast %mul3A_59 : i32 to index
        %get3A_2680 = tpu.vector_load %arg4[%get3A_2678, %get3A_2679] {strides = array<i32>} : memref<128x512xf32, #tpu.memory_space<vmem>>, vector<1x16xf32>,
        %get3A_2681 = vector.shape_cast %get3A_2680 : vector<1x16xf32> to vector<16xf32>
        %abs3A_2682 = math.absf %get3A_2681 : vector<16xf32>
        %lt3A_2683 = arith.constant 0.000000e+00 : f32
        %lt3A_2684 = vector.broadcast %lt3A_2683 : f32 to vector<16xf32>
        %lt3A_2685 = arith.cmpf olt, %get3A_2681, %lt3A_2684 : vector<16xf32>
        %broadcast_in_dim3A_2686 = arith.constant 60 : i32
        %broadcast_in_dim3A_2687 = vector.broadcast %broadcast_in_dim3A_2686 : i32 to vector<16xi32>
        %broadcast_in_dim3A_2688 = arith.constant 28 : i32
        %broadcast_in_dim3A_2689 = vector.broadcast %broadcast_in_dim3A_2688 : i32 to vector<16xi32>
        %select_n3A_2690 = arith.select %lt3A_2685, %broadcast_in_dim3A_2687, %broadcast_in_dim3A_2689 : vector<16xi1>, vector<16xi32>
        %gt3A_2691 = arith.cmpf ogt, %abs3A_2682, %select_n3A_2675 : vector<16xf32>
        %eq3A_2692 = arith.cmpf oeq, %abs3A_2682, %select_n3A_2675 : vector<16xf32>
        %lt3A_2693 = arith.cmpi slt, %select_n3A_2690, %select_n3A_2676 : vector<16xi32>
        %and3A_2694 = arith.andi %eq3A_2692, %lt3A_2693 : vector<16xi1>
        %or3A_2695 = arith.ori %gt3A_2691, %and3A_2694 : vector<16xi1>
        %select_n3A_2696 = arith.select %gt3A_2691, %abs3A_2682, %select_n3A_2675 : vector<16xi1>, vector<16xf32>
        %select_n3A_2697 = arith.select %or3A_2695, %select_n3A_2690, %select_n3A_2676 : vector<16xi1>, vector<16xi32>
        %get3A_2698 = arith.constant 125 : i32
        %get3A_2699 = arith.index_cast %get3A_2698 : i32 to index
        %get3A_2700 = arith.index_cast %mul3A_59 : i32 to index
        %get3A_2701 = tpu.vector_load %arg4[%get3A_2699, %get3A_2700] {strides = array<i32>} : memref<128x512xf32, #tpu.memory_space<vmem>>, vector<1x16xf32>,
        %get3A_2702 = vector.shape_cast %get3A_2701 : vector<1x16xf32> to vector<16xf32>
        %abs3A_2703 = math.absf %get3A_2702 : vector<16xf32>
        %lt3A_2704 = arith.constant 0.000000e+00 : f32
        %lt3A_2705 = vector.broadcast %lt3A_2704 : f32 to vector<16xf32>
        %lt3A_2706 = arith.cmpf olt, %get3A_2702, %lt3A_2705 : vector<16xf32>
        %broadcast_in_dim3A_2707 = arith.constant 61 : i32
        %broadcast_in_dim3A_2708 = vector.broadcast %broadcast_in_dim3A_2707 : i32 to vector<16xi32>
        %broadcast_in_dim3A_2709 = arith.constant 29 : i32
        %broadcast_in_dim3A_2710 = vector.broadcast %broadcast_in_dim3A_2709 : i32 to vector<16xi32>
        %select_n3A_2711 = arith.select %lt3A_2706, %broadcast_in_dim3A_2708, %broadcast_in_dim3A_2710 : vector<16xi1>, vector<16xi32>
        %gt3A_2712 = arith.cmpf ogt, %abs3A_2703, %select_n3A_2696 : vector<16xf32>
        %eq3A_2713 = arith.cmpf oeq, %abs3A_2703, %select_n3A_2696 : vector<16xf32>
        %lt3A_2714 = arith.cmpi slt, %select_n3A_2711, %select_n3A_2697 : vector<16xi32>
        %and3A_2715 = arith.andi %eq3A_2713, %lt3A_2714 : vector<16xi1>
        %or3A_2716 = arith.ori %gt3A_2712, %and3A_2715 : vector<16xi1>
        %select_n3A_2717 = arith.select %gt3A_2712, %abs3A_2703, %select_n3A_2696 : vector<16xi1>, vector<16xf32>
        %select_n3A_2718 = arith.select %or3A_2716, %select_n3A_2711, %select_n3A_2697 : vector<16xi1>, vector<16xi32>
        %get3A_2719 = arith.constant 126 : i32
        %get3A_2720 = arith.index_cast %get3A_2719 : i32 to index
        %get3A_2721 = arith.index_cast %mul3A_59 : i32 to index
        %get3A_2722 = tpu.vector_load %arg4[%get3A_2720, %get3A_2721] {strides = array<i32>} : memref<128x512xf32, #tpu.memory_space<vmem>>, vector<1x16xf32>,
        %get3A_2723 = vector.shape_cast %get3A_2722 : vector<1x16xf32> to vector<16xf32>
        %abs3A_2724 = math.absf %get3A_2723 : vector<16xf32>
        %lt3A_2725 = arith.constant 0.000000e+00 : f32
        %lt3A_2726 = vector.broadcast %lt3A_2725 : f32 to vector<16xf32>
        %lt3A_2727 = arith.cmpf olt, %get3A_2723, %lt3A_2726 : vector<16xf32>
        %broadcast_in_dim3A_2728 = arith.constant 62 : i32
        %broadcast_in_dim3A_2729 = vector.broadcast %broadcast_in_dim3A_2728 : i32 to vector<16xi32>
        %broadcast_in_dim3A_2730 = arith.constant 30 : i32
        %broadcast_in_dim3A_2731 = vector.broadcast %broadcast_in_dim3A_2730 : i32 to vector<16xi32>
        %select_n3A_2732 = arith.select %lt3A_2727, %broadcast_in_dim3A_2729, %broadcast_in_dim3A_2731 : vector<16xi1>, vector<16xi32>
        %gt3A_2733 = arith.cmpf ogt, %abs3A_2724, %select_n3A_2717 : vector<16xf32>
        %eq3A_2734 = arith.cmpf oeq, %abs3A_2724, %select_n3A_2717 : vector<16xf32>
        %lt3A_2735 = arith.cmpi slt, %select_n3A_2732, %select_n3A_2718 : vector<16xi32>
        %and3A_2736 = arith.andi %eq3A_2734, %lt3A_2735 : vector<16xi1>
        %or3A_2737 = arith.ori %gt3A_2733, %and3A_2736 : vector<16xi1>
        %select_n3A_2738 = arith.select %gt3A_2733, %abs3A_2724, %select_n3A_2717 : vector<16xi1>, vector<16xf32>
        %select_n3A_2739 = arith.select %or3A_2737, %select_n3A_2732, %select_n3A_2718 : vector<16xi1>, vector<16xi32>
        %get3A_2740 = arith.constant 127 : i32
        %get3A_2741 = arith.index_cast %get3A_2740 : i32 to index
        %get3A_2742 = arith.index_cast %mul3A_59 : i32 to index
        %get3A_2743 = tpu.vector_load %arg4[%get3A_2741, %get3A_2742] {strides = array<i32>} : memref<128x512xf32, #tpu.memory_space<vmem>>, vector<1x16xf32>,
        %get3A_2744 = vector.shape_cast %get3A_2743 : vector<1x16xf32> to vector<16xf32>
        %abs3A_2745 = math.absf %get3A_2744 : vector<16xf32>
        %lt3A_2746 = arith.constant 0.000000e+00 : f32
        %lt3A_2747 = vector.broadcast %lt3A_2746 : f32 to vector<16xf32>
        %lt3A_2748 = arith.cmpf olt, %get3A_2744, %lt3A_2747 : vector<16xf32>
        %broadcast_in_dim3A_2749 = arith.constant 63 : i32
        %broadcast_in_dim3A_2750 = vector.broadcast %broadcast_in_dim3A_2749 : i32 to vector<16xi32>
        %broadcast_in_dim3A_2751 = arith.constant 31 : i32
        %broadcast_in_dim3A_2752 = vector.broadcast %broadcast_in_dim3A_2751 : i32 to vector<16xi32>
        %select_n3A_2753 = arith.select %lt3A_2748, %broadcast_in_dim3A_2750, %broadcast_in_dim3A_2752 : vector<16xi1>, vector<16xi32>
        %gt3A_2754 = arith.cmpf ogt, %abs3A_2745, %select_n3A_2738 : vector<16xf32>
        %eq3A_2755 = arith.cmpf oeq, %abs3A_2745, %select_n3A_2738 : vector<16xf32>
        %lt3A_2756 = arith.cmpi slt, %select_n3A_2753, %select_n3A_2739 : vector<16xi32>
        %and3A_2757 = arith.andi %eq3A_2755, %lt3A_2756 : vector<16xi1>
        %or3A_2758 = arith.ori %gt3A_2754, %and3A_2757 : vector<16xi1>
        %select_n3A_2759 = arith.select %gt3A_2754, %abs3A_2745, %select_n3A_2738 : vector<16xi1>, vector<16xf32>
        %select_n3A_2760 = arith.select %or3A_2758, %select_n3A_2753, %select_n3A_2739 : vector<16xi1>, vector<16xi32>
        %iota3A_2761 = tpu.iota {dimensions = array<i32: 0>} : vector<16xi32>
        %mul3A_2762 = arith.constant 16 : i32
        %mul3A_2763 = arith.muli %scan3A_56, %mul3A_2762 : i32
        %add3A_2764 = arith.addi %mul3A_45, %mul3A_2763 : i32
        %add3A_2765 = vector.broadcast %add3A_2764 : i32 to vector<16xi32>
        %add3A_2766 = arith.addi %iota3A_2761, %add3A_2765 : vector<16xi32>
        %mul3A_2767 = arith.constant 4096 : i32
        %mul3A_2768 = vector.broadcast %mul3A_2767 : i32 to vector<16xi32>
        %mul3A_2769 = arith.muli %select_n3A_2760, %mul3A_2768 : vector<16xi32>
        %add3A_2770 = arith.addi %mul3A_2769, %add3A_2766 : vector<16xi32>
        %swap3A_2771 = arith.constant 3 : i32
        %swap3A_2772 = arith.index_cast %swap3A_2771 : i32 to index
        %swap3A_2773 = arith.index_cast %mul3A_59 : i32 to index
        %swap3A_2774 = tpu.vector_load %arg5[%swap3A_2772, %swap3A_2773] {strides = array<i32>} : memref<4x512xi32, #tpu.memory_space<vmem>>, vector<1x16xi32>,
        %swap3A_2775 = vector.shape_cast %swap3A_2774 : vector<1x16xi32> to vector<16xi32>
        %swap3A_2776 = vector.shape_cast %add3A_2770 : vector<16xi32> to vector<1x16xi32>
        tpu.vector_store %arg5[%swap3A_2772, %swap3A_2773], %swap3A_2776 {strides = array<i32>} : memref<4x512xi32, #tpu.memory_space<vmem>>, vector<1x16xi32>,
        %scan3A_2777 = arith.constant 0 : i32
        scf.yield %scan3A_2777 : i32
      }
      %scan3A_52 = arith.constant 32 : i32
      %mul3A_53 = arith.constant 512 : i32
      %mul3A_54 = arith.muli %select_n3A_41, %mul3A_53 : i32
      "tpu.region"() ({
        %run_scoped3A = tpu.sem_alloc : memref<!tpu.dma_semaphore, #tpu.memory_space<semaphore_mem>>
        %dma_start3A = arith.constant 0 : i32
        %dma_start3A_56 = tpu.memref_slice %arg3[%add3A_27, %dma_start3A, %mul3A_54] : memref<64x4x4096xi32, #tpu.memory_space<hbm>> -> memref<1x4x512xi32, #tpu.memory_space<hbm>>
        %dma_start3A_57 = tpu.memref_squeeze %dma_start3A_56 : memref<1x4x512xi32, #tpu.memory_space<hbm>> -> memref<4x512xi32, #tpu.memory_space<hbm>>
        %dma_start3A_58 = arith.constant 0 : i32
        %dma_start3A_59 = tpu.memref_slice %arg3[%add3A_27, %dma_start3A_58, %mul3A_54] : memref<64x4x4096xi32, #tpu.memory_space<hbm>> -> memref<1x4x512xi32, #tpu.memory_space<hbm>>
        %dma_start3A_60 = tpu.memref_squeeze %dma_start3A_59 : memref<1x4x512xi32, #tpu.memory_space<hbm>> -> memref<4x512xi32, #tpu.memory_space<hbm>>
        tpu.enqueue_dma source(%arg5 : memref<4x512xi32, #tpu.memory_space<vmem>>) target(%dma_start3A_60 : memref<4x512xi32, #tpu.memory_space<hbm>>) target_semaphore(%run_scoped3A : memref<!tpu.dma_semaphore, #tpu.memory_space<semaphore_mem>>)
        %dma_wait3A = arith.constant 0 : i32
        %dma_wait3A_61 = tpu.memref_slice %arg3[%add3A_27, %dma_wait3A, %mul3A_54] : memref<64x4x4096xi32, #tpu.memory_space<hbm>> -> memref<1x4x512xi32, #tpu.memory_space<hbm>>
        %dma_wait3A_62 = tpu.memref_squeeze %dma_wait3A_61 : memref<1x4x512xi32, #tpu.memory_space<hbm>> -> memref<4x512xi32, #tpu.memory_space<hbm>>
        %dma_wait3A_63 = arith.constant 0 : i32
        %dma_wait3A_64 = tpu.memref_slice %arg3[%add3A_27, %dma_wait3A_63, %mul3A_54] : memref<64x4x4096xi32, #tpu.memory_space<hbm>> -> memref<1x4x512xi32, #tpu.memory_space<hbm>>
        %dma_wait3A_65 = tpu.memref_squeeze %dma_wait3A_64 : memref<1x4x512xi32, #tpu.memory_space<hbm>> -> memref<4x512xi32, #tpu.memory_space<hbm>>
        tpu.wait_dma2 semaphore(%run_scoped3A : memref<!tpu.dma_semaphore, #tpu.memory_space<semaphore_mem>>) src(%arg5 : memref<4x512xi32, #tpu.memory_space<vmem>>) dst(%dma_wait3A_65 : memref<4x512xi32, #tpu.memory_space<hbm>>)
        tpu.yield
      }) : () -> ()
      %scan3A_55 = arith.constant 0 : i32
      scf.yield %scan3A_55 : i32
    }
    %scan3A_6 = arith.constant 16 : i32
    return
  }
}

module attributes {stable_mosaic.version = 14 : i64} {
  func.func @_tc_body(%arg0: i32, %arg1: memref<1x4096x64xf32, #tpu.memory_space<vmem>>, %arg2: memref<1x128x64xf32, #tpu.memory_space<vmem>>, %arg3: memref<1x128x4096xf32, #tpu.memory_space<vmem>>) attributes {dimension_semantics = [#tpu.dimension_semantics<arbitrary>], iteration_bounds = array<i64: 64>, scalar_prefetch = 0 : i64, scratch_operands = 0 : i64, tpu.core_type = #tpu.core_type<tc>, window_params = [{transform_indices = @transform_0, window_bounds = array<i64: 1, 4096, 64>}, {transform_indices = @transform_1, window_bounds = array<i64: 1, 128, 64>}, {transform_indices = @transform_2, window_bounds = array<i64: 1, 128, 4096>}]} {
    %get3A = arith.constant 0 : index
    %get3A_0 = arith.constant 0 : index
    %get3A_1 = arith.constant 0 : index
    %get3A_2 = vector.load %arg2[%get3A, %get3A_0, %get3A_1] : memref<1x128x64xf32, #tpu.memory_space<vmem>>, vector<1x128x64xf32>
    %get3A_3 = vector.shape_cast %get3A_2 : vector<1x128x64xf32> to vector<128x64xf32>
    %mul3A = arith.mulf %get3A_3, %get3A_3 : vector<128x64xf32>
    %reduce_sum3A = arith.constant dense<0.000000e+00> : vector<128xf32>
    %reduce_sum3A_4 = vector.multi_reduction <add>, %mul3A, %reduce_sum3A [1] : vector<128x64xf32> to vector<128xf32>
    %broadcast_in_dim3A = vector.shape_cast %reduce_sum3A_4 : vector<128xf32> to vector<128x1xf32>
    %sqrt3A = math.sqrt %broadcast_in_dim3A : vector<128x1xf32>
    %div3A = vector.broadcast %sqrt3A : vector<128x1xf32> to vector<128x64xf32>
    %div3A_5 = arith.divf %get3A_3, %div3A : vector<128x64xf32>
    %get3A_6 = arith.constant 0 : index
    %get3A_7 = arith.constant 0 : index
    %get3A_8 = arith.constant 0 : index
    %get3A_9 = vector.load %arg1[%get3A_6, %get3A_7, %get3A_8] : memref<1x4096x64xf32, #tpu.memory_space<vmem>>, vector<1x4096x64xf32>
    %get3A_10 = vector.shape_cast %get3A_9 : vector<1x4096x64xf32> to vector<4096x64xf32>
    %mul3A_11 = arith.mulf %get3A_10, %get3A_10 : vector<4096x64xf32>
    %reduce_sum3A_12 = arith.constant dense<0.000000e+00> : vector<4096xf32>
    %reduce_sum3A_13 = vector.multi_reduction <add>, %mul3A_11, %reduce_sum3A_12 [1] : vector<4096x64xf32> to vector<4096xf32>
    %sqrt3A_14 = math.sqrt %reduce_sum3A_13 : vector<4096xf32>
    %max3A = arith.constant 9.99999996E-13 : f32
    %max3A_15 = vector.broadcast %max3A : f32 to vector<4096xf32>
    %max3A_16 = arith.maximumf %sqrt3A_14, %max3A_15 : vector<4096xf32>
    %broadcast_in_dim3A_17 = vector.shape_cast %max3A_16 : vector<4096xf32> to vector<4096x1xf32>
    %div3A_18 = vector.broadcast %broadcast_in_dim3A_17 : vector<4096x1xf32> to vector<4096x64xf32>
    %div3A_19 = arith.divf %get3A_10, %div3A_18 : vector<4096x64xf32>
    %convert_element_type3A = arith.truncf %div3A_5 : vector<128x64xf32> to vector<128x64xbf16>
    %convert_element_type3A_20 = arith.truncf %div3A_19 : vector<4096x64xf32> to vector<4096x64xbf16>
    %dot_general3A = arith.constant dense<0.000000e+00> : vector<128x4096xf32>
    %dot_general3A_21 = tpu.matmul %convert_element_type3A, %convert_element_type3A_20, %dot_general3A {dimension_numbers = #tpu.dot_dimension_numbers<[1], [1], [0], [0], [0, 0, 1, 0], [], []>, transpose_lhs_hint = false} : vector<128x64xbf16>, vector<4096x64xbf16>, vector<128x4096xf32> -> vector<128x4096xf32>
    %swap3A = arith.constant 0 : index
    %swap3A_22 = arith.constant 0 : index
    %swap3A_23 = arith.constant 0 : index
    %swap3A_24 = vector.load %arg3[%swap3A, %swap3A_22, %swap3A_23] : memref<1x128x4096xf32, #tpu.memory_space<vmem>>, vector<1x128x4096xf32>
    %swap3A_25 = vector.shape_cast %swap3A_24 : vector<1x128x4096xf32> to vector<128x4096xf32>
    %swap3A_26 = vector.shape_cast %dot_general3A_21 : vector<128x4096xf32> to vector<1x128x4096xf32>
    tpu.vector_store %arg3[%swap3A, %swap3A_22, %swap3A_23], %swap3A_26 {strides = array<i32>} : memref<1x128x4096xf32, #tpu.memory_space<vmem>>, vector<1x128x4096xf32>,
    return
  }
  func.func @transform_0(%arg0: i32) -> (i32, i32, i32) {
    %c0_i32 = arith.constant 0 : i32
    %c0_i32_0 = arith.constant 0 : i32
    %c0_i32_1 = arith.constant 0 : i32
    return %arg0, %c0_i32, %c0_i32_0 : i32, i32, i32
  }
  func.func @transform_1(%arg0: i32) -> (i32, i32, i32) {
    %c0_i32 = arith.constant 0 : i32
    %c0_i32_0 = arith.constant 0 : i32
    %c0_i32_1 = arith.constant 0 : i32
    return %arg0, %c0_i32, %c0_i32_0 : i32, i32, i32
  }
  func.func @transform_2(%arg0: i32) -> (i32, i32, i32) {
    %c0_i32 = arith.constant 0 : i32
    %c0_i32_0 = arith.constant 0 : i32
    %c0_i32_1 = arith.constant 0 : i32
    return %arg0, %c0_i32, %c0_i32_0 : i32, i32, i32
  }
}

</mosaic_0001>

<sc_bundles>
// kernel: kernel.4.cloned.1.call-start
scs
__scs_entry_jumppad:
0x0: {  	(pc) =	sbr.rel $0x88, $3  }
0x1: {  	(tag) =	ssettag $0x0;
	lr =	simm.s32 $0x1  }
0x2: {  	[smem:$0x3F9F] =	sst lr;
	_ =	strace $0xD0000000  }
0x3: {  	_ = 	snop  }
0x4: {  	_ = 	snop  }
0x5: {  	_ = 	snop  }
0x6: {  	_ = 	snop  }
0x7: {  	_ = 	snop  }
__scs_overlays_trampoline_lowered:
0x8: {  	[smem:$0x3FAE] =	sst s0  }
0x9: {  	[smem:$0x3FAF] =	sst s1  }
0xa: {  	[smem:$0x3FB0] =	sst s2  }
0xb: {  	[smem:$0x3FB1] =	sst s3  }
0xc: {  	[smem:$0x3FB2] =	sst s4  }
0xd: {  	[smem:$0x3FB3] =	sst s5  }
0xe: {  	[smem:$0x3FB4] =	sst s6  }
0xf: {  	[smem:$0x3FB5] =	sst s7  }
0x10: {  	[smem:$0x3FB6] =	sst s8  }
0x11: {  	[smem:$0x3FB7] =	sst s9;
	s0 =	simm.s32 @!p0 $0x0  }
0x12: {  	s1 =	sld [smem:$0x3F9D];
	s0 =	simm.s32 @p0 $0x1  }
0x13: {  	[smem:$0x3FB8] =	sst s0;
	s0 =	simm.s32 @!p1 $0x0  }
0x14: {  	s2 =	sld [smem:$0x3F9C];
	s0 =	simm.s32 @p1 $0x1  }
0x15: {  	[smem:$0x3FB9] =	sst s0;
	s0 =	simm.s32 @!p2 $0x0  }
0x16: {  	s3 =	sld [smem:$0x3FDB];
	s0 =	simm.s32 @p2 $0x1  }
0x17: {  	s4 =	simm.s32 $0x1BF5;
	[smem:$0x3FBB] =	sst s0  }
0x18: {  	s0 =	sld [smem:$0x3F9E];
	_ =	swait.ge [sflag:s4], $0x0  }
0x19: {  	s7 =	sld [smem:$0x3F9F]  }
0x1a: {  	s8 =	sadd.s32 $0xFFFFE003, lr  }
0x1b: {  	s9 =	sadd.s32 $0xFFFFFEF7, lr;
	s5 =	simm.s32 $0xFFFFFFFF;
	p2 =	slt.u32 s8, $0xFFFFF086  }
0x1c: {  	p1 =	slt.u32 s9, $0xF7A;
	s5 =	simm.s32 @!p2 $0x0  }
0x1d: {  	s5 =	simm.s32 @p1 $0x1;
	p0 =	seq.s32 s7, s2  }
0x1e: {  	s7 =	smul.u32 @!p0 $0xF7A, s2;
	p2 =	seq.s32 @!p0 s5, $0x0  }
0x1f: {  	s9 =	smul.u32 $0xF7A, s1;
	s8 =	simm.s32 @!p0 $0x1BF5;
	p2 =	por !p2, p0  }
0x20: {  	[sflag:s8] =	ssyncset.s32 @!p0 $0xFFFFF086;
	s6 =	sadd.s32 @!p0 s3, s7;
	s7 =	simm.s32 @!p0 $0x108  }
0x21: {  	s3 =	sadd.s32 s3, s9;
	s6 =	sadd.s32 @!p0 $0x88, s6;
	s7 =	simm.s32 @p2 $0x1082  }
0x22: {  	[simem:s7], [sflag:s8] =	dma.local @!p0 [hbm:s6], $0xF7A  }
0x23: {  	s9 =	sor.u32 $0xD0000000, s2;
	s6 =	simm.s32 $0x108;
	_ =	swait.ge @!p0 [sflag:s8], $0x0  }
0x24: {  	s3 =	sadd.s32 $0x88, s3;
	s6 =	simm.s32 @!p1 $0x1082;
	[sflag:s4] =	ssyncset.s32 $0xFFFFF086  }
0x25: {  	[simem:s6], [sflag:s4] =	dma.local [hbm:s3], $0xF7A  }
0x26: {  	[smem:$0x3F9F] =	sst s1;
	(tag) =	ssettag s2;
	_ =	strace s9  }
0x27: {  	s1 =	sld [smem:$0x3FAF]  }
0x28: {  	s2 =	sld [smem:$0x3FB0]  }
0x29: {  	s4 =	sld [smem:$0x3FB2]  }
0x2a: {  	p0 =	seq.s32 s5, $0x0;
	s5 =	sld [smem:$0x3FB3]  }
0x2b: {  	s6 =	sld [smem:$0x3FB4]  }
0x2c: {  	s7 =	sld [smem:$0x3FB5]  }
0x2d: {  	s3 =	simm.s32 $0x108;
	s8 =	sld [smem:$0x3FB6]  }
0x2e: {  	s3 =	simm.s32 @!p0 $0x1082;
	s9 =	sld [smem:$0x3FB7]  }
0x2f: {  	lr =	sadd.s32 s0, s3;
	s0 =	sld [smem:$0x3FAE]  }
0x30: {  	s3 =	sld [smem:$0x3FB1]  }
0x31: {  	[smem:$0x3FBA] =	sst s10  }
0x32: {  	s10 =	sld [smem:$0x3FB8];
	_ =	sdelay $0x3  }
0x33: {  	p0 =	seq.s32 s10, $0x1;
	s10 =	sld [smem:$0x3FBA];
	_ =	sdelay $0x3  }
0x34: {  	[smem:$0x3FBA] =	sst s10  }
0x35: {  	s10 =	sld [smem:$0x3FB9];
	_ =	sdelay $0x3  }
0x36: {  	p1 =	seq.s32 s10, $0x1;
	s10 =	sld [smem:$0x3FBA];
	_ =	sdelay $0x3  }
0x37: {  	[smem:$0x3FBA] =	sst s10  }
0x38: {  	s10 =	sld [smem:$0x3FBB]  }
0x39: {  	_ = 	snop;
	(pc) =	sbr.ind lr, $3  }
0x3a: {  	_ = 	snop  }
0x3b: {  	_ = 	snop  }
0x3c: {  	p2 =	seq.s32 s10, $0x1;
	s10 =	sld [smem:$0x3FBA]  }
0x3d: {  	_ =	shalt  }
0x3e: {  	_ =	shalt  }
0x3f: {  	_ =	shalt  }
0x40: {  	_ =	shalt  }
0x41: {  	_ =	shalt  }
0x42: {  	_ =	shalt  }
0x43: {  	_ =	shalt  }
0x44: {  	_ =	shalt  }
0x45: {  	_ =	shalt  }
0x46: {  	_ =	shalt  }
0x47: {  	_ =	shalt  }
0x48: {  	_ =	shalt  }
0x49: {  	_ =	shalt  }
0x4a: {  	_ =	shalt  }
0x4b: {  	_ =	shalt  }
0x4c: {  	_ =	shalt  }
0x4d: {  	_ =	shalt  }
0x4e: {  	_ =	shalt  }
0x4f: {  	_ =	shalt  }
0x50: {  	_ =	shalt  }
0x51: {  	_ =	shalt  }
0x52: {  	_ =	shalt  }
0x53: {  	_ =	shalt  }
0x54: {  	_ =	shalt  }
0x55: {  	_ =	shalt  }
0x56: {  	_ =	shalt  }
0x57: {  	_ =	shalt  }
0x58: {  	_ =	shalt  }
0x59: {  	_ =	shalt  }
0x5a: {  	_ =	shalt  }
0x5b: {  	_ =	shalt  }
0x5c: {  	_ =	shalt  }
0x5d: {  	_ =	shalt  }
0x5e: {  	_ =	shalt  }
0x5f: {  	_ =	shalt  }
0x60: {  	_ =	shalt  }
0x61: {  	_ =	shalt  }
0x62: {  	_ =	shalt  }
0x63: {  	_ =	shalt  }
0x64: {  	_ =	shalt  }
0x65: {  	_ =	shalt  }
0x66: {  	_ =	shalt  }
0x67: {  	_ =	shalt  }
0x68: {  	_ =	shalt  }
0x69: {  	_ =	shalt  }
0x6a: {  	_ =	shalt  }
0x6b: {  	_ =	shalt  }
0x6c: {  	_ =	shalt  }
0x6d: {  	_ =	shalt  }
0x6e: {  	_ =	shalt  }
0x6f: {  	_ =	shalt  }
0x70: {  	_ =	shalt  }
0x71: {  	_ =	shalt  }
0x72: {  	_ =	shalt  }
0x73: {  	_ =	shalt  }
0x74: {  	_ =	shalt  }
0x75: {  	_ =	shalt  }
0x76: {  	_ =	shalt  }
0x77: {  	_ =	shalt  }
0x78: {  	_ =	shalt  }
0x79: {  	_ =	shalt  }
0x7a: {  	_ =	shalt  }
0x7b: {  	_ =	shalt  }
0x7c: {  	_ =	shalt  }
0x7d: {  	_ =	shalt  }
0x7e: {  	_ =	shalt  }
0x7f: {  	_ =	shalt  }
0x80: {  	_ =	shalt  }
0x81: {  	_ =	shalt  }
0x82: {  	_ =	shalt  }
0x83: {  	_ =	shalt  }
0x84: {  	_ =	shalt  }
0x85: {  	_ =	shalt  }
0x86: {  	_ =	shalt  }
0x87: {  	_ =	shalt  }
.Lfunc_end0:
.L_simem_size_0:
called_computation_lowered:
.L_overlay_start_0:
0x88: {  	s2 =	sld [smem:$0x3FD9]  }
0x89: {  	s3 =	sld [smem:$0x3FFE];
	_ =	sdelay $0x1  }
0x8a: {  	s1 =	srdreg.scid  }
0x8b: {  	s0 =	sand.u32 $0x1, s1  }
0x8c: {  	s17 =	sshll.u32 s0, $0xA;
	s2 =	sadd.s32 s3, s2  }
0x8d: {  	s2 =	sadd.s32 s2, s17  }
0x8e: {  	[smem:$0x3FC6] =	sst s2  }
0x8f: {  	_ = 	snop  }
0x90: {  	s2 =	sld [smem:$0x3FD0];
	(tm) =	ssettm $0x1  }
0x91: {  	s18 =	sld [smem:$0x3FFB];
	_ =	sdelay $0x3  }
0x92: {  	_ =	strace s18  }
0x93: {  	s3 =	sld [smem:$0x3FFC];
	_ =	sdelay $0x3  }
0x94: {  	_ =	strace s3  }
0x95: {  	s3 =	sld [smem:$0x3FFD];
	_ =	sdelay $0x3  }
0x96: {  	_ =	strace s3  }
0x97: {  	_ =	strace $0x8FFFFFFF  }
0x98: {  	s19 =	sld [smem:$0x3FDB];
	_ =	sdelay $0x1  }
0x99: {  	s4 =	simm.s32 $_scs_section_size  }
0x9a: {  	s5 =	simm.s32 $_size__tile_overlayer_lowered;
	s6 =	simm.s32 $_tile_overlayer_lowered  }
0x9b: {  	s22 =	simm.s32 $0x1BFF;
	s21 =	sshll.u32 s6, $0x1;
	s3 =	sadd.s32 s4, s19  }
0x9c: {  	s7 =	simm.s32 $0x0;
	s20 =	sshll.u32 s5, $0x1;
	s5 =	sadd.s32 s21, s3  }
0x9d: {  	[timem:s7], [sflag:s22] =	dma.local [hbm:s5], s20  }
0x9e: {  	_ =	swait.ge [sflag:s22], s20  }
0x9f: {  	s4 =	ssub.s32 $0x0, s20;
	[sflag:s22] =	ssyncset.done $0x0  }
0xa0: {  	[sflag:s22] =	ssyncadd.s32 s4;
	_ =	sdelay $0x1  }
0xa1: {  	s23 =	simm.s32 $0x1B8B  }
0xa2: {  	_ =	swait.ge [sflag:s23], $0x1  }
0xa3: {  	[sflag:s23] =	ssyncset.done $0x0  }
0xa4: {  	s25 =	simm.s32 $0x1B8E;
	s24 =	sld [smem:$0x3FFE];
	[sflag:s23] =	ssyncadd.s32 $0xFFFFFFFF  }
0xa5: {  	s26 =	simm.s32 $execute0_lowered;
	[smem:$0x3FD2] =	sst s25  }
0xa6: {  	s5 =	sshll.u32 s26, $0x1;
	_ =	strace $0x80000046;
	[dreg:$0x1] =	wrdreg $0xFFFFFFFF  }
0xa7: {  	s28 =	simm.s32 $_size_execute0_lowered;
	s3 =	sadd.s32 s3, s5;
	[dreg:$0x0] =	wrdreg $0x0  }
0xa8: {  	s5 =	sshll.u32 s28, $0x1;
	[dreg:$0x2] =	wrdreg s3  }
0xa9: {  	[dreg:$0x3] =	wrdreg s5  }
0xaa: {  	[dreg:$0x4] =	wrdreg $0xC0  }
0xab: {  	_ =	task [dreg:s7], $0x5FFFF  }
0xac: {  	[dreg:$0x1] =	wrdreg $0xFFFFFFFF  }
0xad: {  	[dreg:$0x0] =	wrdreg $0x60  }
0xae: {  	[dreg:$0x2] =	wrdreg s24  }
0xaf: {  	[dreg:$0x3] =	wrdreg s2  }
0xb0: {  	[dreg:$0x4] =	wrdreg $0x9  }
0xb1: {  	_ =	task.clear_ibuf [dreg:s7], $0x5FFFF;
	_ =	strace $0x90000046  }
0xb2: {  	s29 =	simm.s32 $0x9;
	_ =	strace $0x80000048  }
0xb3: {  	_ =	swait.ge [sflag:s29], $0x1  }
0xb4: {  	[sflag:s29] =	ssyncadd.s32 $0xFFFFFFFF  }
0xb5: {  	_ =	strace $0x90000048  }
0xb6: {  	_ =	sfence  }
0xb7: {  	s30 =	sld [smem:$0x0];
	_ =	sdelay $0x2  }
0xb8: {  	s31 =	sshll.u32 s1, $0xD;
	s1 =	sshrl.u32 s1, $0x2  }
0xb9: {  	s3 =	sand.u32 $0x4000, s31;
	s1 =	sadd.s32 s1, s30  }
0xba: {  	s0 =	sor.u32 s3, s0;
	s1 =	sshll.u32 s1, $0x11  }
0xbb: {  	s0 =	sor.u32 s1, s0  }
0xbc: {  	s0 =	sadd.s32 $0x8F2B, s0  }
0xbd: {  	[sflag:s0] =	ssyncadd.remote.s32 $0x1  }
0xbe: {  	_ =	sfence.sel $0xFFFF  }
0xbf: {  	[dreg:$0x0] =	wrdreg $0xFFFFFFFF;
	(pc) =	sbr.abs _section_cstart, $3  }
0xc0: {  	[dreg:$0x1] =	wrdreg $0xFFFFFFFF  }
0xc1: {  	_ =	task.clear_ibuf [dreg:s7], $0x2FFFF;
	_ =	strace $0x9FFFFFFF  }
0xc2: {  	(tm) =	ssettm $0x7FFFFFFF  }
0xc3: {  	_ =	shalt  }
tec
execute0_lowered:
.L_overlay_start_1:
0x0: {  	(tag) =	ssettag $0x1  }
0x1: {  	v0 =	vimm.s32 $0x0;
	v1 =	vimm.s32 $0x21;
	v2 =	vimm.s32 $0x2  }
0x2: {  	v3 =	vimm.s32 $0x3;
	v4 =	vimm.s32 $0x4;
	v5 =	vimm.s32 $0x5  }
0x3: {  	s4 =	rddreg [dreg:$0x0];
	v6 =	vimm.s32 $0x6;
	v7 =	vimm.s32 $0x7;
	v8 =	vimm.s32 $0x8  }
0x4: {  	s1 =	rddreg [dreg:$0x1];
	v9 =	vimm.s32 $0x9;
	v10 =	vimm.s32 $0xA;
	v11 =	vimm.s32 $0xB  }
0x5: {  	s0 =	rddreg [dreg:$0x2];
	s2 =	simm.s32 $0x0;
	v12 =	vimm.s32 $0xC;
	v13 =	vimm.s32 $0xD;
	v14 =	vimm.s32 $0xE  }
0x6: {  	s3 =	srdreg.scid;
	v15 =	vimm.s32 $0xF;
	v16 =	vimm.s32 $0x10;
	v17 =	vimm.s32 $0x11;
	s9 =	simm.s32 $0x1;
	s10 =	simm.s32 $0x10000  }
0x7: {  	v18 =	vimm.s32 $0x12;
	v19 =	vimm.s32 $0x13;
	v20 =	vimm.s32 $0x14;
	s11 =	simm.s32 $0x0;
	[smem:$0x7FF] =	sst s2;
	s5 =	sand.u32 $0x1, s3  }
0x8: {  	v21 =	vimm.s32 $0x15;
	v22 =	vimm.s32 $0x16;
	v23 =	vimm.s32 $0x17;
	s3 =	stileid.u32;
	s4 =	sadd.s32 $0x400600, s4;
	s6 =	ssub.s32 $0x2, s5  }
0x9: {  	v24 =	vimm.s32 $0x18;
	v25 =	vimm.s32 $0x19;
	v26 =	vimm.s32 $0x1A;
	s8 =	sshll.u32 s3, $0x2;
	s5 =	sshll.u32 s5, $0x1;
	s7 =	sshrl.u32 s6, $0x1  }
0xa: {  	v27 =	vimm.s32 $0x1B;
	v28 =	vimm.s32 $0x1C;
	v29 =	vimm.s32 $0x1D;
	_ =	strace $0x80000047;
	s5 =	sor.u32 s5, s8;
	s6 =	ssub.s32 s6, s7  }
0xb: {  	v30 =	vimm.s32 $0x1E;
	v31 =	vimm.s32 $0x1F;
	v32 =	vlaneseq.u32;
	s8 =	simm.s32 $0x8000;
	s7 =	simm.s32 $0x1000;
	s6 =	smax.u32 s6, $0x1  }
.LBB2_1:
0xc: {  	s12 =	simm.s32 $0x0;
	s13 =	simm.s32 $0x0  }
.LBB2_2:
0xd: {  	s14 =	sshrl.u32 s13, $0x3;
	s15 =	sshll.u32 s13, $0x9  }
0xe: {  	s14 =	sadd.s32 s5, s14;
	s15 =	sand.u32 $0xE00, s15  }
0xf: {  	s16 =	sshll.u32 s14, $0x10;
	s17 =	sadd.s32 s4, s15  }
0x10: {  	s17 =	sadd.s32 s16, s17;
	s16 =	simm.s32 $0x0  }
0x11: {  	[tilespmem:s16], [sflag:$0x1] =	stream.strided.gather [hbm4b:s17+s7], $0x10000, s8, s7, $0x38;
	[tilespmem:$0x10800] =	vst v63  }
0x12: {  	_ =	swait.ge [sflag:s9], $0x10000  }
0x13: {  	s31 =	sand.u32 $0x7, s12;
	[sflag:s9] =	ssyncset.done $0x0  }
0x14: {  	s18 =	simm.s32 $0x0;
	s17 =	sshll.u32 s31, $0x9;
	[sflag:s9] =	ssyncadd.s32 $0xFFFF0000  }
.LBB2_3:
0x15: {  	s19 =	sshll.u32 s18, $0x7  }
0x16: {  	s20 =	sand.u32 $0x70, s16;
	s19 =	sand.u32 $0x3FFFFC00, s19  }
0x17: {  	s19 =	sor.u32 s20, s19  }
0x18: {  	v33 =	vld [tilespmem:s19+$0x0]  }
0x19: {  	v34 =	vld [tilespmem:s19+$0x80];
	_ =	sdelay $0x2  }
0x1a: {  	v35 =	vld [tilespmem:s19+$0x100];
	_ =	sdelay $0x1  }
0x1b: {  	v36 =	vand.u32 $0x7FFFFFFF, v33;
	vm0 =	vlt.f32 v34, $0.0e+00  }
0x1c: {  	vm1 =	vlt.f32 v33, $0.0e+00;
	v41 =	vand.u32 $0x7FFFFFFF, v34;
	vm0 =	vmneg vm0  }
0x1d: {  	v42 =	vsel vm1, $0x20, v0;
	vm2 =	veq.f32 v41, v36;
	vm1 =	vmand vm0, vm1  }
0x1e: {  	v38 =	vld [tilespmem:s19+$0x180];
	vm10 =	vlt.f32 v35, $0.0e+00;
	vm9 =	vgt.f32 v41, v36;
	vm1 =	vmand vm2, vm1  }
0x1f: {  	v35 =	vand.u32 $0x7FFFFFFF, v35;
	v37 =	vsel vm0, $0x1, v1;
	vm1 =	vmor vm9, vm1  }
0x20: {  	v43 =	vsel vm10, $0x22, v2;
	v33 =	vsel vm9, v41, v36;
	v34 =	vsel vm1, v37, v42  }
0x21: {  	vm11 =	veq.f32 v35, v33;
	vm1 =	vlt.u32 v43, v34  }
0x22: {  	v44 =	vld [tilespmem:s19+$0x200];
	vm12 =	vgt.f32 v35, v33;
	vm0 =	vmand vm11, vm1  }
0x23: {  	vm13 =	vlt.f32 v38, $0.0e+00;
	v45 =	vand.u32 $0x7FFFFFFF, v38;
	vm0 =	vmor vm12, vm0  }
0x24: {  	v46 =	vsel vm13, $0x23, v3;
	v33 =	vsel vm12, v35, v33;
	v34 =	vsel vm0, v43, v34  }
0x25: {  	vm14 =	veq.f32 v45, v33;
	vm1 =	vlt.u32 v46, v34  }
0x26: {  	v47 =	vld [tilespmem:s19+$0x280];
	vm2 =	vgt.f32 v45, v33;
	vm0 =	vmand vm14, vm1  }
0x27: {  	vm15 =	vlt.f32 v44, $0.0e+00;
	v48 =	vand.u32 $0x7FFFFFFF, v44;
	vm0 =	vmor vm2, vm0  }
0x28: {  	v49 =	vsel vm15, $0x24, v4;
	v33 =	vsel vm2, v45, v33;
	v34 =	vsel vm0, v46, v34  }
0x29: {  	vm4 =	veq.f32 v48, v33;
	vm1 =	vlt.u32 v49, v34  }
0x2a: {  	v50 =	vld [tilespmem:s19+$0x300];
	vm2 =	vgt.f32 v48, v33;
	vm0 =	vmand vm4, vm1  }
0x2b: {  	vm5 =	vlt.f32 v47, $0.0e+00;
	v51 =	vand.u32 $0x7FFFFFFF, v47;
	vm0 =	vmor vm2, vm0  }
0x2c: {  	v52 =	vsel vm5, $0x25, v5;
	v33 =	vsel vm2, v48, v33;
	v34 =	vsel vm0, v49, v34  }
0x2d: {  	vm6 =	veq.f32 v51, v33;
	vm1 =	vlt.u32 v52, v34  }
0x2e: {  	v53 =	vld [tilespmem:s19+$0x380];
	vm2 =	vgt.f32 v51, v33;
	vm0 =	vmand vm6, vm1  }
0x2f: {  	vm7 =	vlt.f32 v50, $0.0e+00;
	v54 =	vand.u32 $0x7FFFFFFF, v50;
	vm0 =	vmor vm2, vm0  }
0x30: {  	v55 =	vsel vm7, $0x26, v6;
	v33 =	vsel vm2, v51, v33;
	v34 =	vsel vm0, v52, v34  }
0x31: {  	vm8 =	veq.f32 v54, v33;
	vm1 =	vlt.u32 v55, v34  }
0x32: {  	v56 =	vld [tilespmem:s19+$0x1000];
	vm2 =	vgt.f32 v54, v33;
	vm0 =	vmand vm8, vm1  }
0x33: {  	v57 =	vand.u32 $0x7FFFFFFF, v53;
	vm9 =	vlt.f32 v53, $0.0e+00;
	vm0 =	vmor vm2, vm0  }
0x34: {  	v58 =	vsel vm9, $0x27, v7;
	v33 =	vsel vm2, v54, v33;
	v34 =	vsel vm0, v55, v34  }
0x35: {  	vm10 =	veq.f32 v57, v33;
	vm1 =	vlt.u32 v58, v34  }
0x36: {  	v59 =	vld [tilespmem:s19+$0x1080];
	vm2 =	vgt.f32 v57, v33;
	vm0 =	vmand vm10, vm1  }
0x37: {  	v60 =	vand.u32 $0x7FFFFFFF, v56;
	vm11 =	vlt.f32 v56, $0.0e+00;
	vm0 =	vmor vm2, vm0  }
0x38: {  	v61 =	vsel vm11, $0x28, v8;
	v33 =	vsel vm2, v57, v33;
	v34 =	vsel vm0, v58, v34  }
0x39: {  	vm12 =	veq.f32 v60, v33;
	vm1 =	vlt.u32 v61, v34  }
0x3a: {  	v62 =	vld [tilespmem:s19+$0x1100];
	vm2 =	vgt.f32 v60, v33;
	vm0 =	vmand vm12, vm1  }
0x3b: {  	v63 =	vand.u32 $0x7FFFFFFF, v59;
	vm13 =	vlt.f32 v59, $0.0e+00;
	vm0 =	vmor vm2, vm0  }
0x3c: {  	v40 =	vsel vm13, $0x29, v9;
	v33 =	vsel vm2, v60, v33;
	v34 =	vsel vm0, v61, v34  }
0x3d: {  	vm14 =	veq.f32 v63, v33;
	vm1 =	vlt.u32 v40, v34  }
0x3e: {  	v41 =	vld [tilespmem:s19+$0x1180];
	vm2 =	vgt.f32 v63, v33;
	vm0 =	vmand vm14, vm1  }
0x3f: {  	vm15 =	vlt.f32 v62, $0.0e+00;
	v42 =	vand.u32 $0x7FFFFFFF, v62;
	vm0 =	vmor vm2, vm0  }
0x40: {  	v43 =	vsel vm15, $0x2A, v10;
	v33 =	vsel vm2, v63, v33;
	v34 =	vsel vm0, v40, v34  }
0x41: {  	vm4 =	veq.f32 v42, v33;
	vm1 =	vlt.u32 v43, v34  }
0x42: {  	v44 =	vld [tilespmem:s19+$0x1200];
	vm2 =	vgt.f32 v42, v33;
	vm0 =	vmand vm4, vm1  }
0x43: {  	vm5 =	vlt.f32 v41, $0.0e+00;
	v45 =	vand.u32 $0x7FFFFFFF, v41;
	vm0 =	vmor vm2, vm0  }
0x44: {  	v46 =	vsel vm5, $0x2B, v11;
	v33 =	vsel vm2, v42, v33;
	v34 =	vsel vm0, v43, v34  }
0x45: {  	vm6 =	veq.f32 v45, v33;
	vm1 =	vlt.u32 v46, v34  }
0x46: {  	v47 =	vld [tilespmem:s19+$0x1280];
	vm2 =	vgt.f32 v45, v33;
	vm0 =	vmand vm6, vm1  }
0x47: {  	vm7 =	vlt.f32 v44, $0.0e+00;
	v48 =	vand.u32 $0x7FFFFFFF, v44;
	vm0 =	vmor vm2, vm0  }
0x48: {  	v49 =	vsel vm7, $0x2C, v12;
	v33 =	vsel vm2, v45, v33;
	v34 =	vsel vm0, v46, v34  }
0x49: {  	vm8 =	veq.f32 v48, v33;
	vm1 =	vlt.u32 v49, v34  }
0x4a: {  	v50 =	vld [tilespmem:s19+$0x1300];
	vm2 =	vgt.f32 v48, v33;
	vm0 =	vmand vm8, vm1  }
0x4b: {  	vm9 =	vlt.f32 v47, $0.0e+00;
	v51 =	vand.u32 $0x7FFFFFFF, v47;
	vm0 =	vmor vm2, vm0  }
0x4c: {  	v52 =	vsel vm9, $0x2D, v13;
	v33 =	vsel vm2, v48, v33;
	v34 =	vsel vm0, v49, v34  }
0x4d: {  	vm10 =	veq.f32 v51, v33;
	vm1 =	vlt.u32 v52, v34  }
0x4e: {  	v53 =	vld [tilespmem:s19+$0x1380];
	vm2 =	vgt.f32 v51, v33;
	vm0 =	vmand vm10, vm1  }
0x4f: {  	vm11 =	vlt.f32 v50, $0.0e+00;
	v54 =	vand.u32 $0x7FFFFFFF, v50;
	vm0 =	vmor vm2, vm0  }
0x50: {  	v55 =	vsel vm11, $0x2E, v14;
	v33 =	vsel vm2, v51, v33;
	v34 =	vsel vm0, v52, v34  }
0x51: {  	vm12 =	veq.f32 v54, v33;
	vm1 =	vlt.u32 v55, v34  }
0x52: {  	v56 =	vld [tilespmem:s19+$0x2000];
	vm2 =	vgt.f32 v54, v33;
	vm0 =	vmand vm12, vm1  }
0x53: {  	vm13 =	vlt.f32 v53, $0.0e+00;
	v57 =	vand.u32 $0x7FFFFFFF, v53;
	vm0 =	vmor vm2, vm0  }
0x54: {  	v58 =	vsel vm13, $0x2F, v15;
	v33 =	vsel vm2, v54, v33;
	v34 =	vsel vm0, v55, v34  }
0x55: {  	vm14 =	veq.f32 v57, v33;
	vm1 =	vlt.u32 v58, v34  }
0x56: {  	v59 =	vld [tilespmem:s19+$0x2080];
	vm2 =	vgt.f32 v57, v33;
	vm0 =	vmand vm14, vm1  }
0x57: {  	vm15 =	vlt.f32 v56, $0.0e+00;
	v60 =	vand.u32 $0x7FFFFFFF, v56;
	vm0 =	vmor vm2, vm0  }
0x58: {  	v61 =	vsel vm15, $0x30, v16;
	v33 =	vsel vm2, v57, v33;
	v34 =	vsel vm0, v58, v34  }
0x59: {  	vm4 =	veq.f32 v60, v33;
	vm1 =	vlt.u32 v61, v34  }
0x5a: {  	v62 =	vld [tilespmem:s19+$0x2100];
	vm2 =	vgt.f32 v60, v33;
	vm0 =	vmand vm4, vm1  }
0x5b: {  	vm5 =	vlt.f32 v59, $0.0e+00;
	v63 =	vand.u32 $0x7FFFFFFF, v59;
	vm0 =	vmor vm2, vm0  }
0x5c: {  	v40 =	vsel vm5, $0x31, v17;
	v33 =	vsel vm2, v60, v33;
	v34 =	vsel vm0, v61, v34  }
0x5d: {  	vm6 =	veq.f32 v63, v33;
	vm1 =	vlt.u32 v40, v34  }
0x5e: {  	v41 =	vld [tilespmem:s19+$0x2180];
	vm2 =	vgt.f32 v63, v33;
	vm0 =	vmand vm6, vm1  }
0x5f: {  	vm7 =	vlt.f32 v62, $0.0e+00;
	v42 =	vand.u32 $0x7FFFFFFF, v62;
	vm0 =	vmor vm2, vm0  }
0x60: {  	v43 =	vsel vm7, $0x32, v18;
	v33 =	vsel vm2, v63, v33;
	v34 =	vsel vm0, v40, v34  }
0x61: {  	vm8 =	veq.f32 v42, v33;
	vm1 =	vlt.u32 v43, v34  }
0x62: {  	v44 =	vld [tilespmem:s19+$0x2200];
	vm2 =	vgt.f32 v42, v33;
	vm0 =	vmand vm8, vm1  }
0x63: {  	vm9 =	vlt.f32 v41, $0.0e+00;
	v45 =	vand.u32 $0x7FFFFFFF, v41;
	vm0 =	vmor vm2, vm0  }
0x64: {  	v46 =	vsel vm9, $0x33, v19;
	v33 =	vsel vm2, v42, v33;
	v34 =	vsel vm0, v43, v34  }
0x65: {  	vm10 =	veq.f32 v45, v33;
	vm1 =	vlt.u32 v46, v34  }
0x66: {  	v47 =	vld [tilespmem:s19+$0x2280];
	vm2 =	vgt.f32 v45, v33;
	vm0 =	vmand vm10, vm1  }
0x67: {  	vm11 =	vlt.f32 v44, $0.0e+00;
	v48 =	vand.u32 $0x7FFFFFFF, v44;
	vm0 =	vmor vm2, vm0  }
0x68: {  	v49 =	vsel vm11, $0x34, v20;
	v33 =	vsel vm2, v45, v33;
	v34 =	vsel vm0, v46, v34  }
0x69: {  	vm12 =	veq.f32 v48, v33;
	vm1 =	vlt.u32 v49, v34  }
0x6a: {  	v50 =	vld [tilespmem:s19+$0x2300];
	vm2 =	vgt.f32 v48, v33;
	vm0 =	vmand vm12, vm1  }
0x6b: {  	vm13 =	vlt.f32 v47, $0.0e+00;
	v51 =	vand.u32 $0x7FFFFFFF, v47;
	vm0 =	vmor vm2, vm0  }
0x6c: {  	v52 =	vsel vm13, $0x35, v21;
	v33 =	vsel vm2, v48, v33;
	v34 =	vsel vm0, v49, v34  }
0x6d: {  	vm14 =	veq.f32 v51, v33;
	vm1 =	vlt.u32 v52, v34  }
0x6e: {  	v53 =	vld [tilespmem:s19+$0x2380];
	vm2 =	vgt.f32 v51, v33;
	vm0 =	vmand vm14, vm1  }
0x6f: {  	vm15 =	vlt.f32 v50, $0.0e+00;
	v54 =	vand.u32 $0x7FFFFFFF, v50;
	vm0 =	vmor vm2, vm0  }
0x70: {  	v55 =	vsel vm15, $0x36, v22;
	v33 =	vsel vm2, v51, v33;
	v34 =	vsel vm0, v52, v34  }
0x71: {  	vm4 =	veq.f32 v54, v33;
	vm1 =	vlt.u32 v55, v34  }
0x72: {  	v56 =	vld [tilespmem:s19+$0x3000];
	vm2 =	vgt.f32 v54, v33;
	vm0 =	vmand vm4, vm1  }
0x73: {  	vm5 =	vlt.f32 v53, $0.0e+00;
	v57 =	vand.u32 $0x7FFFFFFF, v53;
	vm0 =	vmor vm2, vm0  }
0x74: {  	v58 =	vsel vm5, $0x37, v23;
	v33 =	vsel vm2, v54, v33;
	v34 =	vsel vm0, v55, v34  }
0x75: {  	vm6 =	veq.f32 v57, v33;
	vm1 =	vlt.u32 v58, v34  }
0x76: {  	v59 =	vld [tilespmem:s19+$0x3080];
	vm2 =	vgt.f32 v57, v33;
	vm0 =	vmand vm6, vm1  }
0x77: {  	vm7 =	vlt.f32 v56, $0.0e+00;
	v60 =	vand.u32 $0x7FFFFFFF, v56;
	vm0 =	vmor vm2, vm0  }
0x78: {  	v61 =	vsel vm7, $0x38, v24;
	v33 =	vsel vm2, v57, v33;
	v34 =	vsel vm0, v58, v34  }
0x79: {  	vm8 =	veq.f32 v60, v33;
	vm1 =	vlt.u32 v61, v34  }
0x7a: {  	v62 =	vld [tilespmem:s19+$0x3100];
	vm2 =	vgt.f32 v60, v33;
	vm0 =	vmand vm8, vm1  }
0x7b: {  	vm9 =	vlt.f32 v59, $0.0e+00;
	v63 =	vand.u32 $0x7FFFFFFF, v59;
	vm0 =	vmor vm2, vm0  }
0x7c: {  	v40 =	vsel vm9, $0x39, v25;
	v33 =	vsel vm2, v60, v33;
	v34 =	vsel vm0, v61, v34  }
0x7d: {  	vm10 =	veq.f32 v63, v33;
	vm1 =	vlt.u32 v40, v34  }
0x7e: {  	v41 =	vld [tilespmem:s19+$0x3180];
	vm2 =	vgt.f32 v63, v33;
	vm0 =	vmand vm10, vm1  }
0x7f: {  	vm11 =	vlt.f32 v62, $0.0e+00;
	v42 =	vand.u32 $0x7FFFFFFF, v62;
	vm0 =	vmor vm2, vm0  }
0x80: {  	v43 =	vsel vm11, $0x3A, v26;
	v33 =	vsel vm2, v63, v33;
	v34 =	vsel vm0, v40, v34  }
0x81: {  	vm12 =	veq.f32 v42, v33;
	vm1 =	vlt.u32 v43, v34  }
0x82: {  	v44 =	vld [tilespmem:s19+$0x3200];
	vm2 =	vgt.f32 v42, v33;
	vm0 =	vmand vm12, vm1  }
0x83: {  	vm13 =	vlt.f32 v41, $0.0e+00;
	v45 =	vand.u32 $0x7FFFFFFF, v41;
	vm0 =	vmor vm2, vm0  }
0x84: {  	v46 =	vsel vm13, $0x3B, v27;
	v33 =	vsel vm2, v42, v33;
	v34 =	vsel vm0, v43, v34  }
0x85: {  	vm14 =	veq.f32 v45, v33;
	vm1 =	vlt.u32 v46, v34  }
0x86: {  	v47 =	vld [tilespmem:s19+$0x3280];
	vm2 =	vgt.f32 v45, v33;
	vm0 =	vmand vm14, vm1  }
0x87: {  	vm15 =	vlt.f32 v44, $0.0e+00;
	v48 =	vand.u32 $0x7FFFFFFF, v44;
	vm0 =	vmor vm2, vm0  }
0x88: {  	v49 =	vsel vm15, $0x3C, v28;
	v33 =	vsel vm2, v45, v33;
	v34 =	vsel vm0, v46, v34  }
0x89: {  	vm4 =	veq.f32 v48, v33;
	vm1 =	vlt.u32 v49, v34  }
0x8a: {  	v50 =	vld [tilespmem:s19+$0x3300];
	vm2 =	vgt.f32 v48, v33;
	vm0 =	vmand vm4, vm1  }
0x8b: {  	vm5 =	vlt.f32 v47, $0.0e+00;
	v51 =	vand.u32 $0x7FFFFFFF, v47;
	vm0 =	vmor vm2, vm0  }
0x8c: {  	v52 =	vsel vm5, $0x3D, v29;
	v33 =	vsel vm2, v48, v33;
	v34 =	vsel vm0, v49, v34  }
0x8d: {  	vm6 =	veq.f32 v51, v33;
	vm1 =	vlt.u32 v52, v34  }
0x8e: {  	v53 =	vld [tilespmem:s19+$0x3380];
	vm2 =	vgt.f32 v51, v33;
	vm0 =	vmand vm6, vm1  }
0x8f: {  	vm7 =	vlt.f32 v50, $0.0e+00;
	v54 =	vand.u32 $0x7FFFFFFF, v50;
	vm0 =	vmor vm2, vm0  }
0x90: {  	v55 =	vsel vm7, $0x3E, v30;
	v33 =	vsel vm2, v51, v33;
	v34 =	vsel vm0, v52, v34  }
0x91: {  	vm8 =	veq.f32 v54, v33;
	vm1 =	vlt.u32 v55, v34  }
0x92: {  	vm2 =	vgt.f32 v54, v33;
	vm0 =	vmand vm8, vm1  }
0x93: {  	v56 =	vand.u32 $0x7FFFFFFF, v53;
	vm9 =	vlt.f32 v53, $0.0e+00;
	vm0 =	vmor vm2, vm0  }
0x94: {  	v57 =	vsel vm9, $0x3F, v31;
	v33 =	vsel vm2, v54, v33;
	v34 =	vsel vm0, v55, v34  }
0x95: {  	vm10 =	veq.f32 v56, v33;
	vm1 =	vlt.u32 v57, v34  }
0x96: {  	vm2 =	vgt.f32 v56, v33;
	vm0 =	vmand vm10, vm1  }
0x97: {  	vm0 =	vmor vm2, vm0  }
0x98: {  	s21 =	sadd.s32 s16, s17;
	s22 =	sshll.u32 s18, $0x6;
	v34 =	vsel vm0, v57, v34  }
0x99: {  	s31 =	sand.u32 $0x3FFFFE00, s22;
	v33 =	vor.u32 s21, v32;
	v34 =	vshll.u32 v34, $0xC  }
0x9a: {  	s20 =	sor.u32 s20, s31;
	v34 =	vadd.s32 v33, v34  }
0x9b: {  	[tilespmem:s20+$0x10000] =	vst v34  }
0x9c: {  	v34 =	vld [tilespmem:s19+$0x4000]  }
0x9d: {  	v58 =	vld [tilespmem:s19+$0x4080];
	_ =	sdelay $0x1  }
0x9e: {  	v59 =	vld [tilespmem:s19+$0x4100];
	_ =	sdelay $0x2  }
0x9f: {  	v60 =	vand.u32 $0x7FFFFFFF, v34;
	vm11 =	vlt.f32 v58, $0.0e+00  }
0xa0: {  	vm12 =	vlt.f32 v34, $0.0e+00;
	v61 =	vand.u32 $0x7FFFFFFF, v58;
	vm0 =	vmneg vm11  }
0xa1: {  	vm15 =	vlt.f32 v59, $0.0e+00;
	vm13 =	veq.f32 v61, v60;
	vm1 =	vmand vm0, vm12  }
0xa2: {  	v39 =	vld [tilespmem:s19+$0x4180];
	v36 =	vand.u32 $0x7FFFFFFF, v59;
	vm14 =	vgt.f32 v61, v60;
	vm1 =	vmand vm13, vm1  }
0xa3: {  	v62 =	vsel vm12, $0x20, v0;
	v63 =	vsel vm0, $0x1, v1;
	vm1 =	vmor vm14, vm1  }
0xa4: {  	v41 =	vsel vm15, $0x22, v2;
	v34 =	vsel vm14, v61, v60;
	v35 =	vsel vm1, v63, v62  }
0xa5: {  	vm4 =	veq.f32 v36, v34;
	vm1 =	vlt.u32 v41, v35  }
0xa6: {  	v42 =	vld [tilespmem:s19+$0x4200];
	vm5 =	vgt.f32 v36, v34;
	vm0 =	vmand vm4, vm1  }
0xa7: {  	vm6 =	vlt.f32 v39, $0.0e+00;
	v43 =	vand.u32 $0x7FFFFFFF, v39;
	vm0 =	vmor vm5, vm0  }
0xa8: {  	v44 =	vsel vm6, $0x23, v3;
	v34 =	vsel vm5, v36, v34;
	v35 =	vsel vm0, v41, v35  }
0xa9: {  	vm7 =	veq.f32 v43, v34;
	vm1 =	vlt.u32 v44, v35  }
0xaa: {  	v45 =	vld [tilespmem:s19+$0x4280];
	vm2 =	vgt.f32 v43, v34;
	vm0 =	vmand vm7, vm1  }
0xab: {  	vm8 =	vlt.f32 v42, $0.0e+00;
	v46 =	vand.u32 $0x7FFFFFFF, v42;
	vm0 =	vmor vm2, vm0  }
0xac: {  	v47 =	vsel vm8, $0x24, v4;
	v34 =	vsel vm2, v43, v34;
	v35 =	vsel vm0, v44, v35  }
0xad: {  	vm9 =	veq.f32 v46, v34;
	vm1 =	vlt.u32 v47, v35  }
0xae: {  	v48 =	vld [tilespmem:s19+$0x4300];
	vm2 =	vgt.f32 v46, v34;
	vm0 =	vmand vm9, vm1  }
0xaf: {  	vm10 =	vlt.f32 v45, $0.0e+00;
	v49 =	vand.u32 $0x7FFFFFFF, v45;
	vm0 =	vmor vm2, vm0  }
0xb0: {  	v50 =	vsel vm10, $0x25, v5;
	v34 =	vsel vm2, v46, v34;
	v35 =	vsel vm0, v47, v35  }
0xb1: {  	vm11 =	veq.f32 v49, v34;
	vm1 =	vlt.u32 v50, v35  }
0xb2: {  	v51 =	vld [tilespmem:s19+$0x4380];
	vm2 =	vgt.f32 v49, v34;
	vm0 =	vmand vm11, vm1  }
0xb3: {  	v52 =	vand.u32 $0x7FFFFFFF, v48;
	vm12 =	vlt.f32 v48, $0.0e+00;
	vm0 =	vmor vm2, vm0  }
0xb4: {  	v53 =	vsel vm12, $0x26, v6;
	v34 =	vsel vm2, v49, v34;
	v35 =	vsel vm0, v50, v35  }
0xb5: {  	vm13 =	veq.f32 v52, v34;
	vm1 =	vlt.u32 v53, v35  }
0xb6: {  	v54 =	vld [tilespmem:s19+$0x5000];
	vm2 =	vgt.f32 v52, v34;
	vm0 =	vmand vm13, vm1  }
0xb7: {  	v55 =	vand.u32 $0x7FFFFFFF, v51;
	vm14 =	vlt.f32 v51, $0.0e+00;
	vm0 =	vmor vm2, vm0  }
0xb8: {  	v56 =	vsel vm14, $0x27, v7;
	v34 =	vsel vm2, v52, v34;
	v35 =	vsel vm0, v53, v35  }
0xb9: {  	vm15 =	veq.f32 v55, v34;
	vm1 =	vlt.u32 v56, v35  }
0xba: {  	v57 =	vld [tilespmem:s19+$0x5080];
	vm2 =	vgt.f32 v55, v34;
	vm0 =	vmand vm15, vm1  }
0xbb: {  	v58 =	vand.u32 $0x7FFFFFFF, v54;
	vm4 =	vlt.f32 v54, $0.0e+00;
	vm0 =	vmor vm2, vm0  }
0xbc: {  	v59 =	vsel vm4, $0x28, v8;
	v34 =	vsel vm2, v55, v34;
	v35 =	vsel vm0, v56, v35  }
0xbd: {  	vm5 =	veq.f32 v58, v34;
	vm1 =	vlt.u32 v59, v35  }
0xbe: {  	v60 =	vld [tilespmem:s19+$0x5100];
	vm2 =	vgt.f32 v58, v34;
	vm0 =	vmand vm5, vm1  }
0xbf: {  	vm6 =	vlt.f32 v57, $0.0e+00;
	v61 =	vand.u32 $0x7FFFFFFF, v57;
	vm0 =	vmor vm2, vm0  }
0xc0: {  	v62 =	vsel vm6, $0x29, v9;
	v34 =	vsel vm2, v58, v34;
	v35 =	vsel vm0, v59, v35  }
0xc1: {  	vm7 =	veq.f32 v61, v34;
	vm1 =	vlt.u32 v62, v35  }
0xc2: {  	v63 =	vld [tilespmem:s19+$0x5180];
	vm2 =	vgt.f32 v61, v34;
	vm0 =	vmand vm7, vm1  }
0xc3: {  	vm8 =	vlt.f32 v60, $0.0e+00;
	v40 =	vand.u32 $0x7FFFFFFF, v60;
	vm0 =	vmor vm2, vm0  }
0xc4: {  	v41 =	vsel vm8, $0x2A, v10;
	v34 =	vsel vm2, v61, v34;
	v35 =	vsel vm0, v62, v35  }
0xc5: {  	vm9 =	veq.f32 v40, v34;
	vm1 =	vlt.u32 v41, v35  }
0xc6: {  	v42 =	vld [tilespmem:s19+$0x5200];
	vm2 =	vgt.f32 v40, v34;
	vm0 =	vmand vm9, vm1  }
0xc7: {  	vm10 =	vlt.f32 v63, $0.0e+00;
	v43 =	vand.u32 $0x7FFFFFFF, v63;
	vm0 =	vmor vm2, vm0  }
0xc8: {  	v44 =	vsel vm10, $0x2B, v11;
	v34 =	vsel vm2, v40, v34;
	v35 =	vsel vm0, v41, v35  }
0xc9: {  	vm11 =	veq.f32 v43, v34;
	vm1 =	vlt.u32 v44, v35  }
0xca: {  	v45 =	vld [tilespmem:s19+$0x5280];
	vm2 =	vgt.f32 v43, v34;
	vm0 =	vmand vm11, vm1  }
0xcb: {  	vm12 =	vlt.f32 v42, $0.0e+00;
	v46 =	vand.u32 $0x7FFFFFFF, v42;
	vm0 =	vmor vm2, vm0  }
0xcc: {  	v47 =	vsel vm12, $0x2C, v12;
	v34 =	vsel vm2, v43, v34;
	v35 =	vsel vm0, v44, v35  }
0xcd: {  	vm13 =	veq.f32 v46, v34;
	vm1 =	vlt.u32 v47, v35  }
0xce: {  	v48 =	vld [tilespmem:s19+$0x5300];
	vm2 =	vgt.f32 v46, v34;
	vm0 =	vmand vm13, vm1  }
0xcf: {  	vm14 =	vlt.f32 v45, $0.0e+00;
	v49 =	vand.u32 $0x7FFFFFFF, v45;
	vm0 =	vmor vm2, vm0  }
0xd0: {  	v50 =	vsel vm14, $0x2D, v13;
	v34 =	vsel vm2, v46, v34;
	v35 =	vsel vm0, v47, v35  }
0xd1: {  	vm15 =	veq.f32 v49, v34;
	vm1 =	vlt.u32 v50, v35  }
0xd2: {  	v51 =	vld [tilespmem:s19+$0x5380];
	vm2 =	vgt.f32 v49, v34;
	vm0 =	vmand vm15, vm1  }
0xd3: {  	vm4 =	vlt.f32 v48, $0.0e+00;
	v52 =	vand.u32 $0x7FFFFFFF, v48;
	vm0 =	vmor vm2, vm0  }
0xd4: {  	v53 =	vsel vm4, $0x2E, v14;
	v34 =	vsel vm2, v49, v34;
	v35 =	vsel vm0, v50, v35  }
0xd5: {  	vm5 =	veq.f32 v52, v34;
	vm1 =	vlt.u32 v53, v35  }
0xd6: {  	v54 =	vld [tilespmem:s19+$0x6000];
	vm2 =	vgt.f32 v52, v34;
	vm0 =	vmand vm5, vm1  }
0xd7: {  	vm6 =	vlt.f32 v51, $0.0e+00;
	v55 =	vand.u32 $0x7FFFFFFF, v51;
	vm0 =	vmor vm2, vm0  }
0xd8: {  	v56 =	vsel vm6, $0x2F, v15;
	v34 =	vsel vm2, v52, v34;
	v35 =	vsel vm0, v53, v35  }
0xd9: {  	vm7 =	veq.f32 v55, v34;
	vm1 =	vlt.u32 v56, v35  }
0xda: {  	v57 =	vld [tilespmem:s19+$0x6080];
	vm2 =	vgt.f32 v55, v34;
	vm0 =	vmand vm7, vm1  }
0xdb: {  	vm8 =	vlt.f32 v54, $0.0e+00;
	v58 =	vand.u32 $0x7FFFFFFF, v54;
	vm0 =	vmor vm2, vm0  }
0xdc: {  	v59 =	vsel vm8, $0x30, v16;
	v34 =	vsel vm2, v55, v34;
	v35 =	vsel vm0, v56, v35  }
0xdd: {  	vm9 =	veq.f32 v58, v34;
	vm1 =	vlt.u32 v59, v35  }
0xde: {  	v60 =	vld [tilespmem:s19+$0x6100];
	vm2 =	vgt.f32 v58, v34;
	vm0 =	vmand vm9, vm1  }
0xdf: {  	vm10 =	vlt.f32 v57, $0.0e+00;
	v61 =	vand.u32 $0x7FFFFFFF, v57;
	vm0 =	vmor vm2, vm0  }
0xe0: {  	v62 =	vsel vm10, $0x31, v17;
	v34 =	vsel vm2, v58, v34;
	v35 =	vsel vm0, v59, v35  }
0xe1: {  	vm11 =	veq.f32 v61, v34;
	vm1 =	vlt.u32 v62, v35  }
0xe2: {  	v63 =	vld [tilespmem:s19+$0x6180];
	vm2 =	vgt.f32 v61, v34;
	vm0 =	vmand vm11, vm1  }
0xe3: {  	vm12 =	vlt.f32 v60, $0.0e+00;
	v40 =	vand.u32 $0x7FFFFFFF, v60;
	vm0 =	vmor vm2, vm0  }
0xe4: {  	v41 =	vsel vm12, $0x32, v18;
	v34 =	vsel vm2, v61, v34;
	v35 =	vsel vm0, v62, v35  }
0xe5: {  	vm13 =	veq.f32 v40, v34;
	vm1 =	vlt.u32 v41, v35  }
0xe6: {  	v42 =	vld [tilespmem:s19+$0x6200];
	vm2 =	vgt.f32 v40, v34;
	vm0 =	vmand vm13, vm1  }
0xe7: {  	vm14 =	vlt.f32 v63, $0.0e+00;
	v43 =	vand.u32 $0x7FFFFFFF, v63;
	vm0 =	vmor vm2, vm0  }
0xe8: {  	v44 =	vsel vm14, $0x33, v19;
	v34 =	vsel vm2, v40, v34;
	v35 =	vsel vm0, v41, v35  }
0xe9: {  	vm15 =	veq.f32 v43, v34;
	vm1 =	vlt.u32 v44, v35  }
0xea: {  	v45 =	vld [tilespmem:s19+$0x6280];
	vm2 =	vgt.f32 v43, v34;
	vm0 =	vmand vm15, vm1  }
0xeb: {  	vm4 =	vlt.f32 v42, $0.0e+00;
	v46 =	vand.u32 $0x7FFFFFFF, v42;
	vm0 =	vmor vm2, vm0  }
0xec: {  	v47 =	vsel vm4, $0x34, v20;
	v34 =	vsel vm2, v43, v34;
	v35 =	vsel vm0, v44, v35  }
0xed: {  	vm5 =	veq.f32 v46, v34;
	vm1 =	vlt.u32 v47, v35  }
0xee: {  	v48 =	vld [tilespmem:s19+$0x6300];
	vm2 =	vgt.f32 v46, v34;
	vm0 =	vmand vm5, vm1  }
0xef: {  	vm6 =	vlt.f32 v45, $0.0e+00;
	v49 =	vand.u32 $0x7FFFFFFF, v45;
	vm0 =	vmor vm2, vm0  }
0xf0: {  	v50 =	vsel vm6, $0x35, v21;
	v34 =	vsel vm2, v46, v34;
	v35 =	vsel vm0, v47, v35  }
0xf1: {  	vm7 =	veq.f32 v49, v34;
	vm1 =	vlt.u32 v50, v35  }
0xf2: {  	v51 =	vld [tilespmem:s19+$0x6380];
	vm2 =	vgt.f32 v49, v34;
	vm0 =	vmand vm7, vm1  }
0xf3: {  	vm8 =	vlt.f32 v48, $0.0e+00;
	v52 =	vand.u32 $0x7FFFFFFF, v48;
	vm0 =	vmor vm2, vm0  }
0xf4: {  	v53 =	vsel vm8, $0x36, v22;
	v34 =	vsel vm2, v49, v34;
	v35 =	vsel vm0, v50, v35  }
0xf5: {  	vm9 =	veq.f32 v52, v34;
	vm1 =	vlt.u32 v53, v35  }
0xf6: {  	v54 =	vld [tilespmem:s19+$0x7000];
	vm2 =	vgt.f32 v52, v34;
	vm0 =	vmand vm9, vm1  }
0xf7: {  	vm10 =	vlt.f32 v51, $0.0e+00;
	v55 =	vand.u32 $0x7FFFFFFF, v51;
	vm0 =	vmor vm2, vm0  }
0xf8: {  	v56 =	vsel vm10, $0x37, v23;
	v34 =	vsel vm2, v52, v34;
	v35 =	vsel vm0, v53, v35  }
0xf9: {  	vm11 =	veq.f32 v55, v34;
	vm1 =	vlt.u32 v56, v35  }
0xfa: {  	v57 =	vld [tilespmem:s19+$0x7080];
	vm2 =	vgt.f32 v55, v34;
	vm0 =	vmand vm11, vm1  }
0xfb: {  	vm12 =	vlt.f32 v54, $0.0e+00;
	v58 =	vand.u32 $0x7FFFFFFF, v54;
	vm0 =	vmor vm2, vm0  }
0xfc: {  	v59 =	vsel vm12, $0x38, v24;
	v34 =	vsel vm2, v55, v34;
	v35 =	vsel vm0, v56, v35  }
0xfd: {  	vm13 =	veq.f32 v58, v34;
	vm1 =	vlt.u32 v59, v35  }
0xfe: {  	v60 =	vld [tilespmem:s19+$0x7100];
	vm2 =	vgt.f32 v58, v34;
	vm0 =	vmand vm13, vm1  }
0xff: {  	vm14 =	vlt.f32 v57, $0.0e+00;
	v61 =	vand.u32 $0x7FFFFFFF, v57;
	vm0 =	vmor vm2, vm0  }
0x100: {  	v62 =	vsel vm14, $0x39, v25;
	v34 =	vsel vm2, v58, v34;
	v35 =	vsel vm0, v59, v35  }
0x101: {  	vm15 =	veq.f32 v61, v34;
	vm1 =	vlt.u32 v62, v35  }
0x102: {  	v63 =	vld [tilespmem:s19+$0x7180];
	vm2 =	vgt.f32 v61, v34;
	vm0 =	vmand vm15, vm1  }
0x103: {  	vm4 =	vlt.f32 v60, $0.0e+00;
	v40 =	vand.u32 $0x7FFFFFFF, v60;
	vm0 =	vmor vm2, vm0  }
0x104: {  	v41 =	vsel vm4, $0x3A, v26;
	v34 =	vsel vm2, v61, v34;
	v35 =	vsel vm0, v62, v35  }
0x105: {  	vm5 =	veq.f32 v40, v34;
	vm1 =	vlt.u32 v41, v35  }
0x106: {  	v42 =	vld [tilespmem:s19+$0x7200];
	vm2 =	vgt.f32 v40, v34;
	vm0 =	vmand vm5, vm1  }
0x107: {  	vm6 =	vlt.f32 v63, $0.0e+00;
	v43 =	vand.u32 $0x7FFFFFFF, v63;
	vm0 =	vmor vm2, vm0  }
0x108: {  	v44 =	vsel vm6, $0x3B, v27;
	v34 =	vsel vm2, v40, v34;
	v35 =	vsel vm0, v41, v35  }
0x109: {  	vm7 =	veq.f32 v43, v34;
	vm1 =	vlt.u32 v44, v35  }
0x10a: {  	v45 =	vld [tilespmem:s19+$0x7280];
	vm2 =	vgt.f32 v43, v34;
	vm0 =	vmand vm7, vm1  }
0x10b: {  	vm8 =	vlt.f32 v42, $0.0e+00;
	v46 =	vand.u32 $0x7FFFFFFF, v42;
	vm0 =	vmor vm2, vm0  }
0x10c: {  	v47 =	vsel vm8, $0x3C, v28;
	v34 =	vsel vm2, v43, v34;
	v35 =	vsel vm0, v44, v35  }
0x10d: {  	vm9 =	veq.f32 v46, v34;
	vm1 =	vlt.u32 v47, v35  }
0x10e: {  	v48 =	vld [tilespmem:s19+$0x7300];
	vm2 =	vgt.f32 v46, v34;
	vm0 =	vmand vm9, vm1  }
0x10f: {  	vm10 =	vlt.f32 v45, $0.0e+00;
	v49 =	vand.u32 $0x7FFFFFFF, v45;
	vm0 =	vmor vm2, vm0  }
0x110: {  	v50 =	vsel vm10, $0x3D, v29;
	v34 =	vsel vm2, v46, v34;
	v35 =	vsel vm0, v47, v35  }
0x111: {  	vm11 =	veq.f32 v49, v34;
	vm1 =	vlt.u32 v50, v35  }
0x112: {  	v51 =	vld [tilespmem:s19+$0x7380];
	vm2 =	vgt.f32 v49, v34;
	vm0 =	vmand vm11, vm1  }
0x113: {  	vm12 =	vlt.f32 v48, $0.0e+00;
	v52 =	vand.u32 $0x7FFFFFFF, v48;
	vm0 =	vmor vm2, vm0  }
0x114: {  	v53 =	vsel vm12, $0x3E, v30;
	v34 =	vsel vm2, v49, v34;
	v35 =	vsel vm0, v50, v35  }
0x115: {  	vm13 =	veq.f32 v52, v34;
	vm1 =	vlt.u32 v53, v35  }
0x116: {  	vm2 =	vgt.f32 v52, v34;
	vm0 =	vmand vm13, vm1  }
0x117: {  	v54 =	vand.u32 $0x7FFFFFFF, v51;
	vm14 =	vlt.f32 v51, $0.0e+00;
	vm0 =	vmor vm2, vm0  }
0x118: {  	v55 =	vsel vm14, $0x3F, v31;
	v34 =	vsel vm2, v52, v34;
	v35 =	vsel vm0, v53, v35  }
0x119: {  	vm15 =	veq.f32 v54, v34;
	vm1 =	vlt.u32 v55, v35  }
0x11a: {  	vm2 =	vgt.f32 v54, v34;
	vm0 =	vmand vm15, vm1  }
0x11b: {  	vm0 =	vmor vm2, vm0  }
0x11c: {  	v56 =	vsel vm0, v55, v35  }
0x11d: {  	v34 =	vshll.u32 v56, $0xC  }
0x11e: {  	s20 =	sadd.s32 $0x10000, s20;
	v34 =	vadd.s32 v33, v34  }
0x11f: {  	[tilespmem:s20+$0x80] =	vst v34  }
0x120: {  	v34 =	vld [tilespmem:s19+$0x8000]  }
0x121: {  	v57 =	vld [tilespmem:s19+$0x8080];
	_ =	sdelay $0x1  }
0x122: {  	v58 =	vld [tilespmem:s19+$0x8100];
	_ =	sdelay $0x2  }
0x123: {  	v59 =	vand.u32 $0x7FFFFFFF, v34;
	vm4 =	vlt.f32 v57, $0.0e+00  }
0x124: {  	vm5 =	vlt.f32 v34, $0.0e+00;
	v60 =	vand.u32 $0x7FFFFFFF, v57;
	vm0 =	vmneg vm4  }
0x125: {  	vm8 =	vlt.f32 v58, $0.0e+00;
	vm6 =	veq.f32 v60, v59;
	vm1 =	vmand vm0, vm5  }
0x126: {  	v63 =	vld [tilespmem:s19+$0x8180];
	v36 =	vand.u32 $0x7FFFFFFF, v58;
	vm7 =	vgt.f32 v60, v59;
	vm1 =	vmand vm6, vm1  }
0x127: {  	v61 =	vsel vm5, $0x20, v0;
	v62 =	vsel vm0, $0x1, v1;
	vm1 =	vmor vm7, vm1  }
0x128: {  	v41 =	vsel vm8, $0x22, v2;
	v34 =	vsel vm7, v60, v59;
	v35 =	vsel vm1, v62, v61  }
0x129: {  	vm9 =	veq.f32 v36, v34;
	vm1 =	vlt.u32 v41, v35  }
0x12a: {  	v42 =	vld [tilespmem:s19+$0x8200];
	vm10 =	vgt.f32 v36, v34;
	vm0 =	vmand vm9, vm1  }
0x12b: {  	vm11 =	vlt.f32 v63, $0.0e+00;
	v43 =	vand.u32 $0x7FFFFFFF, v63;
	vm0 =	vmor vm10, vm0  }
0x12c: {  	v44 =	vsel vm11, $0x23, v3;
	v34 =	vsel vm10, v36, v34;
	v35 =	vsel vm0, v41, v35  }
0x12d: {  	vm12 =	veq.f32 v43, v34;
	vm1 =	vlt.u32 v44, v35  }
0x12e: {  	v45 =	vld [tilespmem:s19+$0x8280];
	vm2 =	vgt.f32 v43, v34;
	vm0 =	vmand vm12, vm1  }
0x12f: {  	vm13 =	vlt.f32 v42, $0.0e+00;
	v46 =	vand.u32 $0x7FFFFFFF, v42;
	vm0 =	vmor vm2, vm0  }
0x130: {  	v47 =	vsel vm13, $0x24, v4;
	v34 =	vsel vm2, v43, v34;
	v35 =	vsel vm0, v44, v35  }
0x131: {  	vm14 =	veq.f32 v46, v34;
	vm1 =	vlt.u32 v47, v35  }
0x132: {  	v48 =	vld [tilespmem:s19+$0x8300];
	vm2 =	vgt.f32 v46, v34;
	vm0 =	vmand vm14, vm1  }
0x133: {  	vm15 =	vlt.f32 v45, $0.0e+00;
	v49 =	vand.u32 $0x7FFFFFFF, v45;
	vm0 =	vmor vm2, vm0  }
0x134: {  	v50 =	vsel vm15, $0x25, v5;
	v34 =	vsel vm2, v46, v34;
	v35 =	vsel vm0, v47, v35  }
0x135: {  	vm4 =	veq.f32 v49, v34;
	vm1 =	vlt.u32 v50, v35  }
0x136: {  	v51 =	vld [tilespmem:s19+$0x8380];
	vm2 =	vgt.f32 v49, v34;
	vm0 =	vmand vm4, vm1  }
0x137: {  	v52 =	vand.u32 $0x7FFFFFFF, v48;
	vm5 =	vlt.f32 v48, $0.0e+00;
	vm0 =	vmor vm2, vm0  }
0x138: {  	v53 =	vsel vm5, $0x26, v6;
	v34 =	vsel vm2, v49, v34;
	v35 =	vsel vm0, v50, v35  }
0x139: {  	vm6 =	veq.f32 v52, v34;
	vm1 =	vlt.u32 v53, v35  }
0x13a: {  	v54 =	vld [tilespmem:s19+$0x9000];
	vm2 =	vgt.f32 v52, v34;
	vm0 =	vmand vm6, vm1  }
0x13b: {  	v55 =	vand.u32 $0x7FFFFFFF, v51;
	vm7 =	vlt.f32 v51, $0.0e+00;
	vm0 =	vmor vm2, vm0  }
0x13c: {  	v56 =	vsel vm7, $0x27, v7;
	v34 =	vsel vm2, v52, v34;
	v35 =	vsel vm0, v53, v35  }
0x13d: {  	vm8 =	veq.f32 v55, v34;
	vm1 =	vlt.u32 v56, v35  }
0x13e: {  	v57 =	vld [tilespmem:s19+$0x9080];
	vm2 =	vgt.f32 v55, v34;
	vm0 =	vmand vm8, vm1  }
0x13f: {  	v58 =	vand.u32 $0x7FFFFFFF, v54;
	vm9 =	vlt.f32 v54, $0.0e+00;
	vm0 =	vmor vm2, vm0  }
0x140: {  	v59 =	vsel vm9, $0x28, v8;
	v34 =	vsel vm2, v55, v34;
	v35 =	vsel vm0, v56, v35  }
0x141: {  	v60 =	vld [tilespmem:s19+$0x9100];
	vm10 =	veq.f32 v58, v34;
	vm1 =	vlt.u32 v59, v35  }
0x142: {  	vm2 =	vgt.f32 v58, v34;
	vm0 =	vmand vm10, vm1  }
0x143: {  	vm11 =	vlt.f32 v57, $0.0e+00;
	v61 =	vand.u32 $0x7FFFFFFF, v57;
	vm0 =	vmor vm2, vm0  }
0x144: {  	v62 =	vsel vm11, $0x29, v9;
	v34 =	vsel vm2, v58, v34;
	v35 =	vsel vm0, v59, v35  }
0x145: {  	v63 =	vld [tilespmem:s19+$0x9180];
	vm12 =	veq.f32 v61, v34;
	vm1 =	vlt.u32 v62, v35  }
0x146: {  	vm13 =	vlt.f32 v60, $0.0e+00;
	vm2 =	vgt.f32 v61, v34;
	vm0 =	vmand vm12, vm1  }
0x147: {  	v42 =	vsel vm13, $0x2A, v10;
	vm0 =	vmor vm2, vm0  }
0x148: {  	v41 =	vand.u32 $0x7FFFFFFF, v60;
	v34 =	vsel vm2, v61, v34;
	v35 =	vsel vm0, v62, v35  }
0x149: {  	v43 =	vld [tilespmem:s19+$0x9200];
	vm14 =	veq.f32 v41, v34;
	vm1 =	vlt.u32 v42, v35  }
0x14a: {  	vm15 =	vlt.f32 v63, $0.0e+00;
	vm2 =	vgt.f32 v41, v34;
	vm0 =	vmand vm14, vm1  }
0x14b: {  	v45 =	vsel vm15, $0x2B, v11;
	vm0 =	vmor vm2, vm0  }
0x14c: {  	v44 =	vand.u32 $0x7FFFFFFF, v63;
	v34 =	vsel vm2, v41, v34;
	v35 =	vsel vm0, v42, v35  }
0x14d: {  	v46 =	vld [tilespmem:s19+$0x9280];
	vm4 =	veq.f32 v44, v34;
	vm1 =	vlt.u32 v45, v35  }
0x14e: {  	vm5 =	vlt.f32 v43, $0.0e+00;
	vm2 =	vgt.f32 v44, v34;
	vm0 =	vmand vm4, vm1  }
0x14f: {  	v48 =	vsel vm5, $0x2C, v12;
	vm0 =	vmor vm2, vm0  }
0x150: {  	v47 =	vand.u32 $0x7FFFFFFF, v43;
	v34 =	vsel vm2, v44, v34;
	v35 =	vsel vm0, v45, v35  }
0x151: {  	v49 =	vld [tilespmem:s19+$0x9300];
	vm6 =	veq.f32 v47, v34;
	vm1 =	vlt.u32 v48, v35  }
0x152: {  	vm7 =	vlt.f32 v46, $0.0e+00;
	vm2 =	vgt.f32 v47, v34;
	vm0 =	vmand vm6, vm1  }
0x153: {  	v51 =	vsel vm7, $0x2D, v13;
	vm0 =	vmor vm2, vm0  }
0x154: {  	v50 =	vand.u32 $0x7FFFFFFF, v46;
	v34 =	vsel vm2, v47, v34;
	v35 =	vsel vm0, v48, v35  }
0x155: {  	v52 =	vld [tilespmem:s19+$0x9380];
	vm8 =	veq.f32 v50, v34;
	vm1 =	vlt.u32 v51, v35  }
0x156: {  	vm9 =	vlt.f32 v49, $0.0e+00;
	vm2 =	vgt.f32 v50, v34;
	vm0 =	vmand vm8, vm1  }
0x157: {  	v54 =	vsel vm9, $0x2E, v14;
	vm0 =	vmor vm2, vm0  }
0x158: {  	v53 =	vand.u32 $0x7FFFFFFF, v49;
	v34 =	vsel vm2, v50, v34;
	v35 =	vsel vm0, v51, v35  }
0x159: {  	v55 =	vld [tilespmem:s19+$0xA000];
	vm10 =	veq.f32 v53, v34;
	vm1 =	vlt.u32 v54, v35  }
0x15a: {  	vm11 =	vlt.f32 v52, $0.0e+00;
	vm2 =	vgt.f32 v53, v34;
	vm0 =	vmand vm10, vm1  }
0x15b: {  	v57 =	vsel vm11, $0x2F, v15;
	vm0 =	vmor vm2, vm0  }
0x15c: {  	v56 =	vand.u32 $0x7FFFFFFF, v52;
	v34 =	vsel vm2, v53, v34;
	v35 =	vsel vm0, v54, v35  }
0x15d: {  	v58 =	vld [tilespmem:s19+$0xA080];
	vm12 =	veq.f32 v56, v34;
	vm1 =	vlt.u32 v57, v35  }
0x15e: {  	vm13 =	vlt.f32 v55, $0.0e+00;
	vm2 =	vgt.f32 v56, v34;
	vm0 =	vmand vm12, vm1  }
0x15f: {  	v60 =	vsel vm13, $0x30, v16;
	vm0 =	vmor vm2, vm0  }
0x160: {  	v59 =	vand.u32 $0x7FFFFFFF, v55;
	v34 =	vsel vm2, v56, v34;
	v35 =	vsel vm0, v57, v35  }
0x161: {  	vm14 =	veq.f32 v59, v34;
	vm1 =	vlt.u32 v60, v35  }
0x162: {  	v61 =	vld [tilespmem:s19+$0xA100];
	vm15 =	vlt.f32 v58, $0.0e+00;
	vm2 =	vgt.f32 v59, v34;
	vm0 =	vmand vm14, vm1  }
0x163: {  	v63 =	vsel vm15, $0x31, v17;
	vm0 =	vmor vm2, vm0  }
0x164: {  	v62 =	vand.u32 $0x7FFFFFFF, v58;
	v34 =	vsel vm2, v59, v34;
	v35 =	vsel vm0, v60, v35  }
0x165: {  	vm4 =	veq.f32 v62, v34;
	vm1 =	vlt.u32 v63, v35  }
0x166: {  	v42 =	vld [tilespmem:s19+$0xA180];
	vm2 =	vgt.f32 v62, v34;
	vm0 =	vmand vm4, vm1  }
0x167: {  	vm5 =	vlt.f32 v61, $0.0e+00;
	v43 =	vand.u32 $0x7FFFFFFF, v61;
	vm0 =	vmor vm2, vm0  }
0x168: {  	v44 =	vsel vm5, $0x32, v18;
	v34 =	vsel vm2, v62, v34;
	v35 =	vsel vm0, v63, v35  }
0x169: {  	vm6 =	veq.f32 v43, v34;
	vm1 =	vlt.u32 v44, v35  }
0x16a: {  	v45 =	vld [tilespmem:s19+$0xA200];
	vm2 =	vgt.f32 v43, v34;
	vm0 =	vmand vm6, vm1  }
0x16b: {  	vm7 =	vlt.f32 v42, $0.0e+00;
	v46 =	vand.u32 $0x7FFFFFFF, v42;
	vm0 =	vmor vm2, vm0  }
0x16c: {  	v47 =	vsel vm7, $0x33, v19;
	v34 =	vsel vm2, v43, v34;
	v35 =	vsel vm0, v44, v35  }
0x16d: {  	vm8 =	veq.f32 v46, v34;
	vm1 =	vlt.u32 v47, v35  }
0x16e: {  	v48 =	vld [tilespmem:s19+$0xA280];
	vm2 =	vgt.f32 v46, v34;
	vm0 =	vmand vm8, vm1  }
0x16f: {  	vm9 =	vlt.f32 v45, $0.0e+00;
	v49 =	vand.u32 $0x7FFFFFFF, v45;
	vm0 =	vmor vm2, vm0  }
0x170: {  	v50 =	vsel vm9, $0x34, v20;
	v34 =	vsel vm2, v46, v34;
	v35 =	vsel vm0, v47, v35  }
0x171: {  	vm10 =	veq.f32 v49, v34;
	vm1 =	vlt.u32 v50, v35  }
0x172: {  	v51 =	vld [tilespmem:s19+$0xA300];
	vm2 =	vgt.f32 v49, v34;
	vm0 =	vmand vm10, vm1  }
0x173: {  	vm11 =	vlt.f32 v48, $0.0e+00;
	v52 =	vand.u32 $0x7FFFFFFF, v48;
	vm0 =	vmor vm2, vm0  }
0x174: {  	v53 =	vsel vm11, $0x35, v21;
	v34 =	vsel vm2, v49, v34;
	v35 =	vsel vm0, v50, v35  }
0x175: {  	vm12 =	veq.f32 v52, v34;
	vm1 =	vlt.u32 v53, v35  }
0x176: {  	v54 =	vld [tilespmem:s19+$0xA380];
	vm2 =	vgt.f32 v52, v34;
	vm0 =	vmand vm12, vm1  }
0x177: {  	vm13 =	vlt.f32 v51, $0.0e+00;
	v55 =	vand.u32 $0x7FFFFFFF, v51;
	vm0 =	vmor vm2, vm0  }
0x178: {  	v56 =	vsel vm13, $0x36, v22;
	v34 =	vsel vm2, v52, v34;
	v35 =	vsel vm0, v53, v35  }
0x179: {  	vm14 =	veq.f32 v55, v34;
	vm1 =	vlt.u32 v56, v35  }
0x17a: {  	v57 =	vld [tilespmem:s19+$0xB000];
	vm2 =	vgt.f32 v55, v34;
	vm0 =	vmand vm14, vm1  }
0x17b: {  	vm15 =	vlt.f32 v54, $0.0e+00;
	v58 =	vand.u32 $0x7FFFFFFF, v54;
	vm0 =	vmor vm2, vm0  }
0x17c: {  	v59 =	vsel vm15, $0x37, v23;
	v34 =	vsel vm2, v55, v34;
	v35 =	vsel vm0, v56, v35  }
0x17d: {  	vm4 =	veq.f32 v58, v34;
	vm1 =	vlt.u32 v59, v35  }
0x17e: {  	v60 =	vld [tilespmem:s19+$0xB080];
	vm2 =	vgt.f32 v58, v34;
	vm0 =	vmand vm4, vm1  }
0x17f: {  	vm5 =	vlt.f32 v57, $0.0e+00;
	v61 =	vand.u32 $0x7FFFFFFF, v57;
	vm0 =	vmor vm2, vm0  }
0x180: {  	v62 =	vsel vm5, $0x38, v24;
	v34 =	vsel vm2, v58, v34;
	v35 =	vsel vm0, v59, v35  }
0x181: {  	vm6 =	veq.f32 v61, v34;
	vm1 =	vlt.u32 v62, v35  }
0x182: {  	v63 =	vld [tilespmem:s19+$0xB100];
	vm2 =	vgt.f32 v61, v34;
	vm0 =	vmand vm6, vm1  }
0x183: {  	vm7 =	vlt.f32 v60, $0.0e+00;
	v42 =	vand.u32 $0x7FFFFFFF, v60;
	vm0 =	vmor vm2, vm0  }
0x184: {  	v43 =	vsel vm7, $0x39, v25;
	v34 =	vsel vm2, v61, v34;
	v35 =	vsel vm0, v62, v35  }
0x185: {  	vm8 =	veq.f32 v42, v34;
	vm1 =	vlt.u32 v43, v35  }
0x186: {  	v44 =	vld [tilespmem:s19+$0xB180];
	vm2 =	vgt.f32 v42, v34;
	vm0 =	vmand vm8, vm1  }
0x187: {  	vm9 =	vlt.f32 v63, $0.0e+00;
	v45 =	vand.u32 $0x7FFFFFFF, v63;
	vm0 =	vmor vm2, vm0  }
0x188: {  	v46 =	vsel vm9, $0x3A, v26;
	v34 =	vsel vm2, v42, v34;
	v35 =	vsel vm0, v43, v35  }
0x189: {  	vm10 =	veq.f32 v45, v34;
	vm1 =	vlt.u32 v46, v35  }
0x18a: {  	v47 =	vld [tilespmem:s19+$0xB200];
	vm2 =	vgt.f32 v45, v34;
	vm0 =	vmand vm10, vm1  }
0x18b: {  	vm11 =	vlt.f32 v44, $0.0e+00;
	v48 =	vand.u32 $0x7FFFFFFF, v44;
	vm0 =	vmor vm2, vm0  }
0x18c: {  	v49 =	vsel vm11, $0x3B, v27;
	v34 =	vsel vm2, v45, v34;
	v35 =	vsel vm0, v46, v35  }
0x18d: {  	vm12 =	veq.f32 v48, v34;
	vm1 =	vlt.u32 v49, v35  }
0x18e: {  	v50 =	vld [tilespmem:s19+$0xB280];
	vm2 =	vgt.f32 v48, v34;
	vm0 =	vmand vm12, vm1  }
0x18f: {  	vm13 =	vlt.f32 v47, $0.0e+00;
	v51 =	vand.u32 $0x7FFFFFFF, v47;
	vm0 =	vmor vm2, vm0  }
0x190: {  	v52 =	vsel vm13, $0x3C, v28;
	v34 =	vsel vm2, v48, v34;
	v35 =	vsel vm0, v49, v35  }
0x191: {  	vm14 =	veq.f32 v51, v34;
	vm1 =	vlt.u32 v52, v35  }
0x192: {  	v53 =	vld [tilespmem:s19+$0xB300];
	vm2 =	vgt.f32 v51, v34;
	vm0 =	vmand vm14, vm1  }
0x193: {  	vm15 =	vlt.f32 v50, $0.0e+00;
	v54 =	vand.u32 $0x7FFFFFFF, v50;
	vm0 =	vmor vm2, vm0  }
0x194: {  	v55 =	vsel vm15, $0x3D, v29;
	v34 =	vsel vm2, v51, v34;
	v35 =	vsel vm0, v52, v35  }
0x195: {  	vm4 =	veq.f32 v54, v34;
	vm1 =	vlt.u32 v55, v35  }
0x196: {  	v56 =	vld [tilespmem:s19+$0xB380];
	vm2 =	vgt.f32 v54, v34;
	vm0 =	vmand vm4, vm1  }
0x197: {  	vm5 =	vlt.f32 v53, $0.0e+00;
	v57 =	vand.u32 $0x7FFFFFFF, v53;
	vm0 =	vmor vm2, vm0  }
0x198: {  	v58 =	vsel vm5, $0x3E, v30;
	v34 =	vsel vm2, v54, v34;
	v35 =	vsel vm0, v55, v35  }
0x199: {  	vm6 =	veq.f32 v57, v34;
	vm1 =	vlt.u32 v58, v35  }
0x19a: {  	vm2 =	vgt.f32 v57, v34;
	vm0 =	vmand vm6, vm1  }
0x19b: {  	vm7 =	vlt.f32 v56, $0.0e+00;
	v59 =	vand.u32 $0x7FFFFFFF, v56;
	vm0 =	vmor vm2, vm0  }
0x19c: {  	v60 =	vsel vm7, $0x3F, v31;
	v34 =	vsel vm2, v57, v34;
	v35 =	vsel vm0, v58, v35  }
0x19d: {  	vm8 =	veq.f32 v59, v34;
	vm1 =	vlt.u32 v60, v35  }
0x19e: {  	vm2 =	vgt.f32 v59, v34;
	vm0 =	vmand vm8, vm1  }
0x19f: {  	vm0 =	vmor vm2, vm0  }
0x1a0: {  	v61 =	vsel vm0, v60, v35  }
0x1a1: {  	v34 =	vshll.u32 v61, $0xC  }
0x1a2: {  	v34 =	vadd.s32 v33, v34  }
0x1a3: {  	[tilespmem:s20+$0x100] =	vst v34  }
0x1a4: {  	v34 =	vld [tilespmem:s19+$0xC000]  }
0x1a5: {  	v62 =	vld [tilespmem:s19+$0xC080];
	_ =	sdelay $0x1  }
0x1a6: {  	v63 =	vld [tilespmem:s19+$0xC100];
	_ =	sdelay $0x2  }
0x1a7: {  	v42 =	vand.u32 $0x7FFFFFFF, v34;
	vm9 =	vlt.f32 v62, $0.0e+00  }
0x1a8: {  	vm10 =	vlt.f32 v34, $0.0e+00;
	v43 =	vand.u32 $0x7FFFFFFF, v62;
	vm0 =	vmneg vm9  }
0x1a9: {  	vm13 =	vlt.f32 v63, $0.0e+00;
	vm11 =	veq.f32 v43, v42;
	vm1 =	vmand vm0, vm10  }
0x1aa: {  	v46 =	vld [tilespmem:s19+$0xC180];
	v36 =	vand.u32 $0x7FFFFFFF, v63;
	vm12 =	vgt.f32 v43, v42;
	vm1 =	vmand vm11, vm1  }
0x1ab: {  	v44 =	vsel vm10, $0x20, v0;
	v45 =	vsel vm0, $0x1, v1;
	vm1 =	vmor vm12, vm1  }
0x1ac: {  	v47 =	vsel vm13, $0x22, v2;
	v34 =	vsel vm12, v43, v42;
	v35 =	vsel vm1, v45, v44  }
0x1ad: {  	vm14 =	veq.f32 v36, v34;
	vm1 =	vlt.u32 v47, v35  }
0x1ae: {  	v48 =	vld [tilespmem:s19+$0xC200];
	vm15 =	vgt.f32 v36, v34;
	vm0 =	vmand vm14, vm1  }
0x1af: {  	vm4 =	vlt.f32 v46, $0.0e+00;
	v49 =	vand.u32 $0x7FFFFFFF, v46;
	vm0 =	vmor vm15, vm0  }
0x1b0: {  	v50 =	vsel vm4, $0x23, v3;
	v34 =	vsel vm15, v36, v34;
	v35 =	vsel vm0, v47, v35  }
0x1b1: {  	vm5 =	veq.f32 v49, v34;
	vm1 =	vlt.u32 v50, v35  }
0x1b2: {  	v51 =	vld [tilespmem:s19+$0xC280];
	vm2 =	vgt.f32 v49, v34;
	vm0 =	vmand vm5, vm1  }
0x1b3: {  	vm6 =	vlt.f32 v48, $0.0e+00;
	v52 =	vand.u32 $0x7FFFFFFF, v48;
	vm0 =	vmor vm2, vm0  }
0x1b4: {  	v53 =	vsel vm6, $0x24, v4;
	v34 =	vsel vm2, v49, v34;
	v35 =	vsel vm0, v50, v35  }
0x1b5: {  	vm7 =	veq.f32 v52, v34;
	vm1 =	vlt.u32 v53, v35  }
0x1b6: {  	v54 =	vld [tilespmem:s19+$0xC300];
	vm2 =	vgt.f32 v52, v34;
	vm0 =	vmand vm7, vm1  }
0x1b7: {  	vm8 =	vlt.f32 v51, $0.0e+00;
	v55 =	vand.u32 $0x7FFFFFFF, v51;
	vm0 =	vmor vm2, vm0  }
0x1b8: {  	v56 =	vsel vm8, $0x25, v5;
	v34 =	vsel vm2, v52, v34;
	v35 =	vsel vm0, v53, v35  }
0x1b9: {  	vm9 =	veq.f32 v55, v34;
	vm1 =	vlt.u32 v56, v35  }
0x1ba: {  	v57 =	vld [tilespmem:s19+$0xC380];
	vm2 =	vgt.f32 v55, v34;
	vm0 =	vmand vm9, vm1  }
0x1bb: {  	v58 =	vand.u32 $0x7FFFFFFF, v54;
	vm10 =	vlt.f32 v54, $0.0e+00;
	vm0 =	vmor vm2, vm0  }
0x1bc: {  	v59 =	vsel vm10, $0x26, v6;
	v34 =	vsel vm2, v55, v34;
	v35 =	vsel vm0, v56, v35  }
0x1bd: {  	vm11 =	veq.f32 v58, v34;
	vm1 =	vlt.u32 v59, v35  }
0x1be: {  	v60 =	vld [tilespmem:s19+$0xD000];
	vm2 =	vgt.f32 v58, v34;
	vm0 =	vmand vm11, vm1  }
0x1bf: {  	v61 =	vand.u32 $0x7FFFFFFF, v57;
	vm12 =	vlt.f32 v57, $0.0e+00;
	vm0 =	vmor vm2, vm0  }
0x1c0: {  	v62 =	vsel vm12, $0x27, v7;
	v34 =	vsel vm2, v58, v34;
	v35 =	vsel vm0, v59, v35  }
0x1c1: {  	vm13 =	veq.f32 v61, v34;
	vm1 =	vlt.u32 v62, v35  }
0x1c2: {  	v63 =	vld [tilespmem:s19+$0xD080];
	vm2 =	vgt.f32 v61, v34;
	vm0 =	vmand vm13, vm1  }
0x1c3: {  	v40 =	vand.u32 $0x7FFFFFFF, v60;
	vm14 =	vlt.f32 v60, $0.0e+00;
	vm0 =	vmor vm2, vm0  }
0x1c4: {  	v41 =	vsel vm14, $0x28, v8;
	v34 =	vsel vm2, v61, v34;
	v35 =	vsel vm0, v62, v35  }
0x1c5: {  	vm15 =	veq.f32 v40, v34;
	vm1 =	vlt.u32 v41, v35  }
0x1c6: {  	v42 =	vld [tilespmem:s19+$0xD100];
	vm2 =	vgt.f32 v40, v34;
	vm0 =	vmand vm15, vm1  }
0x1c7: {  	vm4 =	vlt.f32 v63, $0.0e+00;
	v43 =	vand.u32 $0x7FFFFFFF, v63;
	vm0 =	vmor vm2, vm0  }
0x1c8: {  	v44 =	vsel vm4, $0x29, v9;
	v34 =	vsel vm2, v40, v34;
	v35 =	vsel vm0, v41, v35  }
0x1c9: {  	vm5 =	veq.f32 v43, v34;
	vm1 =	vlt.u32 v44, v35  }
0x1ca: {  	v45 =	vld [tilespmem:s19+$0xD180];
	vm2 =	vgt.f32 v43, v34;
	vm0 =	vmand vm5, vm1  }
0x1cb: {  	vm6 =	vlt.f32 v42, $0.0e+00;
	v46 =	vand.u32 $0x7FFFFFFF, v42;
	vm0 =	vmor vm2, vm0  }
0x1cc: {  	v47 =	vsel vm6, $0x2A, v10;
	v34 =	vsel vm2, v43, v34;
	v35 =	vsel vm0, v44, v35  }
0x1cd: {  	vm7 =	veq.f32 v46, v34;
	vm1 =	vlt.u32 v47, v35  }
0x1ce: {  	v48 =	vld [tilespmem:s19+$0xD200];
	vm2 =	vgt.f32 v46, v34;
	vm0 =	vmand vm7, vm1  }
0x1cf: {  	vm8 =	vlt.f32 v45, $0.0e+00;
	v49 =	vand.u32 $0x7FFFFFFF, v45;
	vm0 =	vmor vm2, vm0  }
0x1d0: {  	v50 =	vsel vm8, $0x2B, v11;
	v34 =	vsel vm2, v46, v34;
	v35 =	vsel vm0, v47, v35  }
0x1d1: {  	vm9 =	veq.f32 v49, v34;
	vm1 =	vlt.u32 v50, v35  }
0x1d2: {  	v51 =	vld [tilespmem:s19+$0xD280];
	vm2 =	vgt.f32 v49, v34;
	vm0 =	vmand vm9, vm1  }
0x1d3: {  	vm10 =	vlt.f32 v48, $0.0e+00;
	v52 =	vand.u32 $0x7FFFFFFF, v48;
	vm0 =	vmor vm2, vm0  }
0x1d4: {  	v53 =	vsel vm10, $0x2C, v12;
	v34 =	vsel vm2, v49, v34;
	v35 =	vsel vm0, v50, v35  }
0x1d5: {  	vm11 =	veq.f32 v52, v34;
	vm1 =	vlt.u32 v53, v35  }
0x1d6: {  	v54 =	vld [tilespmem:s19+$0xD300];
	vm2 =	vgt.f32 v52, v34;
	vm0 =	vmand vm11, vm1  }
0x1d7: {  	vm12 =	vlt.f32 v51, $0.0e+00;
	v55 =	vand.u32 $0x7FFFFFFF, v51;
	vm0 =	vmor vm2, vm0  }
0x1d8: {  	v56 =	vsel vm12, $0x2D, v13;
	v34 =	vsel vm2, v52, v34;
	v35 =	vsel vm0, v53, v35  }
0x1d9: {  	vm13 =	veq.f32 v55, v34;
	vm1 =	vlt.u32 v56, v35  }
0x1da: {  	v57 =	vld [tilespmem:s19+$0xD380];
	vm2 =	vgt.f32 v55, v34;
	vm0 =	vmand vm13, vm1  }
0x1db: {  	vm14 =	vlt.f32 v54, $0.0e+00;
	v58 =	vand.u32 $0x7FFFFFFF, v54;
	vm0 =	vmor vm2, vm0  }
0x1dc: {  	v59 =	vsel vm14, $0x2E, v14;
	v34 =	vsel vm2, v55, v34;
	v35 =	vsel vm0, v56, v35  }
0x1dd: {  	vm15 =	veq.f32 v58, v34;
	vm1 =	vlt.u32 v59, v35  }
0x1de: {  	v60 =	vld [tilespmem:s19+$0xE000];
	vm2 =	vgt.f32 v58, v34;
	vm0 =	vmand vm15, vm1  }
0x1df: {  	vm4 =	vlt.f32 v57, $0.0e+00;
	v61 =	vand.u32 $0x7FFFFFFF, v57;
	vm0 =	vmor vm2, vm0  }
0x1e0: {  	v62 =	vsel vm4, $0x2F, v15;
	v34 =	vsel vm2, v58, v34;
	v35 =	vsel vm0, v59, v35  }
0x1e1: {  	vm5 =	veq.f32 v61, v34;
	vm1 =	vlt.u32 v62, v35  }
0x1e2: {  	v63 =	vld [tilespmem:s19+$0xE080];
	vm2 =	vgt.f32 v61, v34;
	vm0 =	vmand vm5, vm1  }
0x1e3: {  	vm6 =	vlt.f32 v60, $0.0e+00;
	v40 =	vand.u32 $0x7FFFFFFF, v60;
	vm0 =	vmor vm2, vm0  }
0x1e4: {  	v41 =	vsel vm6, $0x30, v16;
	v34 =	vsel vm2, v61, v34;
	v35 =	vsel vm0, v62, v35  }
0x1e5: {  	vm7 =	veq.f32 v40, v34;
	vm1 =	vlt.u32 v41, v35  }
0x1e6: {  	v42 =	vld [tilespmem:s19+$0xE100];
	vm2 =	vgt.f32 v40, v34;
	vm0 =	vmand vm7, vm1  }
0x1e7: {  	vm8 =	vlt.f32 v63, $0.0e+00;
	v43 =	vand.u32 $0x7FFFFFFF, v63;
	vm0 =	vmor vm2, vm0  }
0x1e8: {  	v44 =	vsel vm8, $0x31, v17;
	v34 =	vsel vm2, v40, v34;
	v35 =	vsel vm0, v41, v35  }
0x1e9: {  	vm9 =	veq.f32 v43, v34;
	vm1 =	vlt.u32 v44, v35  }
0x1ea: {  	v45 =	vld [tilespmem:s19+$0xE180];
	vm2 =	vgt.f32 v43, v34;
	vm0 =	vmand vm9, vm1  }
0x1eb: {  	vm10 =	vlt.f32 v42, $0.0e+00;
	v46 =	vand.u32 $0x7FFFFFFF, v42;
	vm0 =	vmor vm2, vm0  }
0x1ec: {  	v47 =	vsel vm10, $0x32, v18;
	v34 =	vsel vm2, v43, v34;
	v35 =	vsel vm0, v44, v35  }
0x1ed: {  	vm11 =	veq.f32 v46, v34;
	vm1 =	vlt.u32 v47, v35  }
0x1ee: {  	v48 =	vld [tilespmem:s19+$0xE200];
	vm2 =	vgt.f32 v46, v34;
	vm0 =	vmand vm11, vm1  }
0x1ef: {  	vm12 =	vlt.f32 v45, $0.0e+00;
	v49 =	vand.u32 $0x7FFFFFFF, v45;
	vm0 =	vmor vm2, vm0  }
0x1f0: {  	v50 =	vsel vm12, $0x33, v19;
	v34 =	vsel vm2, v46, v34;
	v35 =	vsel vm0, v47, v35  }
0x1f1: {  	vm13 =	veq.f32 v49, v34;
	vm1 =	vlt.u32 v50, v35  }
0x1f2: {  	v51 =	vld [tilespmem:s19+$0xE280];
	vm2 =	vgt.f32 v49, v34;
	vm0 =	vmand vm13, vm1  }
0x1f3: {  	vm14 =	vlt.f32 v48, $0.0e+00;
	v52 =	vand.u32 $0x7FFFFFFF, v48;
	vm0 =	vmor vm2, vm0  }
0x1f4: {  	v53 =	vsel vm14, $0x34, v20;
	v34 =	vsel vm2, v49, v34;
	v35 =	vsel vm0, v50, v35  }
0x1f5: {  	vm15 =	veq.f32 v52, v34;
	vm1 =	vlt.u32 v53, v35  }
0x1f6: {  	v54 =	vld [tilespmem:s19+$0xE300];
	vm2 =	vgt.f32 v52, v34;
	vm0 =	vmand vm15, vm1  }
0x1f7: {  	vm4 =	vlt.f32 v51, $0.0e+00;
	v55 =	vand.u32 $0x7FFFFFFF, v51;
	vm0 =	vmor vm2, vm0  }
0x1f8: {  	v56 =	vsel vm4, $0x35, v21;
	v34 =	vsel vm2, v52, v34;
	v35 =	vsel vm0, v53, v35  }
0x1f9: {  	vm5 =	veq.f32 v55, v34;
	vm1 =	vlt.u32 v56, v35  }
0x1fa: {  	v57 =	vld [tilespmem:s19+$0xE380];
	vm2 =	vgt.f32 v55, v34;
	vm0 =	vmand vm5, vm1  }
0x1fb: {  	vm6 =	vlt.f32 v54, $0.0e+00;
	v58 =	vand.u32 $0x7FFFFFFF, v54;
	vm0 =	vmor vm2, vm0  }
0x1fc: {  	v59 =	vsel vm6, $0x36, v22;
	v34 =	vsel vm2, v55, v34;
	v35 =	vsel vm0, v56, v35  }
0x1fd: {  	v60 =	vld [tilespmem:s19+$0xF000];
	vm7 =	veq.f32 v58, v34;
	vm1 =	vlt.u32 v59, v35  }
0x1fe: {  	vm2 =	vgt.f32 v58, v34;
	vm0 =	vmand vm7, vm1  }
0x1ff: {  	vm8 =	vlt.f32 v57, $0.0e+00;
	v61 =	vand.u32 $0x7FFFFFFF, v57;
	vm0 =	vmor vm2, vm0  }
0x200: {  	v62 =	vsel vm8, $0x37, v23;
	v34 =	vsel vm2, v58, v34;
	v35 =	vsel vm0, v59, v35  }
0x201: {  	v63 =	vld [tilespmem:s19+$0xF080];
	vm9 =	veq.f32 v61, v34;
	vm1 =	vlt.u32 v62, v35  }
0x202: {  	vm10 =	vlt.f32 v60, $0.0e+00;
	vm2 =	vgt.f32 v61, v34;
	vm0 =	vmand vm9, vm1  }
0x203: {  	v42 =	vsel vm10, $0x38, v24;
	vm0 =	vmor vm2, vm0  }
0x204: {  	v41 =	vand.u32 $0x7FFFFFFF, v60;
	v34 =	vsel vm2, v61, v34;
	v35 =	vsel vm0, v62, v35  }
0x205: {  	v43 =	vld [tilespmem:s19+$0xF100];
	vm11 =	veq.f32 v41, v34;
	vm1 =	vlt.u32 v42, v35  }
0x206: {  	vm12 =	vlt.f32 v63, $0.0e+00;
	vm2 =	vgt.f32 v41, v34;
	vm0 =	vmand vm11, vm1  }
0x207: {  	v45 =	vsel vm12, $0x39, v25;
	vm0 =	vmor vm2, vm0  }
0x208: {  	v44 =	vand.u32 $0x7FFFFFFF, v63;
	v34 =	vsel vm2, v41, v34;
	v35 =	vsel vm0, v42, v35  }
0x209: {  	v46 =	vld [tilespmem:s19+$0xF180];
	vm13 =	veq.f32 v44, v34;
	vm1 =	vlt.u32 v45, v35  }
0x20a: {  	vm14 =	vlt.f32 v43, $0.0e+00;
	vm2 =	vgt.f32 v44, v34;
	vm0 =	vmand vm13, vm1  }
0x20b: {  	v48 =	vsel vm14, $0x3A, v26;
	vm0 =	vmor vm2, vm0  }
0x20c: {  	v47 =	vand.u32 $0x7FFFFFFF, v43;
	v34 =	vsel vm2, v44, v34;
	v35 =	vsel vm0, v45, v35  }
0x20d: {  	v49 =	vld [tilespmem:s19+$0xF200];
	vm15 =	veq.f32 v47, v34;
	vm1 =	vlt.u32 v48, v35  }
0x20e: {  	vm4 =	vlt.f32 v46, $0.0e+00;
	vm2 =	vgt.f32 v47, v34;
	vm0 =	vmand vm15, vm1  }
0x20f: {  	v51 =	vsel vm4, $0x3B, v27;
	vm0 =	vmor vm2, vm0  }
0x210: {  	v50 =	vand.u32 $0x7FFFFFFF, v46;
	v34 =	vsel vm2, v47, v34;
	v35 =	vsel vm0, v48, v35  }
0x211: {  	v52 =	vld [tilespmem:s19+$0xF280];
	vm5 =	veq.f32 v50, v34;
	vm1 =	vlt.u32 v51, v35  }
0x212: {  	vm6 =	vlt.f32 v49, $0.0e+00;
	vm2 =	vgt.f32 v50, v34;
	vm0 =	vmand vm5, vm1  }
0x213: {  	v54 =	vsel vm6, $0x3C, v28;
	vm0 =	vmor vm2, vm0  }
0x214: {  	v53 =	vand.u32 $0x7FFFFFFF, v49;
	v34 =	vsel vm2, v50, v34;
	v35 =	vsel vm0, v51, v35  }
0x215: {  	v55 =	vld [tilespmem:s19+$0xF300];
	vm7 =	veq.f32 v53, v34;
	vm1 =	vlt.u32 v54, v35  }
0x216: {  	vm8 =	vlt.f32 v52, $0.0e+00;
	vm2 =	vgt.f32 v53, v34;
	vm0 =	vmand vm7, vm1  }
0x217: {  	v57 =	vsel vm8, $0x3D, v29;
	vm0 =	vmor vm2, vm0  }
0x218: {  	v56 =	vand.u32 $0x7FFFFFFF, v52;
	v34 =	vsel vm2, v53, v34;
	v35 =	vsel vm0, v54, v35  }
0x219: {  	vm9 =	veq.f32 v56, v34;
	vm1 =	vlt.u32 v57, v35  }
0x21a: {  	v58 =	vld [tilespmem:s19+$0xF380];
	vm10 =	vlt.f32 v55, $0.0e+00;
	vm2 =	vgt.f32 v56, v34;
	vm0 =	vmand vm9, vm1  }
0x21b: {  	v60 =	vsel vm10, $0x3E, v30;
	vm0 =	vmor vm2, vm0  }
0x21c: {  	v59 =	vand.u32 $0x7FFFFFFF, v55;
	v34 =	vsel vm2, v56, v34;
	v35 =	vsel vm0, v57, v35  }
0x21d: {  	vm11 =	veq.f32 v59, v34;
	vm1 =	vlt.u32 v60, v35  }
0x21e: {  	vm12 =	vgt.f32 v59, v34;
	vm0 =	vmand vm11, vm1  }
0x21f: {  	v61 =	vand.u32 $0x7FFFFFFF, v58;
	vm13 =	vlt.f32 v58, $0.0e+00;
	vm0 =	vmor vm12, vm0  }
0x220: {  	v62 =	vsel vm13, $0x3F, v31;
	v34 =	vsel vm12, v59, v34;
	v35 =	vsel vm0, v60, v35  }
0x221: {  	vm14 =	veq.f32 v61, v34;
	vm1 =	vlt.u32 v62, v35  }
0x222: {  	p0 =	sne.s32 s18, $0x1F;
	vm15 =	vgt.f32 v61, v34;
	vm0 =	vmand vm14, vm1  }
.Ltmp0:
0x223: {  	vm0 =	vmor vm15, vm0;
	(pc) =	sbr.rel @p0 .LBB2_3-.Ltmp0, $4  }
0x224: {  	v63 =	vsel vm0, v62, v35  }
0x225: {  	v34 =	vshll.u32 v63, $0xC  }
0x226: {  	v33 =	vadd.s32 v33, v34  }
0x227: {  	s16 =	sadd.s32 $0x10, s16;
	s18 =	sadd.s32 $0x1, s18;
	[tilespmem:s20+$0x180] =	vst v33  }
0x228: {  	s14 =	sshll.u32 s14, $0xE;
	s15 =	sshll.u32 s15, $0x2  }
0x229: {  	s13 =	sadd.s32 $0x1, s13;
	s14 =	sor.u32 s15, s14  }
0x22a: {  	p0 =	sne.s32 s13, $0x10;
	s14 =	sshrl.u32 s14, $0x3  }
.Ltmp1:
0x22b: {  	s14 =	sadd.s32 s1, s14;
	(pc) =	sbr.rel @p0 .LBB2_2-.Ltmp1, $4  }
0x22c: {  	[hbm4b:s14+s2] =	stream.linear.scatter [tilespmem:s10], [sflag:$0x1], $0x800, $0x38;
	[tilespmem:$0x10800] =	vst v63  }
0x22d: {  	_ =	swait.ge [sflag:s9], $0x800  }
0x22e: {  	[sflag:s9] =	ssyncset.done $0x0  }
0x22f: {  	s12 =	sadd.s32 $0x1, s12;
	[sflag:s9] =	ssyncadd.s32 $0xFFFFF800  }
0x230: {  	s11 =	sadd.s32 $0x1, s11  }
0x231: {  	p0 =	sne.s32 s11, s6  }
.Ltmp2:
0x232: {  	_ = 	snop;
	(pc) =	sbr.rel @p0 .LBB2_1-.Ltmp2, $1  }
0x233: {  	_ =	sdelay $0x3  }
0x234: {  	_ =	sfence.sel $0x180000  }
0x235: {  	[bflag:$0x0] =	sbarrier.arrive $0xFFFF  }
0x236: {  	p0 =	sne.s32 s3, $0x0;
	_ =	strace $0x90000047  }
0x237: {  	s0 =	sadd.s32 @!p0 $0x100000, s0;
	[bflag:$0x2] =	sbarrier.arrive $0xFFFF  }
0x238: {  	[sflag:s0] =	ssyncadd.tile.s32 @!p0 $0x1;
	_ =	shalt  }
.Lfunc_end2:
_tile_overlayer_lowered:
.L_overlay_start_2:
0x239: {  	(tag) =	ssettag $0x2  }
0x23a: {  	s0 =	rddreg [dreg:$0x0];
	s2 =	stileid.u32  }
0x23b: {  	s1 =	rddreg [dreg:$0x1];
	p0 =	sne.s32 s2, $0x0  }
0x23c: {  	s3 =	rddreg [dreg:$0x2];
	[bflag:$0x3] =	sbarrier.arrive $0xFFFF;
	s2 =	simm.s32 @!p0 $0x1C01  }
0x23d: {  	[timem:s3], [sflag:s2] =	dma.local @!p0 [hbm:s0], s1  }
0x23e: {  	s0 =	simm.s32 @!p0 $0x1  }
0x23f: {  	_ =	swait.ge @!p0 [sflag:s0], s1  }
0x240: {  	s1 =	ssub.s32 @!p0 $0x0, s1;
	[sflag:s0] =	ssyncset.done @!p0 $0x0  }
0x241: {  	[sflag:s0] =	ssyncadd.s32 @!p0 s1  }
0x242: {  	[bflag:$0x3] =	sbarrier.arrive $0xFFFF  }
0x243: {  	_ =	shalt  }

</sc_bundles>
